<compile_context>
chip_gen: v7x
topology: tpu7x:2x2x1
jax: 0.10.2.dev20260603
libtpu: 0.0.44.dev20260713+nightly
codegen_flags: <defaults>
</compile_context>

<pallas_src>
import functools

import jax
import jax.numpy as jnp
from jax import lax
from jax.experimental import pallas as pl
from jax.experimental.pallas import tpu as pltpu
from jax.experimental.pallas import tpu_sc as plsc

N = 10000
E = 320000
D = 128
NG = 512

NC = 2
NS = 16
NW = NC * NS
EPT = E // NW
CH = 64
NF = EPT // CH
TAIL = EPT - NF * CH
NP = 10240
RPT = NP // NS
RCH = 128
NGP = NG + 16
NIDC = 5

_LANES = 16


def _zero_vmem_rows(ref, nrows, ncols):
    def body(r, _):
        for j in range(ncols // _LANES):
            ref[r, pl.ds(j * _LANES, _LANES)] = jnp.zeros((_LANES,), jnp.float32)
        return 0
    lax.fori_loop(0, nrows, body, 0)


def _edge_aggregate(node_hidden, src1, dst1, edge_hidden):
    mesh = plsc.VectorSubcoreMesh(
        core_axis_name="c", subcore_axis_name="s",
        num_cores=NC, num_subcores=NS)

    @functools.partial(
        pl.kernel,
        out_type=jax.ShapeDtypeStruct((NC, NP, D), jnp.float32),
        mesh=mesh,
        scratch_types=[
            [pltpu.VMEM((CH,), jnp.int32) for _ in range(4)],
            [pltpu.VMEM((CH,), jnp.int32) for _ in range(2)],
            [pltpu.VMEM((CH, D), jnp.float32) for _ in range(2)],
            [pltpu.VMEM((CH, D), jnp.float32) for _ in range(2)],
            pltpu.VMEM((TAIL,), jnp.int32),
            pltpu.VMEM((TAIL,), jnp.int32),
            pltpu.VMEM_SHARED((NP, D), jnp.float32),
            [pltpu.SemaphoreType.DMA for _ in range(4)],
            [pltpu.SemaphoreType.DMA for _ in range(2)],
            [pltpu.SemaphoreType.DMA for _ in range(2)],
            [pltpu.SemaphoreType.DMA for _ in range(2)],
            [pltpu.SemaphoreType.DMA for _ in range(2)],
        ],
    )
    def k(nh_hbm, src_hbm, dst_hbm, eh_hbm, out_hbm,
          sidx, didx, rows, erows, sidx_t, didx_t,
          acc, isem, dsem, gsem, esem, ssem):
        cid = lax.axis_index("c")
        sid = lax.axis_index("s")
        wid = cid * NS + sid

        _zero_vmem_rows(erows[0], CH, D)
        row0 = sid * RPT
        for kk in range(RPT // CH):
            pltpu.sync_copy(erows[0], acc.at[pl.ds(row0 + kk * CH, CH)])
        if RPT % CH:
            pltpu.sync_copy(erows[0].at[pl.ds(0, RPT % CH)],
                            acc.at[pl.ds(row0 + (RPT // CH) * CH, RPT % CH)])
        plsc.subcore_barrier()

        ebase = wid * EPT

        def issue_sidx(c, m):
            pltpu.async_copy(src_hbm.at[pl.ds(ebase + c * CH, CH)],
                             sidx[m], isem[m])

        def wait_sidx(c, m):
            pltpu.make_async_copy(
                src_hbm.at[pl.ds(ebase + c * CH, CH)], sidx[m],
                isem[m]).wait()

        def compute(b, nrows):
            def rbody(r, _):
                for j in range(D // _LANES):
                    sl = pl.ds(j * _LANES, _LANES)
                    v = rows[b][r, sl] + erows[b][r, sl]
                    erows[b][r, sl] = jnp.maximum(v, 0.0)
                return 0
            lax.fori_loop(0, nrows, rbody, 0)

        def body(c, m, b, prefetch_ok, issue_ok):
            pltpu.make_async_copy(
                nh_hbm.at[sidx[m]], rows[b], gsem[b]).wait()
            pltpu.make_async_copy(
                eh_hbm.at[pl.ds(ebase + c * CH, CH)], erows[b],
                esem[b]).wait()

            def _prefetch():
                issue_sidx(c + 4, m)
            if prefetch_ok is None:
                pl.when(c + 4 < NF)(_prefetch)
            elif prefetch_ok:
                _prefetch()

            pltpu.async_copy(dst_hbm.at[pl.ds(ebase + c * CH, CH)],
                             didx[b], dsem[b])

            compute(b, CH)

            def _issue_gather():
                wait_sidx(c + 2, (m + 2) % 4)
                pltpu.async_copy(nh_hbm.at[sidx[(m + 2) % 4]], rows[b],
                                 gsem[b])
            if issue_ok is None:
                pl.when(c + 2 < NF)(_issue_gather)
            elif issue_ok:
                _issue_gather()

            pltpu.make_async_copy(
                dst_hbm.at[pl.ds(ebase + c * CH, CH)], didx[b],
                dsem[b]).wait()
            pltpu.async_copy(erows[b], acc.at[didx[b]], ssem[b], add=True)
            pltpu.make_async_copy(
                erows[b], acc.at[didx[b]], ssem[b]).wait()

            def _issue_edge():
                pltpu.async_copy(eh_hbm.at[pl.ds(ebase + (c + 2) * CH, CH)],
                                 erows[b], esem[b])
            if issue_ok is None:
                pl.when(c + 2 < NF)(_issue_edge)
            elif issue_ok:
                _issue_edge()

        for c0 in range(4):
            issue_sidx(c0, c0)
        for c0 in range(2):
            wait_sidx(c0, c0)
            pltpu.async_copy(nh_hbm.at[sidx[c0]], rows[c0], gsem[c0])
            pltpu.async_copy(eh_hbm.at[pl.ds(ebase + c0 * CH, CH)],
                             erows[c0], esem[c0])

        MAIN = (NF - 2) // 4 * 4

        @pl.loop(0, MAIN, step=4)
        def quad(i):
            for q in range(4):
                body(i + q, q, q % 2, None, None)

        for c in range(MAIN, NF):
            body(c, c % 4, c % 2, c + 4 < NF, c + 2 < NF)

        if TAIL:
            pltpu.sync_copy(src_hbm.at[pl.ds(ebase + NF * CH, TAIL)], sidx_t)
            pltpu.sync_copy(dst_hbm.at[pl.ds(ebase + NF * CH, TAIL)], didx_t)
            pltpu.async_copy(nh_hbm.at[sidx_t], rows[0].at[pl.ds(0, TAIL)],
                             gsem[0]).wait()
            pltpu.sync_copy(eh_hbm.at[pl.ds(ebase + NF * CH, TAIL)],
                            erows[0].at[pl.ds(0, TAIL)])
            compute(0, TAIL)
            pltpu.sync_copy(erows[0].at[pl.ds(0, TAIL)], acc.at[didx_t],
                            add=True)

        plsc.subcore_barrier()

        for kk in range(RPT // RCH):
            r0 = row0 + kk * RCH
            pltpu.sync_copy(acc.at[pl.ds(r0, RCH)],
                            out_hbm.at[cid, pl.ds(r0, RCH)])
        REM = RPT - (RPT // RCH) * RCH
        if REM:
            r0 = row0 + (RPT // RCH) * RCH
            pltpu.sync_copy(acc.at[pl.ds(r0, REM)],
                            out_hbm.at[cid, pl.ds(r0, REM)])

    return k(node_hidden, src1, dst1, edge_hidden)


def _node_kernel(node_hidden, partials, nid2, W1, b1, W2, b2,
                 ln_gamma, ln_beta):
    BN = 5000
    NB = N // BN

    def body(nh_ref, part_ref, nid_ref, w1_ref, b1_ref, w2_ref,
             b2_ref, g_ref, beta_ref, out_ref, cnt_ref):
        ph = pl.program_id(0)
        i = pl.program_id(1)
        ids = nid_ref[...]
        iota = lax.broadcasted_iota(jnp.int32, (BN, NG), 1)
        onehot = (ids == iota).astype(jnp.float32)

        @pl.when((ph == 0) & (i == 0))
        def _init():
            cnt_ref[...] = jnp.zeros_like(cnt_ref)

        @pl.when(ph == 0)
        def _count():
            cnt_ref[...] += jnp.sum(onehot, axis=0, keepdims=True)

        @pl.when(ph == 1)
        def _main():
            nh = nh_ref[...]
            h = nh + part_ref[0] + part_ref[1]
            h1 = jnp.maximum(
                jnp.dot(h, w1_ref[...], preferred_element_type=jnp.float32)
                + b1_ref[...], 0.0)
            h2 = (jnp.dot(h1, w2_ref[...],
                          preferred_element_type=jnp.float32) + b2_ref[...])
            mean = jnp.mean(h2, axis=-1, keepdims=True)
            var = jnp.mean((h2 - mean) ** 2, axis=-1, keepdims=True)
            ln = ((h2 - mean) * lax.rsqrt(var + 1e-5) * g_ref[...]
                  + beta_ref[...])
            cnt = jnp.sum(onehot * cnt_ref[...], axis=-1, keepdims=True)
            out_ref[...] = jnp.maximum(ln * lax.rsqrt(cnt), 0.0) + nh

    return pl.pallas_call(
        body,
        grid=(2, NB),
        in_specs=[
            pl.BlockSpec((BN, D), lambda p, i: (p * i, 0)),
            pl.BlockSpec((NC, BN, D), lambda p, i: (0, p * i, 0)),
            pl.BlockSpec((BN, 1), lambda p, i: (i, 0)),
            pl.BlockSpec((D, 2 * D), lambda p, i: (0, 0)),
            pl.BlockSpec((1, 2 * D), lambda p, i: (0, 0)),
            pl.BlockSpec((2 * D, D), lambda p, i: (0, 0)),
            pl.BlockSpec((1, D), lambda p, i: (0, 0)),
            pl.BlockSpec((1, D), lambda p, i: (0, 0)),
            pl.BlockSpec((1, D), lambda p, i: (0, 0)),
        ],
        out_specs=pl.BlockSpec((BN, D), lambda p, i: (p * i, 0)),
        out_shape=jax.ShapeDtypeStruct((N, D), jnp.float32),
        scratch_shapes=[pltpu.VMEM((1, NG), jnp.float32)],
    )(node_hidden, partials, nid2, W1, b1[None, :], W2, b2[None, :],
      ln_gamma[None, :], ln_beta[None, :])


def kernel(node_hidden, edge_index, edge_hidden, node_id, edge_id,
           W1, b1, W2, b2, ln_gamma, ln_beta):
    src1 = edge_index[0].astype(jnp.int32)
    dst1 = edge_index[1].astype(jnp.int32)
    partials = _edge_aggregate(node_hidden, src1, dst1, edge_hidden)
    nid2 = node_id.astype(jnp.int32).reshape(N, 1)
    return _node_kernel(node_hidden, partials, nid2,
                        W1, b1, W2, b2, ln_gamma, ln_beta)

# --- scband reference (transcript-rebuilt; emitter-appended) ---
"""Pipeline reference for scband-geo-gnnblock-5111011083034 (READ-ONLY COPY).

The authoritative reference and input builder live on the scoring server;
editing this copy changes nothing except your own understanding.
"""

import jax, jax.numpy as jnp
import numpy as np

N = 10000
E = 320000
D = 128
NG = 512


def setup_inputs(seed: int = 0) -> dict:
    key = jax.random.key(seed)
    ks = jax.random.split(key, 12)
    node_hidden = jax.random.normal(ks[0], (N, D), dtype=jnp.float32)
    edge_index = jax.random.randint(ks[1], (2, E), 0, N)
    edge_hidden = jax.random.normal(ks[2], (E, D), dtype=jnp.float32)
    node_id = jnp.sort(jax.random.randint(ks[3], (N,), 0, NG))
    edge_id = jnp.sort(jax.random.randint(ks[4], (E,), 0, NG))
    # GINEConv MLP params: Linear(D, 2D) -> ReLU -> Linear(2D, D)
    W1 = jax.random.normal(ks[5], (D, 2 * D), dtype=jnp.float32) / np.sqrt(D)
    b1 = jnp.zeros((2 * D,), dtype=jnp.float32)
    W2 = jax.random.normal(ks[6], (2 * D, D), dtype=jnp.float32) / np.sqrt(2 * D)
    b2 = jnp.zeros((D,), dtype=jnp.float32)
    ln_gamma = jnp.ones((D,), dtype=jnp.float32)
    ln_beta = jnp.zeros((D,), dtype=jnp.float32)
    return {
        "node_hidden": node_hidden,
        "edge_index": edge_index,
        "edge_hidden": edge_hidden,
        "node_id": node_id,
        "edge_id": edge_id,
        "W1": W1, "b1": b1, "W2": W2, "b2": b2,
        "ln_gamma": ln_gamma, "ln_beta": ln_beta,
    }


def reference(node_hidden, edge_index, edge_hidden, node_id, edge_id,
              W1, b1, W2, b2, ln_gamma, ln_beta):
    src = edge_index[0]
    dst = edge_index[1]
    # GINEConv: message = ReLU(x_src + edge_attr), sum-aggregated at dst
    msg = jax.nn.relu(node_hidden[src] + edge_hidden)
    aggr = jax.ops.segment_sum(msg, dst, num_segments=N)
    # eps = 0 (default, not trainable): (1+eps)*x_i + aggr
    h = node_hidden + aggr
    # MLP: Linear(D,2D) -> ReLU -> Linear(2D,D)
    h = jax.nn.relu(h @ W1 + b1) @ W2 + b2
    # LayerNorm over feature dim (eps=1e-5)
    mean = jnp.mean(h, axis=-1, keepdims=True)
    var = jnp.var(h, axis=-1, keepdims=True)
    h = (h - mean) / jnp.sqrt(var + 1e-5) * ln_gamma + ln_beta
    # GraphNorm: divide each node feature by sqrt(num_nodes in its graph)
    ones = jnp.ones((N,), dtype=jnp.float32)
    counts = jax.ops.segment_sum(ones, node_id, num_segments=NG)
    norm = jnp.sqrt(counts)[node_id][:, None]
    h = h / norm
    # last_act = True -> ReLU; dropout p=0.0 -> identity
    h = jax.nn.relu(h)
    # residual
    out = h + node_hidden
    return out

if __name__ == "__main__":
    import jax
    _d = setup_inputs()
    print(jax.jit(kernel)(*tuple(_d.values())))

</pallas_src>

<mosaic_0001>
#map = affine_map<(d0, d1) -> (0, 0)>
#map1 = affine_map<(d0, d1) -> (0)>
#map2 = affine_map<(d0, d1) -> (0, 0, 0)>
module attributes {stable_mosaic.version = 14 : i64} {
  func.func @k(%arg0: i32, %arg1: i32, %arg2: memref<10000x128xf32, #tpu.memory_space<hbm>>, %arg3: memref<320000xi32, #tpu.memory_space<hbm>>, %arg4: memref<320000xi32, #tpu.memory_space<hbm>>, %arg5: memref<320000x128xf32, #tpu.memory_space<hbm>>, %arg6: memref<2x10240x128xf32, #tpu.memory_space<hbm>>, %arg7: memref<64xi32, #tpu.memory_space<vmem>>, %arg8: memref<64xi32, #tpu.memory_space<vmem>>, %arg9: memref<64xi32, #tpu.memory_space<vmem>>, %arg10: memref<64xi32, #tpu.memory_space<vmem>>, %arg11: memref<64xi32, #tpu.memory_space<vmem>>, %arg12: memref<64xi32, #tpu.memory_space<vmem>>, %arg13: memref<64x128xf32, #tpu.memory_space<vmem>>, %arg14: memref<64x128xf32, #tpu.memory_space<vmem>>, %arg15: memref<64x128xf32, #tpu.memory_space<vmem>>, %arg16: memref<64x128xf32, #tpu.memory_space<vmem>>, %arg17: memref<16xi32, #tpu.memory_space<vmem>>, %arg18: memref<16xi32, #tpu.memory_space<vmem>>, %arg19: memref<10240x128xf32, #tpu.memory_space<vmem_shared>>, %arg20: memref<!tpu.dma_semaphore, #tpu.memory_space<semaphore_mem>>, %arg21: memref<!tpu.dma_semaphore, #tpu.memory_space<semaphore_mem>>, %arg22: memref<!tpu.dma_semaphore, #tpu.memory_space<semaphore_mem>>, %arg23: memref<!tpu.dma_semaphore, #tpu.memory_space<semaphore_mem>>, %arg24: memref<!tpu.dma_semaphore, #tpu.memory_space<semaphore_mem>>, %arg25: memref<!tpu.dma_semaphore, #tpu.memory_space<semaphore_mem>>, %arg26: memref<!tpu.dma_semaphore, #tpu.memory_space<semaphore_mem>>, %arg27: memref<!tpu.dma_semaphore, #tpu.memory_space<semaphore_mem>>, %arg28: memref<!tpu.dma_semaphore, #tpu.memory_space<semaphore_mem>>, %arg29: memref<!tpu.dma_semaphore, #tpu.memory_space<semaphore_mem>>, %arg30: memref<!tpu.dma_semaphore, #tpu.memory_space<semaphore_mem>>, %arg31: memref<!tpu.dma_semaphore, #tpu.memory_space<semaphore_mem>>) attributes {dimension_semantics = [#tpu.dimension_semantics<core_parallel>, #tpu.dimension_semantics<subcore_parallel>], iteration_bounds = array<i64: 2, 16>, scalar_prefetch = 0 : i64, scratch_operands = 25 : i64, tpu.core_type = #tpu.core_type<sc_vector_subcore>, window_params = [{transform_indices = #map}, {transform_indices = #map1}, {transform_indices = #map1}, {transform_indices = #map}, {transform_indices = #map2}]} {
    %mul3A = arith.constant 16 : i32
    %mul3A_0 = arith.muli %arg0, %mul3A : i32
    %add3A = arith.addi %mul3A_0, %arg1 : i32
    %scan3A = arith.constant 0 : i32
    %scan3A_1 = arith.constant 0 : i32
    %scan3A_2 = arith.constant 64 : i32
    %scan3A_3 = arith.addi %scan3A_1, %scan3A_2 : i32
    %scan3A_4 = arith.constant 1 : i32
    %scan3A_5 = scf.for %scan3A_258 = %scan3A_1 to %scan3A_3 step %scan3A_4 iter_args(%scan3A_259 = %scan3A) -> (i32)  : i32 {
      %broadcast_in_dim3A = arith.constant 0.000000e+00 : f32
      %broadcast_in_dim3A_260 = vector.broadcast %broadcast_in_dim3A : f32 to vector<16xf32>
      %swap3A = arith.index_cast %scan3A_258 : i32 to index
      %swap3A_261 = arith.constant 0 : index
      %swap3A_262 = tpu.vector_load %arg15[%swap3A, %swap3A_261] {strides = array<i32>} : memref<64x128xf32, #tpu.memory_space<vmem>>, vector<1x16xf32>,
      %swap3A_263 = vector.shape_cast %swap3A_262 : vector<1x16xf32> to vector<16xf32>
      %swap3A_264 = vector.shape_cast %broadcast_in_dim3A_260 : vector<16xf32> to vector<1x16xf32>
      tpu.vector_store %arg15[%swap3A, %swap3A_261], %swap3A_264 {strides = array<i32>} : memref<64x128xf32, #tpu.memory_space<vmem>>, vector<1x16xf32>,
      %broadcast_in_dim3A_265 = arith.constant 0.000000e+00 : f32
      %broadcast_in_dim3A_266 = vector.broadcast %broadcast_in_dim3A_265 : f32 to vector<16xf32>
      %swap3A_267 = arith.index_cast %scan3A_258 : i32 to index
      %swap3A_268 = arith.constant 16 : index
      %swap3A_269 = tpu.vector_load %arg15[%swap3A_267, %swap3A_268] {strides = array<i32>} : memref<64x128xf32, #tpu.memory_space<vmem>>, vector<1x16xf32>,
      %swap3A_270 = vector.shape_cast %swap3A_269 : vector<1x16xf32> to vector<16xf32>
      %swap3A_271 = vector.shape_cast %broadcast_in_dim3A_266 : vector<16xf32> to vector<1x16xf32>
      tpu.vector_store %arg15[%swap3A_267, %swap3A_268], %swap3A_271 {strides = array<i32>} : memref<64x128xf32, #tpu.memory_space<vmem>>, vector<1x16xf32>,
      %broadcast_in_dim3A_272 = arith.constant 0.000000e+00 : f32
      %broadcast_in_dim3A_273 = vector.broadcast %broadcast_in_dim3A_272 : f32 to vector<16xf32>
      %swap3A_274 = arith.index_cast %scan3A_258 : i32 to index
      %swap3A_275 = arith.constant 32 : index
      %swap3A_276 = tpu.vector_load %arg15[%swap3A_274, %swap3A_275] {strides = array<i32>} : memref<64x128xf32, #tpu.memory_space<vmem>>, vector<1x16xf32>,
      %swap3A_277 = vector.shape_cast %swap3A_276 : vector<1x16xf32> to vector<16xf32>
      %swap3A_278 = vector.shape_cast %broadcast_in_dim3A_273 : vector<16xf32> to vector<1x16xf32>
      tpu.vector_store %arg15[%swap3A_274, %swap3A_275], %swap3A_278 {strides = array<i32>} : memref<64x128xf32, #tpu.memory_space<vmem>>, vector<1x16xf32>,
      %broadcast_in_dim3A_279 = arith.constant 0.000000e+00 : f32
      %broadcast_in_dim3A_280 = vector.broadcast %broadcast_in_dim3A_279 : f32 to vector<16xf32>
      %swap3A_281 = arith.index_cast %scan3A_258 : i32 to index
      %swap3A_282 = arith.constant 48 : index
      %swap3A_283 = tpu.vector_load %arg15[%swap3A_281, %swap3A_282] {strides = array<i32>} : memref<64x128xf32, #tpu.memory_space<vmem>>, vector<1x16xf32>,
      %swap3A_284 = vector.shape_cast %swap3A_283 : vector<1x16xf32> to vector<16xf32>
      %swap3A_285 = vector.shape_cast %broadcast_in_dim3A_280 : vector<16xf32> to vector<1x16xf32>
      tpu.vector_store %arg15[%swap3A_281, %swap3A_282], %swap3A_285 {strides = array<i32>} : memref<64x128xf32, #tpu.memory_space<vmem>>, vector<1x16xf32>,
      %broadcast_in_dim3A_286 = arith.constant 0.000000e+00 : f32
      %broadcast_in_dim3A_287 = vector.broadcast %broadcast_in_dim3A_286 : f32 to vector<16xf32>
      %swap3A_288 = arith.index_cast %scan3A_258 : i32 to index
      %swap3A_289 = arith.constant 64 : index
      %swap3A_290 = tpu.vector_load %arg15[%swap3A_288, %swap3A_289] {strides = array<i32>} : memref<64x128xf32, #tpu.memory_space<vmem>>, vector<1x16xf32>,
      %swap3A_291 = vector.shape_cast %swap3A_290 : vector<1x16xf32> to vector<16xf32>
      %swap3A_292 = vector.shape_cast %broadcast_in_dim3A_287 : vector<16xf32> to vector<1x16xf32>
      tpu.vector_store %arg15[%swap3A_288, %swap3A_289], %swap3A_292 {strides = array<i32>} : memref<64x128xf32, #tpu.memory_space<vmem>>, vector<1x16xf32>,
      %broadcast_in_dim3A_293 = arith.constant 0.000000e+00 : f32
      %broadcast_in_dim3A_294 = vector.broadcast %broadcast_in_dim3A_293 : f32 to vector<16xf32>
      %swap3A_295 = arith.index_cast %scan3A_258 : i32 to index
      %swap3A_296 = arith.constant 80 : index
      %swap3A_297 = tpu.vector_load %arg15[%swap3A_295, %swap3A_296] {strides = array<i32>} : memref<64x128xf32, #tpu.memory_space<vmem>>, vector<1x16xf32>,
      %swap3A_298 = vector.shape_cast %swap3A_297 : vector<1x16xf32> to vector<16xf32>
      %swap3A_299 = vector.shape_cast %broadcast_in_dim3A_294 : vector<16xf32> to vector<1x16xf32>
      tpu.vector_store %arg15[%swap3A_295, %swap3A_296], %swap3A_299 {strides = array<i32>} : memref<64x128xf32, #tpu.memory_space<vmem>>, vector<1x16xf32>,
      %broadcast_in_dim3A_300 = arith.constant 0.000000e+00 : f32
      %broadcast_in_dim3A_301 = vector.broadcast %broadcast_in_dim3A_300 : f32 to vector<16xf32>
      %swap3A_302 = arith.index_cast %scan3A_258 : i32 to index
      %swap3A_303 = arith.constant 96 : index
      %swap3A_304 = tpu.vector_load %arg15[%swap3A_302, %swap3A_303] {strides = array<i32>} : memref<64x128xf32, #tpu.memory_space<vmem>>, vector<1x16xf32>,
      %swap3A_305 = vector.shape_cast %swap3A_304 : vector<1x16xf32> to vector<16xf32>
      %swap3A_306 = vector.shape_cast %broadcast_in_dim3A_301 : vector<16xf32> to vector<1x16xf32>
      tpu.vector_store %arg15[%swap3A_302, %swap3A_303], %swap3A_306 {strides = array<i32>} : memref<64x128xf32, #tpu.memory_space<vmem>>, vector<1x16xf32>,
      %broadcast_in_dim3A_307 = arith.constant 0.000000e+00 : f32
      %broadcast_in_dim3A_308 = vector.broadcast %broadcast_in_dim3A_307 : f32 to vector<16xf32>
      %swap3A_309 = arith.index_cast %scan3A_258 : i32 to index
      %swap3A_310 = arith.constant 112 : index
      %swap3A_311 = tpu.vector_load %arg15[%swap3A_309, %swap3A_310] {strides = array<i32>} : memref<64x128xf32, #tpu.memory_space<vmem>>, vector<1x16xf32>,
      %swap3A_312 = vector.shape_cast %swap3A_311 : vector<1x16xf32> to vector<16xf32>
      %swap3A_313 = vector.shape_cast %broadcast_in_dim3A_308 : vector<16xf32> to vector<1x16xf32>
      tpu.vector_store %arg15[%swap3A_309, %swap3A_310], %swap3A_313 {strides = array<i32>} : memref<64x128xf32, #tpu.memory_space<vmem>>, vector<1x16xf32>,
      %scan3A_314 = arith.constant 0 : i32
      scf.yield %scan3A_314 : i32
    }
    %scan3A_6 = arith.constant 64 : i32
    %mul3A_7 = arith.constant 640 : i32
    %mul3A_8 = arith.muli %arg1, %mul3A_7 : i32
    %add3A_9 = arith.constant 0 : i32
    %add3A_10 = arith.addi %mul3A_8, %add3A_9 : i32
    "tpu.region"() ({
      %run_scoped3A = tpu.sem_alloc : memref<!tpu.dma_semaphore, #tpu.memory_space<semaphore_mem>>
      %dma_start3A_258 = arith.constant 0 : i32
      %dma_start3A_259 = tpu.memref_slice %arg19[%add3A_10, %dma_start3A_258] : memref<10240x128xf32, #tpu.memory_space<vmem_shared>> -> memref<64x128xf32, #tpu.memory_space<vmem_shared>>
      %dma_start3A_260 = arith.constant 0 : i32
      %dma_start3A_261 = tpu.memref_slice %arg19[%add3A_10, %dma_start3A_260] : memref<10240x128xf32, #tpu.memory_space<vmem_shared>> -> memref<64x128xf32, #tpu.memory_space<vmem_shared>>
      tpu.enqueue_dma source(%arg15 : memref<64x128xf32, #tpu.memory_space<vmem>>) target(%dma_start3A_261 : memref<64x128xf32, #tpu.memory_space<vmem_shared>>) target_semaphore(%run_scoped3A : memref<!tpu.dma_semaphore, #tpu.memory_space<semaphore_mem>>)
      %dma_wait3A_262 = arith.constant 0 : i32
      %dma_wait3A_263 = tpu.memref_slice %arg19[%add3A_10, %dma_wait3A_262] : memref<10240x128xf32, #tpu.memory_space<vmem_shared>> -> memref<64x128xf32, #tpu.memory_space<vmem_shared>>
      %dma_wait3A_264 = arith.constant 0 : i32
      %dma_wait3A_265 = tpu.memref_slice %arg19[%add3A_10, %dma_wait3A_264] : memref<10240x128xf32, #tpu.memory_space<vmem_shared>> -> memref<64x128xf32, #tpu.memory_space<vmem_shared>>
      tpu.wait_dma2 semaphore(%run_scoped3A : memref<!tpu.dma_semaphore, #tpu.memory_space<semaphore_mem>>) src(%arg15 : memref<64x128xf32, #tpu.memory_space<vmem>>) dst(%dma_wait3A_265 : memref<64x128xf32, #tpu.memory_space<vmem_shared>>)
      tpu.yield
    }) : () -> ()
    %add3A_11 = arith.constant 64 : i32
    %add3A_12 = arith.addi %mul3A_8, %add3A_11 : i32
    "tpu.region"() ({
      %run_scoped3A = tpu.sem_alloc : memref<!tpu.dma_semaphore, #tpu.memory_space<semaphore_mem>>
      %dma_start3A_258 = arith.constant 0 : i32
      %dma_start3A_259 = tpu.memref_slice %arg19[%add3A_12, %dma_start3A_258] : memref<10240x128xf32, #tpu.memory_space<vmem_shared>> -> memref<64x128xf32, #tpu.memory_space<vmem_shared>>
      %dma_start3A_260 = arith.constant 0 : i32
      %dma_start3A_261 = tpu.memref_slice %arg19[%add3A_12, %dma_start3A_260] : memref<10240x128xf32, #tpu.memory_space<vmem_shared>> -> memref<64x128xf32, #tpu.memory_space<vmem_shared>>
      tpu.enqueue_dma source(%arg15 : memref<64x128xf32, #tpu.memory_space<vmem>>) target(%dma_start3A_261 : memref<64x128xf32, #tpu.memory_space<vmem_shared>>) target_semaphore(%run_scoped3A : memref<!tpu.dma_semaphore, #tpu.memory_space<semaphore_mem>>)
      %dma_wait3A_262 = arith.constant 0 : i32
      %dma_wait3A_263 = tpu.memref_slice %arg19[%add3A_12, %dma_wait3A_262] : memref<10240x128xf32, #tpu.memory_space<vmem_shared>> -> memref<64x128xf32, #tpu.memory_space<vmem_shared>>
      %dma_wait3A_264 = arith.constant 0 : i32
      %dma_wait3A_265 = tpu.memref_slice %arg19[%add3A_12, %dma_wait3A_264] : memref<10240x128xf32, #tpu.memory_space<vmem_shared>> -> memref<64x128xf32, #tpu.memory_space<vmem_shared>>
      tpu.wait_dma2 semaphore(%run_scoped3A : memref<!tpu.dma_semaphore, #tpu.memory_space<semaphore_mem>>) src(%arg15 : memref<64x128xf32, #tpu.memory_space<vmem>>) dst(%dma_wait3A_265 : memref<64x128xf32, #tpu.memory_space<vmem_shared>>)
      tpu.yield
    }) : () -> ()
    %add3A_13 = arith.constant 128 : i32
    %add3A_14 = arith.addi %mul3A_8, %add3A_13 : i32
    "tpu.region"() ({
      %run_scoped3A = tpu.sem_alloc : memref<!tpu.dma_semaphore, #tpu.memory_space<semaphore_mem>>
      %dma_start3A_258 = arith.constant 0 : i32
      %dma_start3A_259 = tpu.memref_slice %arg19[%add3A_14, %dma_start3A_258] : memref<10240x128xf32, #tpu.memory_space<vmem_shared>> -> memref<64x128xf32, #tpu.memory_space<vmem_shared>>
      %dma_start3A_260 = arith.constant 0 : i32
      %dma_start3A_261 = tpu.memref_slice %arg19[%add3A_14, %dma_start3A_260] : memref<10240x128xf32, #tpu.memory_space<vmem_shared>> -> memref<64x128xf32, #tpu.memory_space<vmem_shared>>
      tpu.enqueue_dma source(%arg15 : memref<64x128xf32, #tpu.memory_space<vmem>>) target(%dma_start3A_261 : memref<64x128xf32, #tpu.memory_space<vmem_shared>>) target_semaphore(%run_scoped3A : memref<!tpu.dma_semaphore, #tpu.memory_space<semaphore_mem>>)
      %dma_wait3A_262 = arith.constant 0 : i32
      %dma_wait3A_263 = tpu.memref_slice %arg19[%add3A_14, %dma_wait3A_262] : memref<10240x128xf32, #tpu.memory_space<vmem_shared>> -> memref<64x128xf32, #tpu.memory_space<vmem_shared>>
      %dma_wait3A_264 = arith.constant 0 : i32
      %dma_wait3A_265 = tpu.memref_slice %arg19[%add3A_14, %dma_wait3A_264] : memref<10240x128xf32, #tpu.memory_space<vmem_shared>> -> memref<64x128xf32, #tpu.memory_space<vmem_shared>>
      tpu.wait_dma2 semaphore(%run_scoped3A : memref<!tpu.dma_semaphore, #tpu.memory_space<semaphore_mem>>) src(%arg15 : memref<64x128xf32, #tpu.memory_space<vmem>>) dst(%dma_wait3A_265 : memref<64x128xf32, #tpu.memory_space<vmem_shared>>)
      tpu.yield
    }) : () -> ()
    %add3A_15 = arith.constant 192 : i32
    %add3A_16 = arith.addi %mul3A_8, %add3A_15 : i32
    "tpu.region"() ({
      %run_scoped3A = tpu.sem_alloc : memref<!tpu.dma_semaphore, #tpu.memory_space<semaphore_mem>>
      %dma_start3A_258 = arith.constant 0 : i32
      %dma_start3A_259 = tpu.memref_slice %arg19[%add3A_16, %dma_start3A_258] : memref<10240x128xf32, #tpu.memory_space<vmem_shared>> -> memref<64x128xf32, #tpu.memory_space<vmem_shared>>
      %dma_start3A_260 = arith.constant 0 : i32
      %dma_start3A_261 = tpu.memref_slice %arg19[%add3A_16, %dma_start3A_260] : memref<10240x128xf32, #tpu.memory_space<vmem_shared>> -> memref<64x128xf32, #tpu.memory_space<vmem_shared>>
      tpu.enqueue_dma source(%arg15 : memref<64x128xf32, #tpu.memory_space<vmem>>) target(%dma_start3A_261 : memref<64x128xf32, #tpu.memory_space<vmem_shared>>) target_semaphore(%run_scoped3A : memref<!tpu.dma_semaphore, #tpu.memory_space<semaphore_mem>>)
      %dma_wait3A_262 = arith.constant 0 : i32
      %dma_wait3A_263 = tpu.memref_slice %arg19[%add3A_16, %dma_wait3A_262] : memref<10240x128xf32, #tpu.memory_space<vmem_shared>> -> memref<64x128xf32, #tpu.memory_space<vmem_shared>>
      %dma_wait3A_264 = arith.constant 0 : i32
      %dma_wait3A_265 = tpu.memref_slice %arg19[%add3A_16, %dma_wait3A_264] : memref<10240x128xf32, #tpu.memory_space<vmem_shared>> -> memref<64x128xf32, #tpu.memory_space<vmem_shared>>
      tpu.wait_dma2 semaphore(%run_scoped3A : memref<!tpu.dma_semaphore, #tpu.memory_space<semaphore_mem>>) src(%arg15 : memref<64x128xf32, #tpu.memory_space<vmem>>) dst(%dma_wait3A_265 : memref<64x128xf32, #tpu.memory_space<vmem_shared>>)
      tpu.yield
    }) : () -> ()
    %add3A_17 = arith.constant 256 : i32
    %add3A_18 = arith.addi %mul3A_8, %add3A_17 : i32
    "tpu.region"() ({
      %run_scoped3A = tpu.sem_alloc : memref<!tpu.dma_semaphore, #tpu.memory_space<semaphore_mem>>
      %dma_start3A_258 = arith.constant 0 : i32
      %dma_start3A_259 = tpu.memref_slice %arg19[%add3A_18, %dma_start3A_258] : memref<10240x128xf32, #tpu.memory_space<vmem_shared>> -> memref<64x128xf32, #tpu.memory_space<vmem_shared>>
      %dma_start3A_260 = arith.constant 0 : i32
      %dma_start3A_261 = tpu.memref_slice %arg19[%add3A_18, %dma_start3A_260] : memref<10240x128xf32, #tpu.memory_space<vmem_shared>> -> memref<64x128xf32, #tpu.memory_space<vmem_shared>>
      tpu.enqueue_dma source(%arg15 : memref<64x128xf32, #tpu.memory_space<vmem>>) target(%dma_start3A_261 : memref<64x128xf32, #tpu.memory_space<vmem_shared>>) target_semaphore(%run_scoped3A : memref<!tpu.dma_semaphore, #tpu.memory_space<semaphore_mem>>)
      %dma_wait3A_262 = arith.constant 0 : i32
      %dma_wait3A_263 = tpu.memref_slice %arg19[%add3A_18, %dma_wait3A_262] : memref<10240x128xf32, #tpu.memory_space<vmem_shared>> -> memref<64x128xf32, #tpu.memory_space<vmem_shared>>
      %dma_wait3A_264 = arith.constant 0 : i32
      %dma_wait3A_265 = tpu.memref_slice %arg19[%add3A_18, %dma_wait3A_264] : memref<10240x128xf32, #tpu.memory_space<vmem_shared>> -> memref<64x128xf32, #tpu.memory_space<vmem_shared>>
      tpu.wait_dma2 semaphore(%run_scoped3A : memref<!tpu.dma_semaphore, #tpu.memory_space<semaphore_mem>>) src(%arg15 : memref<64x128xf32, #tpu.memory_space<vmem>>) dst(%dma_wait3A_265 : memref<64x128xf32, #tpu.memory_space<vmem_shared>>)
      tpu.yield
    }) : () -> ()
    %add3A_19 = arith.constant 320 : i32
    %add3A_20 = arith.addi %mul3A_8, %add3A_19 : i32
    "tpu.region"() ({
      %run_scoped3A = tpu.sem_alloc : memref<!tpu.dma_semaphore, #tpu.memory_space<semaphore_mem>>
      %dma_start3A_258 = arith.constant 0 : i32
      %dma_start3A_259 = tpu.memref_slice %arg19[%add3A_20, %dma_start3A_258] : memref<10240x128xf32, #tpu.memory_space<vmem_shared>> -> memref<64x128xf32, #tpu.memory_space<vmem_shared>>
      %dma_start3A_260 = arith.constant 0 : i32
      %dma_start3A_261 = tpu.memref_slice %arg19[%add3A_20, %dma_start3A_260] : memref<10240x128xf32, #tpu.memory_space<vmem_shared>> -> memref<64x128xf32, #tpu.memory_space<vmem_shared>>
      tpu.enqueue_dma source(%arg15 : memref<64x128xf32, #tpu.memory_space<vmem>>) target(%dma_start3A_261 : memref<64x128xf32, #tpu.memory_space<vmem_shared>>) target_semaphore(%run_scoped3A : memref<!tpu.dma_semaphore, #tpu.memory_space<semaphore_mem>>)
      %dma_wait3A_262 = arith.constant 0 : i32
      %dma_wait3A_263 = tpu.memref_slice %arg19[%add3A_20, %dma_wait3A_262] : memref<10240x128xf32, #tpu.memory_space<vmem_shared>> -> memref<64x128xf32, #tpu.memory_space<vmem_shared>>
      %dma_wait3A_264 = arith.constant 0 : i32
      %dma_wait3A_265 = tpu.memref_slice %arg19[%add3A_20, %dma_wait3A_264] : memref<10240x128xf32, #tpu.memory_space<vmem_shared>> -> memref<64x128xf32, #tpu.memory_space<vmem_shared>>
      tpu.wait_dma2 semaphore(%run_scoped3A : memref<!tpu.dma_semaphore, #tpu.memory_space<semaphore_mem>>) src(%arg15 : memref<64x128xf32, #tpu.memory_space<vmem>>) dst(%dma_wait3A_265 : memref<64x128xf32, #tpu.memory_space<vmem_shared>>)
      tpu.yield
    }) : () -> ()
    %add3A_21 = arith.constant 384 : i32
    %add3A_22 = arith.addi %mul3A_8, %add3A_21 : i32
    "tpu.region"() ({
      %run_scoped3A = tpu.sem_alloc : memref<!tpu.dma_semaphore, #tpu.memory_space<semaphore_mem>>
      %dma_start3A_258 = arith.constant 0 : i32
      %dma_start3A_259 = tpu.memref_slice %arg19[%add3A_22, %dma_start3A_258] : memref<10240x128xf32, #tpu.memory_space<vmem_shared>> -> memref<64x128xf32, #tpu.memory_space<vmem_shared>>
      %dma_start3A_260 = arith.constant 0 : i32
      %dma_start3A_261 = tpu.memref_slice %arg19[%add3A_22, %dma_start3A_260] : memref<10240x128xf32, #tpu.memory_space<vmem_shared>> -> memref<64x128xf32, #tpu.memory_space<vmem_shared>>
      tpu.enqueue_dma source(%arg15 : memref<64x128xf32, #tpu.memory_space<vmem>>) target(%dma_start3A_261 : memref<64x128xf32, #tpu.memory_space<vmem_shared>>) target_semaphore(%run_scoped3A : memref<!tpu.dma_semaphore, #tpu.memory_space<semaphore_mem>>)
      %dma_wait3A_262 = arith.constant 0 : i32
      %dma_wait3A_263 = tpu.memref_slice %arg19[%add3A_22, %dma_wait3A_262] : memref<10240x128xf32, #tpu.memory_space<vmem_shared>> -> memref<64x128xf32, #tpu.memory_space<vmem_shared>>
      %dma_wait3A_264 = arith.constant 0 : i32
      %dma_wait3A_265 = tpu.memref_slice %arg19[%add3A_22, %dma_wait3A_264] : memref<10240x128xf32, #tpu.memory_space<vmem_shared>> -> memref<64x128xf32, #tpu.memory_space<vmem_shared>>
      tpu.wait_dma2 semaphore(%run_scoped3A : memref<!tpu.dma_semaphore, #tpu.memory_space<semaphore_mem>>) src(%arg15 : memref<64x128xf32, #tpu.memory_space<vmem>>) dst(%dma_wait3A_265 : memref<64x128xf32, #tpu.memory_space<vmem_shared>>)
      tpu.yield
    }) : () -> ()
    %add3A_23 = arith.constant 448 : i32
    %add3A_24 = arith.addi %mul3A_8, %add3A_23 : i32
    "tpu.region"() ({
      %run_scoped3A = tpu.sem_alloc : memref<!tpu.dma_semaphore, #tpu.memory_space<semaphore_mem>>
      %dma_start3A_258 = arith.constant 0 : i32
      %dma_start3A_259 = tpu.memref_slice %arg19[%add3A_24, %dma_start3A_258] : memref<10240x128xf32, #tpu.memory_space<vmem_shared>> -> memref<64x128xf32, #tpu.memory_space<vmem_shared>>
      %dma_start3A_260 = arith.constant 0 : i32
      %dma_start3A_261 = tpu.memref_slice %arg19[%add3A_24, %dma_start3A_260] : memref<10240x128xf32, #tpu.memory_space<vmem_shared>> -> memref<64x128xf32, #tpu.memory_space<vmem_shared>>
      tpu.enqueue_dma source(%arg15 : memref<64x128xf32, #tpu.memory_space<vmem>>) target(%dma_start3A_261 : memref<64x128xf32, #tpu.memory_space<vmem_shared>>) target_semaphore(%run_scoped3A : memref<!tpu.dma_semaphore, #tpu.memory_space<semaphore_mem>>)
      %dma_wait3A_262 = arith.constant 0 : i32
      %dma_wait3A_263 = tpu.memref_slice %arg19[%add3A_24, %dma_wait3A_262] : memref<10240x128xf32, #tpu.memory_space<vmem_shared>> -> memref<64x128xf32, #tpu.memory_space<vmem_shared>>
      %dma_wait3A_264 = arith.constant 0 : i32
      %dma_wait3A_265 = tpu.memref_slice %arg19[%add3A_24, %dma_wait3A_264] : memref<10240x128xf32, #tpu.memory_space<vmem_shared>> -> memref<64x128xf32, #tpu.memory_space<vmem_shared>>
      tpu.wait_dma2 semaphore(%run_scoped3A : memref<!tpu.dma_semaphore, #tpu.memory_space<semaphore_mem>>) src(%arg15 : memref<64x128xf32, #tpu.memory_space<vmem>>) dst(%dma_wait3A_265 : memref<64x128xf32, #tpu.memory_space<vmem_shared>>)
      tpu.yield
    }) : () -> ()
    %add3A_25 = arith.constant 512 : i32
    %add3A_26 = arith.addi %mul3A_8, %add3A_25 : i32
    "tpu.region"() ({
      %run_scoped3A = tpu.sem_alloc : memref<!tpu.dma_semaphore, #tpu.memory_space<semaphore_mem>>
      %dma_start3A_258 = arith.constant 0 : i32
      %dma_start3A_259 = tpu.memref_slice %arg19[%add3A_26, %dma_start3A_258] : memref<10240x128xf32, #tpu.memory_space<vmem_shared>> -> memref<64x128xf32, #tpu.memory_space<vmem_shared>>
      %dma_start3A_260 = arith.constant 0 : i32
      %dma_start3A_261 = tpu.memref_slice %arg19[%add3A_26, %dma_start3A_260] : memref<10240x128xf32, #tpu.memory_space<vmem_shared>> -> memref<64x128xf32, #tpu.memory_space<vmem_shared>>
      tpu.enqueue_dma source(%arg15 : memref<64x128xf32, #tpu.memory_space<vmem>>) target(%dma_start3A_261 : memref<64x128xf32, #tpu.memory_space<vmem_shared>>) target_semaphore(%run_scoped3A : memref<!tpu.dma_semaphore, #tpu.memory_space<semaphore_mem>>)
      %dma_wait3A_262 = arith.constant 0 : i32
      %dma_wait3A_263 = tpu.memref_slice %arg19[%add3A_26, %dma_wait3A_262] : memref<10240x128xf32, #tpu.memory_space<vmem_shared>> -> memref<64x128xf32, #tpu.memory_space<vmem_shared>>
      %dma_wait3A_264 = arith.constant 0 : i32
      %dma_wait3A_265 = tpu.memref_slice %arg19[%add3A_26, %dma_wait3A_264] : memref<10240x128xf32, #tpu.memory_space<vmem_shared>> -> memref<64x128xf32, #tpu.memory_space<vmem_shared>>
      tpu.wait_dma2 semaphore(%run_scoped3A : memref<!tpu.dma_semaphore, #tpu.memory_space<semaphore_mem>>) src(%arg15 : memref<64x128xf32, #tpu.memory_space<vmem>>) dst(%dma_wait3A_265 : memref<64x128xf32, #tpu.memory_space<vmem_shared>>)
      tpu.yield
    }) : () -> ()
    %add3A_27 = arith.constant 576 : i32
    %add3A_28 = arith.addi %mul3A_8, %add3A_27 : i32
    "tpu.region"() ({
      %run_scoped3A = tpu.sem_alloc : memref<!tpu.dma_semaphore, #tpu.memory_space<semaphore_mem>>
      %dma_start3A_258 = arith.constant 0 : i32
      %dma_start3A_259 = tpu.memref_slice %arg19[%add3A_28, %dma_start3A_258] : memref<10240x128xf32, #tpu.memory_space<vmem_shared>> -> memref<64x128xf32, #tpu.memory_space<vmem_shared>>
      %dma_start3A_260 = arith.constant 0 : i32
      %dma_start3A_261 = tpu.memref_slice %arg19[%add3A_28, %dma_start3A_260] : memref<10240x128xf32, #tpu.memory_space<vmem_shared>> -> memref<64x128xf32, #tpu.memory_space<vmem_shared>>
      tpu.enqueue_dma source(%arg15 : memref<64x128xf32, #tpu.memory_space<vmem>>) target(%dma_start3A_261 : memref<64x128xf32, #tpu.memory_space<vmem_shared>>) target_semaphore(%run_scoped3A : memref<!tpu.dma_semaphore, #tpu.memory_space<semaphore_mem>>)
      %dma_wait3A_262 = arith.constant 0 : i32
      %dma_wait3A_263 = tpu.memref_slice %arg19[%add3A_28, %dma_wait3A_262] : memref<10240x128xf32, #tpu.memory_space<vmem_shared>> -> memref<64x128xf32, #tpu.memory_space<vmem_shared>>
      %dma_wait3A_264 = arith.constant 0 : i32
      %dma_wait3A_265 = tpu.memref_slice %arg19[%add3A_28, %dma_wait3A_264] : memref<10240x128xf32, #tpu.memory_space<vmem_shared>> -> memref<64x128xf32, #tpu.memory_space<vmem_shared>>
      tpu.wait_dma2 semaphore(%run_scoped3A : memref<!tpu.dma_semaphore, #tpu.memory_space<semaphore_mem>>) src(%arg15 : memref<64x128xf32, #tpu.memory_space<vmem>>) dst(%dma_wait3A_265 : memref<64x128xf32, #tpu.memory_space<vmem_shared>>)
      tpu.yield
    }) : () -> ()
    %barrier3A = arith.constant 0 : index
    tpu.barrier barrier_id(%barrier3A)
    %mul3A_29 = arith.constant 10000 : i32
    %mul3A_30 = arith.muli %add3A, %mul3A_29 : i32
    %add3A_31 = arith.constant 0 : i32
    %add3A_32 = arith.addi %mul3A_30, %add3A_31 : i32
    %dma_start3A = tpu.memref_slice %arg3[%add3A_32] : memref<320000xi32, #tpu.memory_space<hbm>> -> memref<64xi32, #tpu.memory_space<hbm>>
    %dma_start3A_33 = tpu.memref_slice %arg3[%add3A_32] : memref<320000xi32, #tpu.memory_space<hbm>> -> memref<64xi32, #tpu.memory_space<hbm>>
    tpu.enqueue_dma source(%dma_start3A_33 : memref<64xi32, #tpu.memory_space<hbm>>) target(%arg7 : memref<64xi32, #tpu.memory_space<vmem>>) target_semaphore(%arg20 : memref<!tpu.dma_semaphore, #tpu.memory_space<semaphore_mem>>)
    %add3A_34 = arith.constant 64 : i32
    %add3A_35 = arith.addi %mul3A_30, %add3A_34 : i32
    %dma_start3A_36 = tpu.memref_slice %arg3[%add3A_35] : memref<320000xi32, #tpu.memory_space<hbm>> -> memref<64xi32, #tpu.memory_space<hbm>>
    %dma_start3A_37 = tpu.memref_slice %arg3[%add3A_35] : memref<320000xi32, #tpu.memory_space<hbm>> -> memref<64xi32, #tpu.memory_space<hbm>>
    tpu.enqueue_dma source(%dma_start3A_37 : memref<64xi32, #tpu.memory_space<hbm>>) target(%arg8 : memref<64xi32, #tpu.memory_space<vmem>>) target_semaphore(%arg21 : memref<!tpu.dma_semaphore, #tpu.memory_space<semaphore_mem>>)
    %add3A_38 = arith.constant 128 : i32
    %add3A_39 = arith.addi %mul3A_30, %add3A_38 : i32
    %dma_start3A_40 = tpu.memref_slice %arg3[%add3A_39] : memref<320000xi32, #tpu.memory_space<hbm>> -> memref<64xi32, #tpu.memory_space<hbm>>
    %dma_start3A_41 = tpu.memref_slice %arg3[%add3A_39] : memref<320000xi32, #tpu.memory_space<hbm>> -> memref<64xi32, #tpu.memory_space<hbm>>
    tpu.enqueue_dma source(%dma_start3A_41 : memref<64xi32, #tpu.memory_space<hbm>>) target(%arg9 : memref<64xi32, #tpu.memory_space<vmem>>) target_semaphore(%arg22 : memref<!tpu.dma_semaphore, #tpu.memory_space<semaphore_mem>>)
    %add3A_42 = arith.constant 192 : i32
    %add3A_43 = arith.addi %mul3A_30, %add3A_42 : i32
    %dma_start3A_44 = tpu.memref_slice %arg3[%add3A_43] : memref<320000xi32, #tpu.memory_space<hbm>> -> memref<64xi32, #tpu.memory_space<hbm>>
    %dma_start3A_45 = tpu.memref_slice %arg3[%add3A_43] : memref<320000xi32, #tpu.memory_space<hbm>> -> memref<64xi32, #tpu.memory_space<hbm>>
    tpu.enqueue_dma source(%dma_start3A_45 : memref<64xi32, #tpu.memory_space<hbm>>) target(%arg10 : memref<64xi32, #tpu.memory_space<vmem>>) target_semaphore(%arg23 : memref<!tpu.dma_semaphore, #tpu.memory_space<semaphore_mem>>)
    %add3A_46 = arith.constant 0 : i32
    %add3A_47 = arith.addi %mul3A_30, %add3A_46 : i32
    %dma_wait3A = tpu.memref_slice %arg3[%add3A_47] : memref<320000xi32, #tpu.memory_space<hbm>> -> memref<64xi32, #tpu.memory_space<hbm>>
    %dma_wait3A_48 = tpu.memref_slice %arg3[%add3A_47] : memref<320000xi32, #tpu.memory_space<hbm>> -> memref<64xi32, #tpu.memory_space<hbm>>
    tpu.wait_dma2 semaphore(%arg20 : memref<!tpu.dma_semaphore, #tpu.memory_space<semaphore_mem>>) src(%dma_wait3A_48 : memref<64xi32, #tpu.memory_space<hbm>>) dst(%arg7 : memref<64xi32, #tpu.memory_space<vmem>>)
    %dma_start3A_49 = arith.constant 0 : i32
    %dma_start3A_50 = arith.constant 0 : i32
    %dma_start3A_51 = tpu.memref_slice %arg2[%dma_start3A_49, %dma_start3A_50] : memref<10000x128xf32, #tpu.memory_space<hbm>> -> memref<10000x128xf32, #tpu.memory_space<hbm>>
    tpu.enqueue_indirect_dma source(%dma_start3A_51 : memref<10000x128xf32, #tpu.memory_space<hbm>>) target(%arg13 : memref<64x128xf32, #tpu.memory_space<vmem>>) offsets(%arg7 : memref<64xi32, #tpu.memory_space<vmem>>) semaphore(%arg26 : memref<!tpu.dma_semaphore, #tpu.memory_space<semaphore_mem>>)
    %add3A_52 = arith.constant 0 : i32
    %add3A_53 = arith.addi %mul3A_30, %add3A_52 : i32
    %dma_start3A_54 = arith.constant 0 : i32
    %dma_start3A_55 = tpu.memref_slice %arg5[%add3A_53, %dma_start3A_54] : memref<320000x128xf32, #tpu.memory_space<hbm>> -> memref<64x128xf32, #tpu.memory_space<hbm>>
    %dma_start3A_56 = arith.constant 0 : i32
    %dma_start3A_57 = tpu.memref_slice %arg5[%add3A_53, %dma_start3A_56] : memref<320000x128xf32, #tpu.memory_space<hbm>> -> memref<64x128xf32, #tpu.memory_space<hbm>>
    tpu.enqueue_dma source(%dma_start3A_57 : memref<64x128xf32, #tpu.memory_space<hbm>>) target(%arg15 : memref<64x128xf32, #tpu.memory_space<vmem>>) target_semaphore(%arg28 : memref<!tpu.dma_semaphore, #tpu.memory_space<semaphore_mem>>)
    %add3A_58 = arith.constant 64 : i32
    %add3A_59 = arith.addi %mul3A_30, %add3A_58 : i32
    %dma_wait3A_60 = tpu.memref_slice %arg3[%add3A_59] : memref<320000xi32, #tpu.memory_space<hbm>> -> memref<64xi32, #tpu.memory_space<hbm>>
    %dma_wait3A_61 = tpu.memref_slice %arg3[%add3A_59] : memref<320000xi32, #tpu.memory_space<hbm>> -> memref<64xi32, #tpu.memory_space<hbm>>
    tpu.wait_dma2 semaphore(%arg21 : memref<!tpu.dma_semaphore, #tpu.memory_space<semaphore_mem>>) src(%dma_wait3A_61 : memref<64xi32, #tpu.memory_space<hbm>>) dst(%arg8 : memref<64xi32, #tpu.memory_space<vmem>>)
    %dma_start3A_62 = arith.constant 0 : i32
    %dma_start3A_63 = arith.constant 0 : i32
    %dma_start3A_64 = tpu.memref_slice %arg2[%dma_start3A_62, %dma_start3A_63] : memref<10000x128xf32, #tpu.memory_space<hbm>> -> memref<10000x128xf32, #tpu.memory_space<hbm>>
    tpu.enqueue_indirect_dma source(%dma_start3A_64 : memref<10000x128xf32, #tpu.memory_space<hbm>>) target(%arg14 : memref<64x128xf32, #tpu.memory_space<vmem>>) offsets(%arg8 : memref<64xi32, #tpu.memory_space<vmem>>) semaphore(%arg27 : memref<!tpu.dma_semaphore, #tpu.memory_space<semaphore_mem>>)
    %add3A_65 = arith.constant 64 : i32
    %add3A_66 = arith.addi %mul3A_30, %add3A_65 : i32
    %dma_start3A_67 = arith.constant 0 : i32
    %dma_start3A_68 = tpu.memref_slice %arg5[%add3A_66, %dma_start3A_67] : memref<320000x128xf32, #tpu.memory_space<hbm>> -> memref<64x128xf32, #tpu.memory_space<hbm>>
    %dma_start3A_69 = arith.constant 0 : i32
    %dma_start3A_70 = tpu.memref_slice %arg5[%add3A_66, %dma_start3A_69] : memref<320000x128xf32, #tpu.memory_space<hbm>> -> memref<64x128xf32, #tpu.memory_space<hbm>>
    tpu.enqueue_dma source(%dma_start3A_70 : memref<64x128xf32, #tpu.memory_space<hbm>>) target(%arg16 : memref<64x128xf32, #tpu.memory_space<vmem>>) target_semaphore(%arg29 : memref<!tpu.dma_semaphore, #tpu.memory_space<semaphore_mem>>)
    %scan3A_71 = arith.constant 0 : i32
    %scan3A_72 = arith.constant 38 : i32
    %scan3A_73 = arith.addi %scan3A_71, %scan3A_72 : i32
    %scan3A_74 = arith.constant 1 : i32
    scf.for %scan3A_258 = %scan3A_71 to %scan3A_73 step %scan3A_74  : i32 {
      %mul3A_259 = arith.constant 4 : i32
      %mul3A_260 = arith.muli %scan3A_258, %mul3A_259 : i32
      %add3A_261 = arith.constant 0 : i32
      %add3A_262 = arith.addi %add3A_261, %mul3A_260 : i32
      %add3A_263 = arith.constant 0 : i32
      %add3A_264 = arith.addi %add3A_262, %add3A_263 : i32
      %dma_wait3A_265 = arith.constant 0 : i32
      %dma_wait3A_266 = arith.constant 0 : i32
      %dma_wait3A_267 = tpu.memref_slice %arg2[%dma_wait3A_265, %dma_wait3A_266] : memref<10000x128xf32, #tpu.memory_space<hbm>> -> memref<10000x128xf32, #tpu.memory_space<hbm>>
      tpu.wait_indirect_dma semaphore(%arg26 : memref<!tpu.dma_semaphore, #tpu.memory_space<semaphore_mem>>) src(%dma_wait3A_267 : memref<10000x128xf32, #tpu.memory_space<hbm>>) dst(%arg13 : memref<64x128xf32, #tpu.memory_space<vmem>>)
      %mul3A_268 = arith.constant 64 : i32
      %mul3A_269 = arith.muli %add3A_264, %mul3A_268 : i32
      %add3A_270 = arith.addi %mul3A_30, %mul3A_269 : i32
      %dma_wait3A_271 = arith.constant 0 : i32
      %dma_wait3A_272 = tpu.memref_slice %arg5[%add3A_270, %dma_wait3A_271] : memref<320000x128xf32, #tpu.memory_space<hbm>> -> memref<64x128xf32, #tpu.memory_space<hbm>>
      %dma_wait3A_273 = arith.constant 0 : i32
      %dma_wait3A_274 = tpu.memref_slice %arg5[%add3A_270, %dma_wait3A_273] : memref<320000x128xf32, #tpu.memory_space<hbm>> -> memref<64x128xf32, #tpu.memory_space<hbm>>
      tpu.wait_dma2 semaphore(%arg28 : memref<!tpu.dma_semaphore, #tpu.memory_space<semaphore_mem>>) src(%dma_wait3A_274 : memref<64x128xf32, #tpu.memory_space<hbm>>) dst(%arg15 : memref<64x128xf32, #tpu.memory_space<vmem>>)
      %add3A_275 = arith.constant 4 : i32
      %add3A_276 = arith.addi %add3A_264, %add3A_275 : i32
      %lt3A = arith.constant 156 : i32
      %lt3A_277 = arith.cmpi slt, %add3A_276, %lt3A : i32
      %convert_element_type3A = arith.extui %lt3A_277 : i1 to i32
      %cond3A = arith.constant 0 : i32
      %cond3A_278 = arith.cmpi ne, %convert_element_type3A, %cond3A : i32
      scf.if %cond3A_278 {
        %add3A_484 = arith.constant 4 : i32
        %add3A_485 = arith.addi %add3A_264, %add3A_484 : i32
        %mul3A_486 = arith.constant 64 : i32
        %mul3A_487 = arith.muli %add3A_485, %mul3A_486 : i32
        %add3A_488 = arith.addi %mul3A_30, %mul3A_487 : i32
        %dma_start3A_489 = tpu.memref_slice %arg3[%add3A_488] : memref<320000xi32, #tpu.memory_space<hbm>> -> memref<64xi32, #tpu.memory_space<hbm>>
        %dma_start3A_490 = tpu.memref_slice %arg3[%add3A_488] : memref<320000xi32, #tpu.memory_space<hbm>> -> memref<64xi32, #tpu.memory_space<hbm>>
        tpu.enqueue_dma source(%dma_start3A_490 : memref<64xi32, #tpu.memory_space<hbm>>) target(%arg7 : memref<64xi32, #tpu.memory_space<vmem>>) target_semaphore(%arg20 : memref<!tpu.dma_semaphore, #tpu.memory_space<semaphore_mem>>)
      } else {
      }
      %mul3A_279 = arith.constant 64 : i32
      %mul3A_280 = arith.muli %add3A_264, %mul3A_279 : i32
      %add3A_281 = arith.addi %mul3A_30, %mul3A_280 : i32
      %dma_start3A_282 = tpu.memref_slice %arg4[%add3A_281] : memref<320000xi32, #tpu.memory_space<hbm>> -> memref<64xi32, #tpu.memory_space<hbm>>
      %dma_start3A_283 = tpu.memref_slice %arg4[%add3A_281] : memref<320000xi32, #tpu.memory_space<hbm>> -> memref<64xi32, #tpu.memory_space<hbm>>
      tpu.enqueue_dma source(%dma_start3A_283 : memref<64xi32, #tpu.memory_space<hbm>>) target(%arg11 : memref<64xi32, #tpu.memory_space<vmem>>) target_semaphore(%arg24 : memref<!tpu.dma_semaphore, #tpu.memory_space<semaphore_mem>>)
      %scan3A_284 = arith.constant 0 : i32
      %scan3A_285 = arith.constant 0 : i32
      %scan3A_286 = arith.constant 64 : i32
      %scan3A_287 = arith.addi %scan3A_285, %scan3A_286 : i32
      %scan3A_288 = arith.constant 1 : i32
      %scan3A_289 = scf.for %scan3A_484 = %scan3A_285 to %scan3A_287 step %scan3A_288 iter_args(%scan3A_485 = %scan3A_284) -> (i32)  : i32 {
        %get3A = arith.index_cast %scan3A_484 : i32 to index
        %get3A_486 = arith.constant 0 : index
        %get3A_487 = tpu.vector_load %arg13[%get3A, %get3A_486] {strides = array<i32>} : memref<64x128xf32, #tpu.memory_space<vmem>>, vector<1x16xf32>,
        %get3A_488 = vector.shape_cast %get3A_487 : vector<1x16xf32> to vector<16xf32>
        %get3A_489 = arith.index_cast %scan3A_484 : i32 to index
        %get3A_490 = arith.constant 0 : index
        %get3A_491 = tpu.vector_load %arg15[%get3A_489, %get3A_490] {strides = array<i32>} : memref<64x128xf32, #tpu.memory_space<vmem>>, vector<1x16xf32>,
        %get3A_492 = vector.shape_cast %get3A_491 : vector<1x16xf32> to vector<16xf32>
        %add3A_493 = arith.addf %get3A_488, %get3A_492 : vector<16xf32>
        %max3A = arith.constant 0.000000e+00 : f32
        %max3A_494 = vector.broadcast %max3A : f32 to vector<16xf32>
        %max3A_495 = arith.maximumf %add3A_493, %max3A_494 : vector<16xf32>
        %swap3A = arith.index_cast %scan3A_484 : i32 to index
        %swap3A_496 = arith.constant 0 : index
        %swap3A_497 = tpu.vector_load %arg15[%swap3A, %swap3A_496] {strides = array<i32>} : memref<64x128xf32, #tpu.memory_space<vmem>>, vector<1x16xf32>,
        %swap3A_498 = vector.shape_cast %swap3A_497 : vector<1x16xf32> to vector<16xf32>
        %swap3A_499 = vector.shape_cast %max3A_495 : vector<16xf32> to vector<1x16xf32>
        tpu.vector_store %arg15[%swap3A, %swap3A_496], %swap3A_499 {strides = array<i32>} : memref<64x128xf32, #tpu.memory_space<vmem>>, vector<1x16xf32>,
        %get3A_500 = arith.index_cast %scan3A_484 : i32 to index
        %get3A_501 = arith.constant 16 : index
        %get3A_502 = tpu.vector_load %arg13[%get3A_500, %get3A_501] {strides = array<i32>} : memref<64x128xf32, #tpu.memory_space<vmem>>, vector<1x16xf32>,
        %get3A_503 = vector.shape_cast %get3A_502 : vector<1x16xf32> to vector<16xf32>
        %get3A_504 = arith.index_cast %scan3A_484 : i32 to index
        %get3A_505 = arith.constant 16 : index
        %get3A_506 = tpu.vector_load %arg15[%get3A_504, %get3A_505] {strides = array<i32>} : memref<64x128xf32, #tpu.memory_space<vmem>>, vector<1x16xf32>,
        %get3A_507 = vector.shape_cast %get3A_506 : vector<1x16xf32> to vector<16xf32>
        %add3A_508 = arith.addf %get3A_503, %get3A_507 : vector<16xf32>
        %max3A_509 = arith.constant 0.000000e+00 : f32
        %max3A_510 = vector.broadcast %max3A_509 : f32 to vector<16xf32>
        %max3A_511 = arith.maximumf %add3A_508, %max3A_510 : vector<16xf32>
        %swap3A_512 = arith.index_cast %scan3A_484 : i32 to index
        %swap3A_513 = arith.constant 16 : index
        %swap3A_514 = tpu.vector_load %arg15[%swap3A_512, %swap3A_513] {strides = array<i32>} : memref<64x128xf32, #tpu.memory_space<vmem>>, vector<1x16xf32>,
        %swap3A_515 = vector.shape_cast %swap3A_514 : vector<1x16xf32> to vector<16xf32>
        %swap3A_516 = vector.shape_cast %max3A_511 : vector<16xf32> to vector<1x16xf32>
        tpu.vector_store %arg15[%swap3A_512, %swap3A_513], %swap3A_516 {strides = array<i32>} : memref<64x128xf32, #tpu.memory_space<vmem>>, vector<1x16xf32>,
        %get3A_517 = arith.index_cast %scan3A_484 : i32 to index
        %get3A_518 = arith.constant 32 : index
        %get3A_519 = tpu.vector_load %arg13[%get3A_517, %get3A_518] {strides = array<i32>} : memref<64x128xf32, #tpu.memory_space<vmem>>, vector<1x16xf32>,
        %get3A_520 = vector.shape_cast %get3A_519 : vector<1x16xf32> to vector<16xf32>
        %get3A_521 = arith.index_cast %scan3A_484 : i32 to index
        %get3A_522 = arith.constant 32 : index
        %get3A_523 = tpu.vector_load %arg15[%get3A_521, %get3A_522] {strides = array<i32>} : memref<64x128xf32, #tpu.memory_space<vmem>>, vector<1x16xf32>,
        %get3A_524 = vector.shape_cast %get3A_523 : vector<1x16xf32> to vector<16xf32>
        %add3A_525 = arith.addf %get3A_520, %get3A_524 : vector<16xf32>
        %max3A_526 = arith.constant 0.000000e+00 : f32
        %max3A_527 = vector.broadcast %max3A_526 : f32 to vector<16xf32>
        %max3A_528 = arith.maximumf %add3A_525, %max3A_527 : vector<16xf32>
        %swap3A_529 = arith.index_cast %scan3A_484 : i32 to index
        %swap3A_530 = arith.constant 32 : index
        %swap3A_531 = tpu.vector_load %arg15[%swap3A_529, %swap3A_530] {strides = array<i32>} : memref<64x128xf32, #tpu.memory_space<vmem>>, vector<1x16xf32>,
        %swap3A_532 = vector.shape_cast %swap3A_531 : vector<1x16xf32> to vector<16xf32>
        %swap3A_533 = vector.shape_cast %max3A_528 : vector<16xf32> to vector<1x16xf32>
        tpu.vector_store %arg15[%swap3A_529, %swap3A_530], %swap3A_533 {strides = array<i32>} : memref<64x128xf32, #tpu.memory_space<vmem>>, vector<1x16xf32>,
        %get3A_534 = arith.index_cast %scan3A_484 : i32 to index
        %get3A_535 = arith.constant 48 : index
        %get3A_536 = tpu.vector_load %arg13[%get3A_534, %get3A_535] {strides = array<i32>} : memref<64x128xf32, #tpu.memory_space<vmem>>, vector<1x16xf32>,
        %get3A_537 = vector.shape_cast %get3A_536 : vector<1x16xf32> to vector<16xf32>
        %get3A_538 = arith.index_cast %scan3A_484 : i32 to index
        %get3A_539 = arith.constant 48 : index
        %get3A_540 = tpu.vector_load %arg15[%get3A_538, %get3A_539] {strides = array<i32>} : memref<64x128xf32, #tpu.memory_space<vmem>>, vector<1x16xf32>,
        %get3A_541 = vector.shape_cast %get3A_540 : vector<1x16xf32> to vector<16xf32>
        %add3A_542 = arith.addf %get3A_537, %get3A_541 : vector<16xf32>
        %max3A_543 = arith.constant 0.000000e+00 : f32
        %max3A_544 = vector.broadcast %max3A_543 : f32 to vector<16xf32>
        %max3A_545 = arith.maximumf %add3A_542, %max3A_544 : vector<16xf32>
        %swap3A_546 = arith.index_cast %scan3A_484 : i32 to index
        %swap3A_547 = arith.constant 48 : index
        %swap3A_548 = tpu.vector_load %arg15[%swap3A_546, %swap3A_547] {strides = array<i32>} : memref<64x128xf32, #tpu.memory_space<vmem>>, vector<1x16xf32>,
        %swap3A_549 = vector.shape_cast %swap3A_548 : vector<1x16xf32> to vector<16xf32>
        %swap3A_550 = vector.shape_cast %max3A_545 : vector<16xf32> to vector<1x16xf32>
        tpu.vector_store %arg15[%swap3A_546, %swap3A_547], %swap3A_550 {strides = array<i32>} : memref<64x128xf32, #tpu.memory_space<vmem>>, vector<1x16xf32>,
        %get3A_551 = arith.index_cast %scan3A_484 : i32 to index
        %get3A_552 = arith.constant 64 : index
        %get3A_553 = tpu.vector_load %arg13[%get3A_551, %get3A_552] {strides = array<i32>} : memref<64x128xf32, #tpu.memory_space<vmem>>, vector<1x16xf32>,
        %get3A_554 = vector.shape_cast %get3A_553 : vector<1x16xf32> to vector<16xf32>
        %get3A_555 = arith.index_cast %scan3A_484 : i32 to index
        %get3A_556 = arith.constant 64 : index
        %get3A_557 = tpu.vector_load %arg15[%get3A_555, %get3A_556] {strides = array<i32>} : memref<64x128xf32, #tpu.memory_space<vmem>>, vector<1x16xf32>,
        %get3A_558 = vector.shape_cast %get3A_557 : vector<1x16xf32> to vector<16xf32>
        %add3A_559 = arith.addf %get3A_554, %get3A_558 : vector<16xf32>
        %max3A_560 = arith.constant 0.000000e+00 : f32
        %max3A_561 = vector.broadcast %max3A_560 : f32 to vector<16xf32>
        %max3A_562 = arith.maximumf %add3A_559, %max3A_561 : vector<16xf32>
        %swap3A_563 = arith.index_cast %scan3A_484 : i32 to index
        %swap3A_564 = arith.constant 64 : index
        %swap3A_565 = tpu.vector_load %arg15[%swap3A_563, %swap3A_564] {strides = array<i32>} : memref<64x128xf32, #tpu.memory_space<vmem>>, vector<1x16xf32>,
        %swap3A_566 = vector.shape_cast %swap3A_565 : vector<1x16xf32> to vector<16xf32>
        %swap3A_567 = vector.shape_cast %max3A_562 : vector<16xf32> to vector<1x16xf32>
        tpu.vector_store %arg15[%swap3A_563, %swap3A_564], %swap3A_567 {strides = array<i32>} : memref<64x128xf32, #tpu.memory_space<vmem>>, vector<1x16xf32>,
        %get3A_568 = arith.index_cast %scan3A_484 : i32 to index
        %get3A_569 = arith.constant 80 : index
        %get3A_570 = tpu.vector_load %arg13[%get3A_568, %get3A_569] {strides = array<i32>} : memref<64x128xf32, #tpu.memory_space<vmem>>, vector<1x16xf32>,
        %get3A_571 = vector.shape_cast %get3A_570 : vector<1x16xf32> to vector<16xf32>
        %get3A_572 = arith.index_cast %scan3A_484 : i32 to index
        %get3A_573 = arith.constant 80 : index
        %get3A_574 = tpu.vector_load %arg15[%get3A_572, %get3A_573] {strides = array<i32>} : memref<64x128xf32, #tpu.memory_space<vmem>>, vector<1x16xf32>,
        %get3A_575 = vector.shape_cast %get3A_574 : vector<1x16xf32> to vector<16xf32>
        %add3A_576 = arith.addf %get3A_571, %get3A_575 : vector<16xf32>
        %max3A_577 = arith.constant 0.000000e+00 : f32
        %max3A_578 = vector.broadcast %max3A_577 : f32 to vector<16xf32>
        %max3A_579 = arith.maximumf %add3A_576, %max3A_578 : vector<16xf32>
        %swap3A_580 = arith.index_cast %scan3A_484 : i32 to index
        %swap3A_581 = arith.constant 80 : index
        %swap3A_582 = tpu.vector_load %arg15[%swap3A_580, %swap3A_581] {strides = array<i32>} : memref<64x128xf32, #tpu.memory_space<vmem>>, vector<1x16xf32>,
        %swap3A_583 = vector.shape_cast %swap3A_582 : vector<1x16xf32> to vector<16xf32>
        %swap3A_584 = vector.shape_cast %max3A_579 : vector<16xf32> to vector<1x16xf32>
        tpu.vector_store %arg15[%swap3A_580, %swap3A_581], %swap3A_584 {strides = array<i32>} : memref<64x128xf32, #tpu.memory_space<vmem>>, vector<1x16xf32>,
        %get3A_585 = arith.index_cast %scan3A_484 : i32 to index
        %get3A_586 = arith.constant 96 : index
        %get3A_587 = tpu.vector_load %arg13[%get3A_585, %get3A_586] {strides = array<i32>} : memref<64x128xf32, #tpu.memory_space<vmem>>, vector<1x16xf32>,
        %get3A_588 = vector.shape_cast %get3A_587 : vector<1x16xf32> to vector<16xf32>
        %get3A_589 = arith.index_cast %scan3A_484 : i32 to index
        %get3A_590 = arith.constant 96 : index
        %get3A_591 = tpu.vector_load %arg15[%get3A_589, %get3A_590] {strides = array<i32>} : memref<64x128xf32, #tpu.memory_space<vmem>>, vector<1x16xf32>,
        %get3A_592 = vector.shape_cast %get3A_591 : vector<1x16xf32> to vector<16xf32>
        %add3A_593 = arith.addf %get3A_588, %get3A_592 : vector<16xf32>
        %max3A_594 = arith.constant 0.000000e+00 : f32
        %max3A_595 = vector.broadcast %max3A_594 : f32 to vector<16xf32>
        %max3A_596 = arith.maximumf %add3A_593, %max3A_595 : vector<16xf32>
        %swap3A_597 = arith.index_cast %scan3A_484 : i32 to index
        %swap3A_598 = arith.constant 96 : index
        %swap3A_599 = tpu.vector_load %arg15[%swap3A_597, %swap3A_598] {strides = array<i32>} : memref<64x128xf32, #tpu.memory_space<vmem>>, vector<1x16xf32>,
        %swap3A_600 = vector.shape_cast %swap3A_599 : vector<1x16xf32> to vector<16xf32>
        %swap3A_601 = vector.shape_cast %max3A_596 : vector<16xf32> to vector<1x16xf32>
        tpu.vector_store %arg15[%swap3A_597, %swap3A_598], %swap3A_601 {strides = array<i32>} : memref<64x128xf32, #tpu.memory_space<vmem>>, vector<1x16xf32>,
        %get3A_602 = arith.index_cast %scan3A_484 : i32 to index
        %get3A_603 = arith.constant 112 : index
        %get3A_604 = tpu.vector_load %arg13[%get3A_602, %get3A_603] {strides = array<i32>} : memref<64x128xf32, #tpu.memory_space<vmem>>, vector<1x16xf32>,
        %get3A_605 = vector.shape_cast %get3A_604 : vector<1x16xf32> to vector<16xf32>
        %get3A_606 = arith.index_cast %scan3A_484 : i32 to index
        %get3A_607 = arith.constant 112 : index
        %get3A_608 = tpu.vector_load %arg15[%get3A_606, %get3A_607] {strides = array<i32>} : memref<64x128xf32, #tpu.memory_space<vmem>>, vector<1x16xf32>,
        %get3A_609 = vector.shape_cast %get3A_608 : vector<1x16xf32> to vector<16xf32>
        %add3A_610 = arith.addf %get3A_605, %get3A_609 : vector<16xf32>
        %max3A_611 = arith.constant 0.000000e+00 : f32
        %max3A_612 = vector.broadcast %max3A_611 : f32 to vector<16xf32>
        %max3A_613 = arith.maximumf %add3A_610, %max3A_612 : vector<16xf32>
        %swap3A_614 = arith.index_cast %scan3A_484 : i32 to index
        %swap3A_615 = arith.constant 112 : index
        %swap3A_616 = tpu.vector_load %arg15[%swap3A_614, %swap3A_615] {strides = array<i32>} : memref<64x128xf32, #tpu.memory_space<vmem>>, vector<1x16xf32>,
        %swap3A_617 = vector.shape_cast %swap3A_616 : vector<1x16xf32> to vector<16xf32>
        %swap3A_618 = vector.shape_cast %max3A_613 : vector<16xf32> to vector<1x16xf32>
        tpu.vector_store %arg15[%swap3A_614, %swap3A_615], %swap3A_618 {strides = array<i32>} : memref<64x128xf32, #tpu.memory_space<vmem>>, vector<1x16xf32>,
        %scan3A_619 = arith.constant 0 : i32
        scf.yield %scan3A_619 : i32
      }
      %scan3A_290 = arith.constant 64 : i32
      %add3A_291 = arith.constant 2 : i32
      %add3A_292 = arith.addi %add3A_264, %add3A_291 : i32
      %lt3A_293 = arith.constant 156 : i32
      %lt3A_294 = arith.cmpi slt, %add3A_292, %lt3A_293 : i32
      %convert_element_type3A_295 = arith.extui %lt3A_294 : i1 to i32
      %cond3A_296 = arith.constant 0 : i32
      %cond3A_297 = arith.cmpi ne, %convert_element_type3A_295, %cond3A_296 : i32
      scf.if %cond3A_297 {
        %add3A_484 = arith.constant 2 : i32
        %add3A_485 = arith.addi %add3A_264, %add3A_484 : i32
        %mul3A_486 = arith.constant 64 : i32
        %mul3A_487 = arith.muli %add3A_485, %mul3A_486 : i32
        %add3A_488 = arith.addi %mul3A_30, %mul3A_487 : i32
        %dma_wait3A_489 = tpu.memref_slice %arg3[%add3A_488] : memref<320000xi32, #tpu.memory_space<hbm>> -> memref<64xi32, #tpu.memory_space<hbm>>
        %dma_wait3A_490 = tpu.memref_slice %arg3[%add3A_488] : memref<320000xi32, #tpu.memory_space<hbm>> -> memref<64xi32, #tpu.memory_space<hbm>>
        tpu.wait_dma2 semaphore(%arg22 : memref<!tpu.dma_semaphore, #tpu.memory_space<semaphore_mem>>) src(%dma_wait3A_490 : memref<64xi32, #tpu.memory_space<hbm>>) dst(%arg9 : memref<64xi32, #tpu.memory_space<vmem>>)
        %dma_start3A_491 = arith.constant 0 : i32
        %dma_start3A_492 = arith.constant 0 : i32
        %dma_start3A_493 = tpu.memref_slice %arg2[%dma_start3A_491, %dma_start3A_492] : memref<10000x128xf32, #tpu.memory_space<hbm>> -> memref<10000x128xf32, #tpu.memory_space<hbm>>
        tpu.enqueue_indirect_dma source(%dma_start3A_493 : memref<10000x128xf32, #tpu.memory_space<hbm>>) target(%arg13 : memref<64x128xf32, #tpu.memory_space<vmem>>) offsets(%arg9 : memref<64xi32, #tpu.memory_space<vmem>>) semaphore(%arg26 : memref<!tpu.dma_semaphore, #tpu.memory_space<semaphore_mem>>)
      } else {
      }
      %mul3A_298 = arith.constant 64 : i32
      %mul3A_299 = arith.muli %add3A_264, %mul3A_298 : i32
      %add3A_300 = arith.addi %mul3A_30, %mul3A_299 : i32
      %dma_wait3A_301 = tpu.memref_slice %arg4[%add3A_300] : memref<320000xi32, #tpu.memory_space<hbm>> -> memref<64xi32, #tpu.memory_space<hbm>>
      %dma_wait3A_302 = tpu.memref_slice %arg4[%add3A_300] : memref<320000xi32, #tpu.memory_space<hbm>> -> memref<64xi32, #tpu.memory_space<hbm>>
      tpu.wait_dma2 semaphore(%arg24 : memref<!tpu.dma_semaphore, #tpu.memory_space<semaphore_mem>>) src(%dma_wait3A_302 : memref<64xi32, #tpu.memory_space<hbm>>) dst(%arg11 : memref<64xi32, #tpu.memory_space<vmem>>)
      %dma_start3A_303 = arith.constant 0 : i32
      %dma_start3A_304 = arith.constant 0 : i32
      %dma_start3A_305 = tpu.memref_slice %arg19[%dma_start3A_303, %dma_start3A_304] : memref<10240x128xf32, #tpu.memory_space<vmem_shared>> -> memref<10240x128xf32, #tpu.memory_space<vmem_shared>>
      tpu.enqueue_indirect_dma source(%arg15 : memref<64x128xf32, #tpu.memory_space<vmem>>) target(%dma_start3A_305 : memref<10240x128xf32, #tpu.memory_space<vmem_shared>>) offsets(%arg11 : memref<64xi32, #tpu.memory_space<vmem>>) semaphore(%arg30 : memref<!tpu.dma_semaphore, #tpu.memory_space<semaphore_mem>>) {add = true}
      %dma_wait3A_306 = arith.constant 0 : i32
      %dma_wait3A_307 = arith.constant 0 : i32
      %dma_wait3A_308 = tpu.memref_slice %arg19[%dma_wait3A_306, %dma_wait3A_307] : memref<10240x128xf32, #tpu.memory_space<vmem_shared>> -> memref<10240x128xf32, #tpu.memory_space<vmem_shared>>
      tpu.wait_indirect_dma semaphore(%arg30 : memref<!tpu.dma_semaphore, #tpu.memory_space<semaphore_mem>>) src(%arg15 : memref<64x128xf32, #tpu.memory_space<vmem>>) dst(%dma_wait3A_308 : memref<10240x128xf32, #tpu.memory_space<vmem_shared>>)
      %add3A_309 = arith.constant 2 : i32
      %add3A_310 = arith.addi %add3A_264, %add3A_309 : i32
      %lt3A_311 = arith.constant 156 : i32
      %lt3A_312 = arith.cmpi slt, %add3A_310, %lt3A_311 : i32
      %convert_element_type3A_313 = arith.extui %lt3A_312 : i1 to i32
      %cond3A_314 = arith.constant 0 : i32
      %cond3A_315 = arith.cmpi ne, %convert_element_type3A_313, %cond3A_314 : i32
      scf.if %cond3A_315 {
        %add3A_484 = arith.constant 2 : i32
        %add3A_485 = arith.addi %add3A_264, %add3A_484 : i32
        %mul3A_486 = arith.constant 64 : i32
        %mul3A_487 = arith.muli %add3A_485, %mul3A_486 : i32
        %add3A_488 = arith.addi %mul3A_30, %mul3A_487 : i32
        %dma_start3A_489 = arith.constant 0 : i32
        %dma_start3A_490 = tpu.memref_slice %arg5[%add3A_488, %dma_start3A_489] : memref<320000x128xf32, #tpu.memory_space<hbm>> -> memref<64x128xf32, #tpu.memory_space<hbm>>
        %dma_start3A_491 = arith.constant 0 : i32
        %dma_start3A_492 = tpu.memref_slice %arg5[%add3A_488, %dma_start3A_491] : memref<320000x128xf32, #tpu.memory_space<hbm>> -> memref<64x128xf32, #tpu.memory_space<hbm>>
        tpu.enqueue_dma source(%dma_start3A_492 : memref<64x128xf32, #tpu.memory_space<hbm>>) target(%arg15 : memref<64x128xf32, #tpu.memory_space<vmem>>) target_semaphore(%arg28 : memref<!tpu.dma_semaphore, #tpu.memory_space<semaphore_mem>>)
      } else {
      }
      %add3A_316 = arith.constant 1 : i32
      %add3A_317 = arith.addi %add3A_262, %add3A_316 : i32
      %dma_wait3A_318 = arith.constant 0 : i32
      %dma_wait3A_319 = arith.constant 0 : i32
      %dma_wait3A_320 = tpu.memref_slice %arg2[%dma_wait3A_318, %dma_wait3A_319] : memref<10000x128xf32, #tpu.memory_space<hbm>> -> memref<10000x128xf32, #tpu.memory_space<hbm>>
      tpu.wait_indirect_dma semaphore(%arg27 : memref<!tpu.dma_semaphore, #tpu.memory_space<semaphore_mem>>) src(%dma_wait3A_320 : memref<10000x128xf32, #tpu.memory_space<hbm>>) dst(%arg14 : memref<64x128xf32, #tpu.memory_space<vmem>>)
      %mul3A_321 = arith.constant 64 : i32
      %mul3A_322 = arith.muli %add3A_317, %mul3A_321 : i32
      %add3A_323 = arith.addi %mul3A_30, %mul3A_322 : i32
      %dma_wait3A_324 = arith.constant 0 : i32
      %dma_wait3A_325 = tpu.memref_slice %arg5[%add3A_323, %dma_wait3A_324] : memref<320000x128xf32, #tpu.memory_space<hbm>> -> memref<64x128xf32, #tpu.memory_space<hbm>>
      %dma_wait3A_326 = arith.constant 0 : i32
      %dma_wait3A_327 = tpu.memref_slice %arg5[%add3A_323, %dma_wait3A_326] : memref<320000x128xf32, #tpu.memory_space<hbm>> -> memref<64x128xf32, #tpu.memory_space<hbm>>
      tpu.wait_dma2 semaphore(%arg29 : memref<!tpu.dma_semaphore, #tpu.memory_space<semaphore_mem>>) src(%dma_wait3A_327 : memref<64x128xf32, #tpu.memory_space<hbm>>) dst(%arg16 : memref<64x128xf32, #tpu.memory_space<vmem>>)
      %add3A_328 = arith.constant 4 : i32
      %add3A_329 = arith.addi %add3A_317, %add3A_328 : i32
      %lt3A_330 = arith.constant 156 : i32
      %lt3A_331 = arith.cmpi slt, %add3A_329, %lt3A_330 : i32
      %convert_element_type3A_332 = arith.extui %lt3A_331 : i1 to i32
      %cond3A_333 = arith.constant 0 : i32
      %cond3A_334 = arith.cmpi ne, %convert_element_type3A_332, %cond3A_333 : i32
      scf.if %cond3A_334 {
        %add3A_484 = arith.constant 4 : i32
        %add3A_485 = arith.addi %add3A_317, %add3A_484 : i32
        %mul3A_486 = arith.constant 64 : i32
        %mul3A_487 = arith.muli %add3A_485, %mul3A_486 : i32
        %add3A_488 = arith.addi %mul3A_30, %mul3A_487 : i32
        %dma_start3A_489 = tpu.memref_slice %arg3[%add3A_488] : memref<320000xi32, #tpu.memory_space<hbm>> -> memref<64xi32, #tpu.memory_space<hbm>>
        %dma_start3A_490 = tpu.memref_slice %arg3[%add3A_488] : memref<320000xi32, #tpu.memory_space<hbm>> -> memref<64xi32, #tpu.memory_space<hbm>>
        tpu.enqueue_dma source(%dma_start3A_490 : memref<64xi32, #tpu.memory_space<hbm>>) target(%arg8 : memref<64xi32, #tpu.memory_space<vmem>>) target_semaphore(%arg21 : memref<!tpu.dma_semaphore, #tpu.memory_space<semaphore_mem>>)
      } else {
      }
      %mul3A_335 = arith.constant 64 : i32
      %mul3A_336 = arith.muli %add3A_317, %mul3A_335 : i32
      %add3A_337 = arith.addi %mul3A_30, %mul3A_336 : i32
      %dma_start3A_338 = tpu.memref_slice %arg4[%add3A_337] : memref<320000xi32, #tpu.memory_space<hbm>> -> memref<64xi32, #tpu.memory_space<hbm>>
      %dma_start3A_339 = tpu.memref_slice %arg4[%add3A_337] : memref<320000xi32, #tpu.memory_space<hbm>> -> memref<64xi32, #tpu.memory_space<hbm>>
      tpu.enqueue_dma source(%dma_start3A_339 : memref<64xi32, #tpu.memory_space<hbm>>) target(%arg12 : memref<64xi32, #tpu.memory_space<vmem>>) target_semaphore(%arg25 : memref<!tpu.dma_semaphore, #tpu.memory_space<semaphore_mem>>)
      %scan3A_340 = arith.constant 0 : i32
      %scan3A_341 = arith.constant 0 : i32
      %scan3A_342 = arith.constant 64 : i32
      %scan3A_343 = arith.addi %scan3A_341, %scan3A_342 : i32
      %scan3A_344 = arith.constant 1 : i32
      %scan3A_345 = scf.for %scan3A_484 = %scan3A_341 to %scan3A_343 step %scan3A_344 iter_args(%scan3A_485 = %scan3A_340) -> (i32)  : i32 {
        %get3A = arith.index_cast %scan3A_484 : i32 to index
        %get3A_486 = arith.constant 0 : index
        %get3A_487 = tpu.vector_load %arg14[%get3A, %get3A_486] {strides = array<i32>} : memref<64x128xf32, #tpu.memory_space<vmem>>, vector<1x16xf32>,
        %get3A_488 = vector.shape_cast %get3A_487 : vector<1x16xf32> to vector<16xf32>
        %get3A_489 = arith.index_cast %scan3A_484 : i32 to index
        %get3A_490 = arith.constant 0 : index
        %get3A_491 = tpu.vector_load %arg16[%get3A_489, %get3A_490] {strides = array<i32>} : memref<64x128xf32, #tpu.memory_space<vmem>>, vector<1x16xf32>,
        %get3A_492 = vector.shape_cast %get3A_491 : vector<1x16xf32> to vector<16xf32>
        %add3A_493 = arith.addf %get3A_488, %get3A_492 : vector<16xf32>
        %max3A = arith.constant 0.000000e+00 : f32
        %max3A_494 = vector.broadcast %max3A : f32 to vector<16xf32>
        %max3A_495 = arith.maximumf %add3A_493, %max3A_494 : vector<16xf32>
        %swap3A = arith.index_cast %scan3A_484 : i32 to index
        %swap3A_496 = arith.constant 0 : index
        %swap3A_497 = tpu.vector_load %arg16[%swap3A, %swap3A_496] {strides = array<i32>} : memref<64x128xf32, #tpu.memory_space<vmem>>, vector<1x16xf32>,
        %swap3A_498 = vector.shape_cast %swap3A_497 : vector<1x16xf32> to vector<16xf32>
        %swap3A_499 = vector.shape_cast %max3A_495 : vector<16xf32> to vector<1x16xf32>
        tpu.vector_store %arg16[%swap3A, %swap3A_496], %swap3A_499 {strides = array<i32>} : memref<64x128xf32, #tpu.memory_space<vmem>>, vector<1x16xf32>,
        %get3A_500 = arith.index_cast %scan3A_484 : i32 to index
        %get3A_501 = arith.constant 16 : index
        %get3A_502 = tpu.vector_load %arg14[%get3A_500, %get3A_501] {strides = array<i32>} : memref<64x128xf32, #tpu.memory_space<vmem>>, vector<1x16xf32>,
        %get3A_503 = vector.shape_cast %get3A_502 : vector<1x16xf32> to vector<16xf32>
        %get3A_504 = arith.index_cast %scan3A_484 : i32 to index
        %get3A_505 = arith.constant 16 : index
        %get3A_506 = tpu.vector_load %arg16[%get3A_504, %get3A_505] {strides = array<i32>} : memref<64x128xf32, #tpu.memory_space<vmem>>, vector<1x16xf32>,
        %get3A_507 = vector.shape_cast %get3A_506 : vector<1x16xf32> to vector<16xf32>
        %add3A_508 = arith.addf %get3A_503, %get3A_507 : vector<16xf32>
        %max3A_509 = arith.constant 0.000000e+00 : f32
        %max3A_510 = vector.broadcast %max3A_509 : f32 to vector<16xf32>
        %max3A_511 = arith.maximumf %add3A_508, %max3A_510 : vector<16xf32>
        %swap3A_512 = arith.index_cast %scan3A_484 : i32 to index
        %swap3A_513 = arith.constant 16 : index
        %swap3A_514 = tpu.vector_load %arg16[%swap3A_512, %swap3A_513] {strides = array<i32>} : memref<64x128xf32, #tpu.memory_space<vmem>>, vector<1x16xf32>,
        %swap3A_515 = vector.shape_cast %swap3A_514 : vector<1x16xf32> to vector<16xf32>
        %swap3A_516 = vector.shape_cast %max3A_511 : vector<16xf32> to vector<1x16xf32>
        tpu.vector_store %arg16[%swap3A_512, %swap3A_513], %swap3A_516 {strides = array<i32>} : memref<64x128xf32, #tpu.memory_space<vmem>>, vector<1x16xf32>,
        %get3A_517 = arith.index_cast %scan3A_484 : i32 to index
        %get3A_518 = arith.constant 32 : index
        %get3A_519 = tpu.vector_load %arg14[%get3A_517, %get3A_518] {strides = array<i32>} : memref<64x128xf32, #tpu.memory_space<vmem>>, vector<1x16xf32>,
        %get3A_520 = vector.shape_cast %get3A_519 : vector<1x16xf32> to vector<16xf32>
        %get3A_521 = arith.index_cast %scan3A_484 : i32 to index
        %get3A_522 = arith.constant 32 : index
        %get3A_523 = tpu.vector_load %arg16[%get3A_521, %get3A_522] {strides = array<i32>} : memref<64x128xf32, #tpu.memory_space<vmem>>, vector<1x16xf32>,
        %get3A_524 = vector.shape_cast %get3A_523 : vector<1x16xf32> to vector<16xf32>
        %add3A_525 = arith.addf %get3A_520, %get3A_524 : vector<16xf32>
        %max3A_526 = arith.constant 0.000000e+00 : f32
        %max3A_527 = vector.broadcast %max3A_526 : f32 to vector<16xf32>
        %max3A_528 = arith.maximumf %add3A_525, %max3A_527 : vector<16xf32>
        %swap3A_529 = arith.index_cast %scan3A_484 : i32 to index
        %swap3A_530 = arith.constant 32 : index
        %swap3A_531 = tpu.vector_load %arg16[%swap3A_529, %swap3A_530] {strides = array<i32>} : memref<64x128xf32, #tpu.memory_space<vmem>>, vector<1x16xf32>,
        %swap3A_532 = vector.shape_cast %swap3A_531 : vector<1x16xf32> to vector<16xf32>
        %swap3A_533 = vector.shape_cast %max3A_528 : vector<16xf32> to vector<1x16xf32>
        tpu.vector_store %arg16[%swap3A_529, %swap3A_530], %swap3A_533 {strides = array<i32>} : memref<64x128xf32, #tpu.memory_space<vmem>>, vector<1x16xf32>,
        %get3A_534 = arith.index_cast %scan3A_484 : i32 to index
        %get3A_535 = arith.constant 48 : index
        %get3A_536 = tpu.vector_load %arg14[%get3A_534, %get3A_535] {strides = array<i32>} : memref<64x128xf32, #tpu.memory_space<vmem>>, vector<1x16xf32>,
        %get3A_537 = vector.shape_cast %get3A_536 : vector<1x16xf32> to vector<16xf32>
        %get3A_538 = arith.index_cast %scan3A_484 : i32 to index
        %get3A_539 = arith.constant 48 : index
        %get3A_540 = tpu.vector_load %arg16[%get3A_538, %get3A_539] {strides = array<i32>} : memref<64x128xf32, #tpu.memory_space<vmem>>, vector<1x16xf32>,
        %get3A_541 = vector.shape_cast %get3A_540 : vector<1x16xf32> to vector<16xf32>
        %add3A_542 = arith.addf %get3A_537, %get3A_541 : vector<16xf32>
        %max3A_543 = arith.constant 0.000000e+00 : f32
        %max3A_544 = vector.broadcast %max3A_543 : f32 to vector<16xf32>
        %max3A_545 = arith.maximumf %add3A_542, %max3A_544 : vector<16xf32>
        %swap3A_546 = arith.index_cast %scan3A_484 : i32 to index
        %swap3A_547 = arith.constant 48 : index
        %swap3A_548 = tpu.vector_load %arg16[%swap3A_546, %swap3A_547] {strides = array<i32>} : memref<64x128xf32, #tpu.memory_space<vmem>>, vector<1x16xf32>,
        %swap3A_549 = vector.shape_cast %swap3A_548 : vector<1x16xf32> to vector<16xf32>
        %swap3A_550 = vector.shape_cast %max3A_545 : vector<16xf32> to vector<1x16xf32>
        tpu.vector_store %arg16[%swap3A_546, %swap3A_547], %swap3A_550 {strides = array<i32>} : memref<64x128xf32, #tpu.memory_space<vmem>>, vector<1x16xf32>,
        %get3A_551 = arith.index_cast %scan3A_484 : i32 to index
        %get3A_552 = arith.constant 64 : index
        %get3A_553 = tpu.vector_load %arg14[%get3A_551, %get3A_552] {strides = array<i32>} : memref<64x128xf32, #tpu.memory_space<vmem>>, vector<1x16xf32>,
        %get3A_554 = vector.shape_cast %get3A_553 : vector<1x16xf32> to vector<16xf32>
        %get3A_555 = arith.index_cast %scan3A_484 : i32 to index
        %get3A_556 = arith.constant 64 : index
        %get3A_557 = tpu.vector_load %arg16[%get3A_555, %get3A_556] {strides = array<i32>} : memref<64x128xf32, #tpu.memory_space<vmem>>, vector<1x16xf32>,
        %get3A_558 = vector.shape_cast %get3A_557 : vector<1x16xf32> to vector<16xf32>
        %add3A_559 = arith.addf %get3A_554, %get3A_558 : vector<16xf32>
        %max3A_560 = arith.constant 0.000000e+00 : f32
        %max3A_561 = vector.broadcast %max3A_560 : f32 to vector<16xf32>
        %max3A_562 = arith.maximumf %add3A_559, %max3A_561 : vector<16xf32>
        %swap3A_563 = arith.index_cast %scan3A_484 : i32 to index
        %swap3A_564 = arith.constant 64 : index
        %swap3A_565 = tpu.vector_load %arg16[%swap3A_563, %swap3A_564] {strides = array<i32>} : memref<64x128xf32, #tpu.memory_space<vmem>>, vector<1x16xf32>,
        %swap3A_566 = vector.shape_cast %swap3A_565 : vector<1x16xf32> to vector<16xf32>
        %swap3A_567 = vector.shape_cast %max3A_562 : vector<16xf32> to vector<1x16xf32>
        tpu.vector_store %arg16[%swap3A_563, %swap3A_564], %swap3A_567 {strides = array<i32>} : memref<64x128xf32, #tpu.memory_space<vmem>>, vector<1x16xf32>,
        %get3A_568 = arith.index_cast %scan3A_484 : i32 to index
        %get3A_569 = arith.constant 80 : index
        %get3A_570 = tpu.vector_load %arg14[%get3A_568, %get3A_569] {strides = array<i32>} : memref<64x128xf32, #tpu.memory_space<vmem>>, vector<1x16xf32>,
        %get3A_571 = vector.shape_cast %get3A_570 : vector<1x16xf32> to vector<16xf32>
        %get3A_572 = arith.index_cast %scan3A_484 : i32 to index
        %get3A_573 = arith.constant 80 : index
        %get3A_574 = tpu.vector_load %arg16[%get3A_572, %get3A_573] {strides = array<i32>} : memref<64x128xf32, #tpu.memory_space<vmem>>, vector<1x16xf32>,
        %get3A_575 = vector.shape_cast %get3A_574 : vector<1x16xf32> to vector<16xf32>
        %add3A_576 = arith.addf %get3A_571, %get3A_575 : vector<16xf32>
        %max3A_577 = arith.constant 0.000000e+00 : f32
        %max3A_578 = vector.broadcast %max3A_577 : f32 to vector<16xf32>
        %max3A_579 = arith.maximumf %add3A_576, %max3A_578 : vector<16xf32>
        %swap3A_580 = arith.index_cast %scan3A_484 : i32 to index
        %swap3A_581 = arith.constant 80 : index
        %swap3A_582 = tpu.vector_load %arg16[%swap3A_580, %swap3A_581] {strides = array<i32>} : memref<64x128xf32, #tpu.memory_space<vmem>>, vector<1x16xf32>,
        %swap3A_583 = vector.shape_cast %swap3A_582 : vector<1x16xf32> to vector<16xf32>
        %swap3A_584 = vector.shape_cast %max3A_579 : vector<16xf32> to vector<1x16xf32>
        tpu.vector_store %arg16[%swap3A_580, %swap3A_581], %swap3A_584 {strides = array<i32>} : memref<64x128xf32, #tpu.memory_space<vmem>>, vector<1x16xf32>,
        %get3A_585 = arith.index_cast %scan3A_484 : i32 to index
        %get3A_586 = arith.constant 96 : index
        %get3A_587 = tpu.vector_load %arg14[%get3A_585, %get3A_586] {strides = array<i32>} : memref<64x128xf32, #tpu.memory_space<vmem>>, vector<1x16xf32>,
        %get3A_588 = vector.shape_cast %get3A_587 : vector<1x16xf32> to vector<16xf32>
        %get3A_589 = arith.index_cast %scan3A_484 : i32 to index
        %get3A_590 = arith.constant 96 : index
        %get3A_591 = tpu.vector_load %arg16[%get3A_589, %get3A_590] {strides = array<i32>} : memref<64x128xf32, #tpu.memory_space<vmem>>, vector<1x16xf32>,
        %get3A_592 = vector.shape_cast %get3A_591 : vector<1x16xf32> to vector<16xf32>
        %add3A_593 = arith.addf %get3A_588, %get3A_592 : vector<16xf32>
        %max3A_594 = arith.constant 0.000000e+00 : f32
        %max3A_595 = vector.broadcast %max3A_594 : f32 to vector<16xf32>
        %max3A_596 = arith.maximumf %add3A_593, %max3A_595 : vector<16xf32>
        %swap3A_597 = arith.index_cast %scan3A_484 : i32 to index
        %swap3A_598 = arith.constant 96 : index
        %swap3A_599 = tpu.vector_load %arg16[%swap3A_597, %swap3A_598] {strides = array<i32>} : memref<64x128xf32, #tpu.memory_space<vmem>>, vector<1x16xf32>,
        %swap3A_600 = vector.shape_cast %swap3A_599 : vector<1x16xf32> to vector<16xf32>
        %swap3A_601 = vector.shape_cast %max3A_596 : vector<16xf32> to vector<1x16xf32>
        tpu.vector_store %arg16[%swap3A_597, %swap3A_598], %swap3A_601 {strides = array<i32>} : memref<64x128xf32, #tpu.memory_space<vmem>>, vector<1x16xf32>,
        %get3A_602 = arith.index_cast %scan3A_484 : i32 to index
        %get3A_603 = arith.constant 112 : index
        %get3A_604 = tpu.vector_load %arg14[%get3A_602, %get3A_603] {strides = array<i32>} : memref<64x128xf32, #tpu.memory_space<vmem>>, vector<1x16xf32>,
        %get3A_605 = vector.shape_cast %get3A_604 : vector<1x16xf32> to vector<16xf32>
        %get3A_606 = arith.index_cast %scan3A_484 : i32 to index
        %get3A_607 = arith.constant 112 : index
        %get3A_608 = tpu.vector_load %arg16[%get3A_606, %get3A_607] {strides = array<i32>} : memref<64x128xf32, #tpu.memory_space<vmem>>, vector<1x16xf32>,
        %get3A_609 = vector.shape_cast %get3A_608 : vector<1x16xf32> to vector<16xf32>
        %add3A_610 = arith.addf %get3A_605, %get3A_609 : vector<16xf32>
        %max3A_611 = arith.constant 0.000000e+00 : f32
        %max3A_612 = vector.broadcast %max3A_611 : f32 to vector<16xf32>
        %max3A_613 = arith.maximumf %add3A_610, %max3A_612 : vector<16xf32>
        %swap3A_614 = arith.index_cast %scan3A_484 : i32 to index
        %swap3A_615 = arith.constant 112 : index
        %swap3A_616 = tpu.vector_load %arg16[%swap3A_614, %swap3A_615] {strides = array<i32>} : memref<64x128xf32, #tpu.memory_space<vmem>>, vector<1x16xf32>,
        %swap3A_617 = vector.shape_cast %swap3A_616 : vector<1x16xf32> to vector<16xf32>
        %swap3A_618 = vector.shape_cast %max3A_613 : vector<16xf32> to vector<1x16xf32>
        tpu.vector_store %arg16[%swap3A_614, %swap3A_615], %swap3A_618 {strides = array<i32>} : memref<64x128xf32, #tpu.memory_space<vmem>>, vector<1x16xf32>,
        %scan3A_619 = arith.constant 0 : i32
        scf.yield %scan3A_619 : i32
      }
      %scan3A_346 = arith.constant 64 : i32
      %add3A_347 = arith.constant 2 : i32
      %add3A_348 = arith.addi %add3A_317, %add3A_347 : i32
      %lt3A_349 = arith.constant 156 : i32
      %lt3A_350 = arith.cmpi slt, %add3A_348, %lt3A_349 : i32
      %convert_element_type3A_351 = arith.extui %lt3A_350 : i1 to i32
      %cond3A_352 = arith.constant 0 : i32
      %cond3A_353 = arith.cmpi ne, %convert_element_type3A_351, %cond3A_352 : i32
      scf.if %cond3A_353 {
        %add3A_484 = arith.constant 2 : i32
        %add3A_485 = arith.addi %add3A_317, %add3A_484 : i32
        %mul3A_486 = arith.constant 64 : i32
        %mul3A_487 = arith.muli %add3A_485, %mul3A_486 : i32
        %add3A_488 = arith.addi %mul3A_30, %mul3A_487 : i32
        %dma_wait3A_489 = tpu.memref_slice %arg3[%add3A_488] : memref<320000xi32, #tpu.memory_space<hbm>> -> memref<64xi32, #tpu.memory_space<hbm>>
        %dma_wait3A_490 = tpu.memref_slice %arg3[%add3A_488] : memref<320000xi32, #tpu.memory_space<hbm>> -> memref<64xi32, #tpu.memory_space<hbm>>
        tpu.wait_dma2 semaphore(%arg23 : memref<!tpu.dma_semaphore, #tpu.memory_space<semaphore_mem>>) src(%dma_wait3A_490 : memref<64xi32, #tpu.memory_space<hbm>>) dst(%arg10 : memref<64xi32, #tpu.memory_space<vmem>>)
        %dma_start3A_491 = arith.constant 0 : i32
        %dma_start3A_492 = arith.constant 0 : i32
        %dma_start3A_493 = tpu.memref_slice %arg2[%dma_start3A_491, %dma_start3A_492] : memref<10000x128xf32, #tpu.memory_space<hbm>> -> memref<10000x128xf32, #tpu.memory_space<hbm>>
        tpu.enqueue_indirect_dma source(%dma_start3A_493 : memref<10000x128xf32, #tpu.memory_space<hbm>>) target(%arg14 : memref<64x128xf32, #tpu.memory_space<vmem>>) offsets(%arg10 : memref<64xi32, #tpu.memory_space<vmem>>) semaphore(%arg27 : memref<!tpu.dma_semaphore, #tpu.memory_space<semaphore_mem>>)
      } else {
      }
      %mul3A_354 = arith.constant 64 : i32
      %mul3A_355 = arith.muli %add3A_317, %mul3A_354 : i32
      %add3A_356 = arith.addi %mul3A_30, %mul3A_355 : i32
      %dma_wait3A_357 = tpu.memref_slice %arg4[%add3A_356] : memref<320000xi32, #tpu.memory_space<hbm>> -> memref<64xi32, #tpu.memory_space<hbm>>
      %dma_wait3A_358 = tpu.memref_slice %arg4[%add3A_356] : memref<320000xi32, #tpu.memory_space<hbm>> -> memref<64xi32, #tpu.memory_space<hbm>>
      tpu.wait_dma2 semaphore(%arg25 : memref<!tpu.dma_semaphore, #tpu.memory_space<semaphore_mem>>) src(%dma_wait3A_358 : memref<64xi32, #tpu.memory_space<hbm>>) dst(%arg12 : memref<64xi32, #tpu.memory_space<vmem>>)
      %dma_start3A_359 = arith.constant 0 : i32
      %dma_start3A_360 = arith.constant 0 : i32
      %dma_start3A_361 = tpu.memref_slice %arg19[%dma_start3A_359, %dma_start3A_360] : memref<10240x128xf32, #tpu.memory_space<vmem_shared>> -> memref<10240x128xf32, #tpu.memory_space<vmem_shared>>
      tpu.enqueue_indirect_dma source(%arg16 : memref<64x128xf32, #tpu.memory_space<vmem>>) target(%dma_start3A_361 : memref<10240x128xf32, #tpu.memory_space<vmem_shared>>) offsets(%arg12 : memref<64xi32, #tpu.memory_space<vmem>>) semaphore(%arg31 : memref<!tpu.dma_semaphore, #tpu.memory_space<semaphore_mem>>) {add = true}
      %dma_wait3A_362 = arith.constant 0 : i32
      %dma_wait3A_363 = arith.constant 0 : i32
      %dma_wait3A_364 = tpu.memref_slice %arg19[%dma_wait3A_362, %dma_wait3A_363] : memref<10240x128xf32, #tpu.memory_space<vmem_shared>> -> memref<10240x128xf32, #tpu.memory_space<vmem_shared>>
      tpu.wait_indirect_dma semaphore(%arg31 : memref<!tpu.dma_semaphore, #tpu.memory_space<semaphore_mem>>) src(%arg16 : memref<64x128xf32, #tpu.memory_space<vmem>>) dst(%dma_wait3A_364 : memref<10240x128xf32, #tpu.memory_space<vmem_shared>>)
      %add3A_365 = arith.constant 2 : i32
      %add3A_366 = arith.addi %add3A_317, %add3A_365 : i32
      %lt3A_367 = arith.constant 156 : i32
      %lt3A_368 = arith.cmpi slt, %add3A_366, %lt3A_367 : i32
      %convert_element_type3A_369 = arith.extui %lt3A_368 : i1 to i32
      %cond3A_370 = arith.constant 0 : i32
      %cond3A_371 = arith.cmpi ne, %convert_element_type3A_369, %cond3A_370 : i32
      scf.if %cond3A_371 {
        %add3A_484 = arith.constant 2 : i32
        %add3A_485 = arith.addi %add3A_317, %add3A_484 : i32
        %mul3A_486 = arith.constant 64 : i32
        %mul3A_487 = arith.muli %add3A_485, %mul3A_486 : i32
        %add3A_488 = arith.addi %mul3A_30, %mul3A_487 : i32
        %dma_start3A_489 = arith.constant 0 : i32
        %dma_start3A_490 = tpu.memref_slice %arg5[%add3A_488, %dma_start3A_489] : memref<320000x128xf32, #tpu.memory_space<hbm>> -> memref<64x128xf32, #tpu.memory_space<hbm>>
        %dma_start3A_491 = arith.constant 0 : i32
        %dma_start3A_492 = tpu.memref_slice %arg5[%add3A_488, %dma_start3A_491] : memref<320000x128xf32, #tpu.memory_space<hbm>> -> memref<64x128xf32, #tpu.memory_space<hbm>>
        tpu.enqueue_dma source(%dma_start3A_492 : memref<64x128xf32, #tpu.memory_space<hbm>>) target(%arg16 : memref<64x128xf32, #tpu.memory_space<vmem>>) target_semaphore(%arg29 : memref<!tpu.dma_semaphore, #tpu.memory_space<semaphore_mem>>)
      } else {
      }
      %add3A_372 = arith.constant 2 : i32
      %add3A_373 = arith.addi %add3A_262, %add3A_372 : i32
      %dma_wait3A_374 = arith.constant 0 : i32
      %dma_wait3A_375 = arith.constant 0 : i32
      %dma_wait3A_376 = tpu.memref_slice %arg2[%dma_wait3A_374, %dma_wait3A_375] : memref<10000x128xf32, #tpu.memory_space<hbm>> -> memref<10000x128xf32, #tpu.memory_space<hbm>>
      tpu.wait_indirect_dma semaphore(%arg26 : memref<!tpu.dma_semaphore, #tpu.memory_space<semaphore_mem>>) src(%dma_wait3A_376 : memref<10000x128xf32, #tpu.memory_space<hbm>>) dst(%arg13 : memref<64x128xf32, #tpu.memory_space<vmem>>)
      %mul3A_377 = arith.constant 64 : i32
      %mul3A_378 = arith.muli %add3A_373, %mul3A_377 : i32
      %add3A_379 = arith.addi %mul3A_30, %mul3A_378 : i32
      %dma_wait3A_380 = arith.constant 0 : i32
      %dma_wait3A_381 = tpu.memref_slice %arg5[%add3A_379, %dma_wait3A_380] : memref<320000x128xf32, #tpu.memory_space<hbm>> -> memref<64x128xf32, #tpu.memory_space<hbm>>
      %dma_wait3A_382 = arith.constant 0 : i32
      %dma_wait3A_383 = tpu.memref_slice %arg5[%add3A_379, %dma_wait3A_382] : memref<320000x128xf32, #tpu.memory_space<hbm>> -> memref<64x128xf32, #tpu.memory_space<hbm>>
      tpu.wait_dma2 semaphore(%arg28 : memref<!tpu.dma_semaphore, #tpu.memory_space<semaphore_mem>>) src(%dma_wait3A_383 : memref<64x128xf32, #tpu.memory_space<hbm>>) dst(%arg15 : memref<64x128xf32, #tpu.memory_space<vmem>>)
      %add3A_384 = arith.constant 4 : i32
      %add3A_385 = arith.addi %add3A_373, %add3A_384 : i32
      %lt3A_386 = arith.constant 156 : i32
      %lt3A_387 = arith.cmpi slt, %add3A_385, %lt3A_386 : i32
      %convert_element_type3A_388 = arith.extui %lt3A_387 : i1 to i32
      %cond3A_389 = arith.constant 0 : i32
      %cond3A_390 = arith.cmpi ne, %convert_element_type3A_388, %cond3A_389 : i32
      scf.if %cond3A_390 {
        %add3A_484 = arith.constant 4 : i32
        %add3A_485 = arith.addi %add3A_373, %add3A_484 : i32
        %mul3A_486 = arith.constant 64 : i32
        %mul3A_487 = arith.muli %add3A_485, %mul3A_486 : i32
        %add3A_488 = arith.addi %mul3A_30, %mul3A_487 : i32
        %dma_start3A_489 = tpu.memref_slice %arg3[%add3A_488] : memref<320000xi32, #tpu.memory_space<hbm>> -> memref<64xi32, #tpu.memory_space<hbm>>
        %dma_start3A_490 = tpu.memref_slice %arg3[%add3A_488] : memref<320000xi32, #tpu.memory_space<hbm>> -> memref<64xi32, #tpu.memory_space<hbm>>
        tpu.enqueue_dma source(%dma_start3A_490 : memref<64xi32, #tpu.memory_space<hbm>>) target(%arg9 : memref<64xi32, #tpu.memory_space<vmem>>) target_semaphore(%arg22 : memref<!tpu.dma_semaphore, #tpu.memory_space<semaphore_mem>>)
      } else {
      }
      %mul3A_391 = arith.constant 64 : i32
      %mul3A_392 = arith.muli %add3A_373, %mul3A_391 : i32
      %add3A_393 = arith.addi %mul3A_30, %mul3A_392 : i32
      %dma_start3A_394 = tpu.memref_slice %arg4[%add3A_393] : memref<320000xi32, #tpu.memory_space<hbm>> -> memref<64xi32, #tpu.memory_space<hbm>>
      %dma_start3A_395 = tpu.memref_slice %arg4[%add3A_393] : memref<320000xi32, #tpu.memory_space<hbm>> -> memref<64xi32, #tpu.memory_space<hbm>>
      tpu.enqueue_dma source(%dma_start3A_395 : memref<64xi32, #tpu.memory_space<hbm>>) target(%arg11 : memref<64xi32, #tpu.memory_space<vmem>>) target_semaphore(%arg24 : memref<!tpu.dma_semaphore, #tpu.memory_space<semaphore_mem>>)
      %scan3A_396 = arith.constant 0 : i32
      %scan3A_397 = arith.constant 0 : i32
      %scan3A_398 = arith.constant 64 : i32
      %scan3A_399 = arith.addi %scan3A_397, %scan3A_398 : i32
      %scan3A_400 = arith.constant 1 : i32
      %scan3A_401 = scf.for %scan3A_484 = %scan3A_397 to %scan3A_399 step %scan3A_400 iter_args(%scan3A_485 = %scan3A_396) -> (i32)  : i32 {
        %get3A = arith.index_cast %scan3A_484 : i32 to index
        %get3A_486 = arith.constant 0 : index
        %get3A_487 = tpu.vector_load %arg13[%get3A, %get3A_486] {strides = array<i32>} : memref<64x128xf32, #tpu.memory_space<vmem>>, vector<1x16xf32>,
        %get3A_488 = vector.shape_cast %get3A_487 : vector<1x16xf32> to vector<16xf32>
        %get3A_489 = arith.index_cast %scan3A_484 : i32 to index
        %get3A_490 = arith.constant 0 : index
        %get3A_491 = tpu.vector_load %arg15[%get3A_489, %get3A_490] {strides = array<i32>} : memref<64x128xf32, #tpu.memory_space<vmem>>, vector<1x16xf32>,
        %get3A_492 = vector.shape_cast %get3A_491 : vector<1x16xf32> to vector<16xf32>
        %add3A_493 = arith.addf %get3A_488, %get3A_492 : vector<16xf32>
        %max3A = arith.constant 0.000000e+00 : f32
        %max3A_494 = vector.broadcast %max3A : f32 to vector<16xf32>
        %max3A_495 = arith.maximumf %add3A_493, %max3A_494 : vector<16xf32>
        %swap3A = arith.index_cast %scan3A_484 : i32 to index
        %swap3A_496 = arith.constant 0 : index
        %swap3A_497 = tpu.vector_load %arg15[%swap3A, %swap3A_496] {strides = array<i32>} : memref<64x128xf32, #tpu.memory_space<vmem>>, vector<1x16xf32>,
        %swap3A_498 = vector.shape_cast %swap3A_497 : vector<1x16xf32> to vector<16xf32>
        %swap3A_499 = vector.shape_cast %max3A_495 : vector<16xf32> to vector<1x16xf32>
        tpu.vector_store %arg15[%swap3A, %swap3A_496], %swap3A_499 {strides = array<i32>} : memref<64x128xf32, #tpu.memory_space<vmem>>, vector<1x16xf32>,
        %get3A_500 = arith.index_cast %scan3A_484 : i32 to index
        %get3A_501 = arith.constant 16 : index
        %get3A_502 = tpu.vector_load %arg13[%get3A_500, %get3A_501] {strides = array<i32>} : memref<64x128xf32, #tpu.memory_space<vmem>>, vector<1x16xf32>,
        %get3A_503 = vector.shape_cast %get3A_502 : vector<1x16xf32> to vector<16xf32>
        %get3A_504 = arith.index_cast %scan3A_484 : i32 to index
        %get3A_505 = arith.constant 16 : index
        %get3A_506 = tpu.vector_load %arg15[%get3A_504, %get3A_505] {strides = array<i32>} : memref<64x128xf32, #tpu.memory_space<vmem>>, vector<1x16xf32>,
        %get3A_507 = vector.shape_cast %get3A_506 : vector<1x16xf32> to vector<16xf32>
        %add3A_508 = arith.addf %get3A_503, %get3A_507 : vector<16xf32>
        %max3A_509 = arith.constant 0.000000e+00 : f32
        %max3A_510 = vector.broadcast %max3A_509 : f32 to vector<16xf32>
        %max3A_511 = arith.maximumf %add3A_508, %max3A_510 : vector<16xf32>
        %swap3A_512 = arith.index_cast %scan3A_484 : i32 to index
        %swap3A_513 = arith.constant 16 : index
        %swap3A_514 = tpu.vector_load %arg15[%swap3A_512, %swap3A_513] {strides = array<i32>} : memref<64x128xf32, #tpu.memory_space<vmem>>, vector<1x16xf32>,
        %swap3A_515 = vector.shape_cast %swap3A_514 : vector<1x16xf32> to vector<16xf32>
        %swap3A_516 = vector.shape_cast %max3A_511 : vector<16xf32> to vector<1x16xf32>
        tpu.vector_store %arg15[%swap3A_512, %swap3A_513], %swap3A_516 {strides = array<i32>} : memref<64x128xf32, #tpu.memory_space<vmem>>, vector<1x16xf32>,
        %get3A_517 = arith.index_cast %scan3A_484 : i32 to index
        %get3A_518 = arith.constant 32 : index
        %get3A_519 = tpu.vector_load %arg13[%get3A_517, %get3A_518] {strides = array<i32>} : memref<64x128xf32, #tpu.memory_space<vmem>>, vector<1x16xf32>,
        %get3A_520 = vector.shape_cast %get3A_519 : vector<1x16xf32> to vector<16xf32>
        %get3A_521 = arith.index_cast %scan3A_484 : i32 to index
        %get3A_522 = arith.constant 32 : index
        %get3A_523 = tpu.vector_load %arg15[%get3A_521, %get3A_522] {strides = array<i32>} : memref<64x128xf32, #tpu.memory_space<vmem>>, vector<1x16xf32>,
        %get3A_524 = vector.shape_cast %get3A_523 : vector<1x16xf32> to vector<16xf32>
        %add3A_525 = arith.addf %get3A_520, %get3A_524 : vector<16xf32>
        %max3A_526 = arith.constant 0.000000e+00 : f32
        %max3A_527 = vector.broadcast %max3A_526 : f32 to vector<16xf32>
        %max3A_528 = arith.maximumf %add3A_525, %max3A_527 : vector<16xf32>
        %swap3A_529 = arith.index_cast %scan3A_484 : i32 to index
        %swap3A_530 = arith.constant 32 : index
        %swap3A_531 = tpu.vector_load %arg15[%swap3A_529, %swap3A_530] {strides = array<i32>} : memref<64x128xf32, #tpu.memory_space<vmem>>, vector<1x16xf32>,
        %swap3A_532 = vector.shape_cast %swap3A_531 : vector<1x16xf32> to vector<16xf32>
        %swap3A_533 = vector.shape_cast %max3A_528 : vector<16xf32> to vector<1x16xf32>
        tpu.vector_store %arg15[%swap3A_529, %swap3A_530], %swap3A_533 {strides = array<i32>} : memref<64x128xf32, #tpu.memory_space<vmem>>, vector<1x16xf32>,
        %get3A_534 = arith.index_cast %scan3A_484 : i32 to index
        %get3A_535 = arith.constant 48 : index
        %get3A_536 = tpu.vector_load %arg13[%get3A_534, %get3A_535] {strides = array<i32>} : memref<64x128xf32, #tpu.memory_space<vmem>>, vector<1x16xf32>,
        %get3A_537 = vector.shape_cast %get3A_536 : vector<1x16xf32> to vector<16xf32>
        %get3A_538 = arith.index_cast %scan3A_484 : i32 to index
        %get3A_539 = arith.constant 48 : index
        %get3A_540 = tpu.vector_load %arg15[%get3A_538, %get3A_539] {strides = array<i32>} : memref<64x128xf32, #tpu.memory_space<vmem>>, vector<1x16xf32>,
        %get3A_541 = vector.shape_cast %get3A_540 : vector<1x16xf32> to vector<16xf32>
        %add3A_542 = arith.addf %get3A_537, %get3A_541 : vector<16xf32>
        %max3A_543 = arith.constant 0.000000e+00 : f32
        %max3A_544 = vector.broadcast %max3A_543 : f32 to vector<16xf32>
        %max3A_545 = arith.maximumf %add3A_542, %max3A_544 : vector<16xf32>
        %swap3A_546 = arith.index_cast %scan3A_484 : i32 to index
        %swap3A_547 = arith.constant 48 : index
        %swap3A_548 = tpu.vector_load %arg15[%swap3A_546, %swap3A_547] {strides = array<i32>} : memref<64x128xf32, #tpu.memory_space<vmem>>, vector<1x16xf32>,
        %swap3A_549 = vector.shape_cast %swap3A_548 : vector<1x16xf32> to vector<16xf32>
        %swap3A_550 = vector.shape_cast %max3A_545 : vector<16xf32> to vector<1x16xf32>
        tpu.vector_store %arg15[%swap3A_546, %swap3A_547], %swap3A_550 {strides = array<i32>} : memref<64x128xf32, #tpu.memory_space<vmem>>, vector<1x16xf32>,
        %get3A_551 = arith.index_cast %scan3A_484 : i32 to index
        %get3A_552 = arith.constant 64 : index
        %get3A_553 = tpu.vector_load %arg13[%get3A_551, %get3A_552] {strides = array<i32>} : memref<64x128xf32, #tpu.memory_space<vmem>>, vector<1x16xf32>,
        %get3A_554 = vector.shape_cast %get3A_553 : vector<1x16xf32> to vector<16xf32>
        %get3A_555 = arith.index_cast %scan3A_484 : i32 to index
        %get3A_556 = arith.constant 64 : index
        %get3A_557 = tpu.vector_load %arg15[%get3A_555, %get3A_556] {strides = array<i32>} : memref<64x128xf32, #tpu.memory_space<vmem>>, vector<1x16xf32>,
        %get3A_558 = vector.shape_cast %get3A_557 : vector<1x16xf32> to vector<16xf32>
        %add3A_559 = arith.addf %get3A_554, %get3A_558 : vector<16xf32>
        %max3A_560 = arith.constant 0.000000e+00 : f32
        %max3A_561 = vector.broadcast %max3A_560 : f32 to vector<16xf32>
        %max3A_562 = arith.maximumf %add3A_559, %max3A_561 : vector<16xf32>
        %swap3A_563 = arith.index_cast %scan3A_484 : i32 to index
        %swap3A_564 = arith.constant 64 : index
        %swap3A_565 = tpu.vector_load %arg15[%swap3A_563, %swap3A_564] {strides = array<i32>} : memref<64x128xf32, #tpu.memory_space<vmem>>, vector<1x16xf32>,
        %swap3A_566 = vector.shape_cast %swap3A_565 : vector<1x16xf32> to vector<16xf32>
        %swap3A_567 = vector.shape_cast %max3A_562 : vector<16xf32> to vector<1x16xf32>
        tpu.vector_store %arg15[%swap3A_563, %swap3A_564], %swap3A_567 {strides = array<i32>} : memref<64x128xf32, #tpu.memory_space<vmem>>, vector<1x16xf32>,
        %get3A_568 = arith.index_cast %scan3A_484 : i32 to index
        %get3A_569 = arith.constant 80 : index
        %get3A_570 = tpu.vector_load %arg13[%get3A_568, %get3A_569] {strides = array<i32>} : memref<64x128xf32, #tpu.memory_space<vmem>>, vector<1x16xf32>,
        %get3A_571 = vector.shape_cast %get3A_570 : vector<1x16xf32> to vector<16xf32>
        %get3A_572 = arith.index_cast %scan3A_484 : i32 to index
        %get3A_573 = arith.constant 80 : index
        %get3A_574 = tpu.vector_load %arg15[%get3A_572, %get3A_573] {strides = array<i32>} : memref<64x128xf32, #tpu.memory_space<vmem>>, vector<1x16xf32>,
        %get3A_575 = vector.shape_cast %get3A_574 : vector<1x16xf32> to vector<16xf32>
        %add3A_576 = arith.addf %get3A_571, %get3A_575 : vector<16xf32>
        %max3A_577 = arith.constant 0.000000e+00 : f32
        %max3A_578 = vector.broadcast %max3A_577 : f32 to vector<16xf32>
        %max3A_579 = arith.maximumf %add3A_576, %max3A_578 : vector<16xf32>
        %swap3A_580 = arith.index_cast %scan3A_484 : i32 to index
        %swap3A_581 = arith.constant 80 : index
        %swap3A_582 = tpu.vector_load %arg15[%swap3A_580, %swap3A_581] {strides = array<i32>} : memref<64x128xf32, #tpu.memory_space<vmem>>, vector<1x16xf32>,
        %swap3A_583 = vector.shape_cast %swap3A_582 : vector<1x16xf32> to vector<16xf32>
        %swap3A_584 = vector.shape_cast %max3A_579 : vector<16xf32> to vector<1x16xf32>
        tpu.vector_store %arg15[%swap3A_580, %swap3A_581], %swap3A_584 {strides = array<i32>} : memref<64x128xf32, #tpu.memory_space<vmem>>, vector<1x16xf32>,
        %get3A_585 = arith.index_cast %scan3A_484 : i32 to index
        %get3A_586 = arith.constant 96 : index
        %get3A_587 = tpu.vector_load %arg13[%get3A_585, %get3A_586] {strides = array<i32>} : memref<64x128xf32, #tpu.memory_space<vmem>>, vector<1x16xf32>,
        %get3A_588 = vector.shape_cast %get3A_587 : vector<1x16xf32> to vector<16xf32>
        %get3A_589 = arith.index_cast %scan3A_484 : i32 to index
        %get3A_590 = arith.constant 96 : index
        %get3A_591 = tpu.vector_load %arg15[%get3A_589, %get3A_590] {strides = array<i32>} : memref<64x128xf32, #tpu.memory_space<vmem>>, vector<1x16xf32>,
        %get3A_592 = vector.shape_cast %get3A_591 : vector<1x16xf32> to vector<16xf32>
        %add3A_593 = arith.addf %get3A_588, %get3A_592 : vector<16xf32>
        %max3A_594 = arith.constant 0.000000e+00 : f32
        %max3A_595 = vector.broadcast %max3A_594 : f32 to vector<16xf32>
        %max3A_596 = arith.maximumf %add3A_593, %max3A_595 : vector<16xf32>
        %swap3A_597 = arith.index_cast %scan3A_484 : i32 to index
        %swap3A_598 = arith.constant 96 : index
        %swap3A_599 = tpu.vector_load %arg15[%swap3A_597, %swap3A_598] {strides = array<i32>} : memref<64x128xf32, #tpu.memory_space<vmem>>, vector<1x16xf32>,
        %swap3A_600 = vector.shape_cast %swap3A_599 : vector<1x16xf32> to vector<16xf32>
        %swap3A_601 = vector.shape_cast %max3A_596 : vector<16xf32> to vector<1x16xf32>
        tpu.vector_store %arg15[%swap3A_597, %swap3A_598], %swap3A_601 {strides = array<i32>} : memref<64x128xf32, #tpu.memory_space<vmem>>, vector<1x16xf32>,
        %get3A_602 = arith.index_cast %scan3A_484 : i32 to index
        %get3A_603 = arith.constant 112 : index
        %get3A_604 = tpu.vector_load %arg13[%get3A_602, %get3A_603] {strides = array<i32>} : memref<64x128xf32, #tpu.memory_space<vmem>>, vector<1x16xf32>,
        %get3A_605 = vector.shape_cast %get3A_604 : vector<1x16xf32> to vector<16xf32>
        %get3A_606 = arith.index_cast %scan3A_484 : i32 to index
        %get3A_607 = arith.constant 112 : index
        %get3A_608 = tpu.vector_load %arg15[%get3A_606, %get3A_607] {strides = array<i32>} : memref<64x128xf32, #tpu.memory_space<vmem>>, vector<1x16xf32>,
        %get3A_609 = vector.shape_cast %get3A_608 : vector<1x16xf32> to vector<16xf32>
        %add3A_610 = arith.addf %get3A_605, %get3A_609 : vector<16xf32>
        %max3A_611 = arith.constant 0.000000e+00 : f32
        %max3A_612 = vector.broadcast %max3A_611 : f32 to vector<16xf32>
        %max3A_613 = arith.maximumf %add3A_610, %max3A_612 : vector<16xf32>
        %swap3A_614 = arith.index_cast %scan3A_484 : i32 to index
        %swap3A_615 = arith.constant 112 : index
        %swap3A_616 = tpu.vector_load %arg15[%swap3A_614, %swap3A_615] {strides = array<i32>} : memref<64x128xf32, #tpu.memory_space<vmem>>, vector<1x16xf32>,
        %swap3A_617 = vector.shape_cast %swap3A_616 : vector<1x16xf32> to vector<16xf32>
        %swap3A_618 = vector.shape_cast %max3A_613 : vector<16xf32> to vector<1x16xf32>
        tpu.vector_store %arg15[%swap3A_614, %swap3A_615], %swap3A_618 {strides = array<i32>} : memref<64x128xf32, #tpu.memory_space<vmem>>, vector<1x16xf32>,
        %scan3A_619 = arith.constant 0 : i32
        scf.yield %scan3A_619 : i32
      }
      %scan3A_402 = arith.constant 64 : i32
      %add3A_403 = arith.constant 2 : i32
      %add3A_404 = arith.addi %add3A_373, %add3A_403 : i32
      %lt3A_405 = arith.constant 156 : i32
      %lt3A_406 = arith.cmpi slt, %add3A_404, %lt3A_405 : i32
      %convert_element_type3A_407 = arith.extui %lt3A_406 : i1 to i32
      %cond3A_408 = arith.constant 0 : i32
      %cond3A_409 = arith.cmpi ne, %convert_element_type3A_407, %cond3A_408 : i32
      scf.if %cond3A_409 {
        %add3A_484 = arith.constant 2 : i32
        %add3A_485 = arith.addi %add3A_373, %add3A_484 : i32
        %mul3A_486 = arith.constant 64 : i32
        %mul3A_487 = arith.muli %add3A_485, %mul3A_486 : i32
        %add3A_488 = arith.addi %mul3A_30, %mul3A_487 : i32
        %dma_wait3A_489 = tpu.memref_slice %arg3[%add3A_488] : memref<320000xi32, #tpu.memory_space<hbm>> -> memref<64xi32, #tpu.memory_space<hbm>>
        %dma_wait3A_490 = tpu.memref_slice %arg3[%add3A_488] : memref<320000xi32, #tpu.memory_space<hbm>> -> memref<64xi32, #tpu.memory_space<hbm>>
        tpu.wait_dma2 semaphore(%arg20 : memref<!tpu.dma_semaphore, #tpu.memory_space<semaphore_mem>>) src(%dma_wait3A_490 : memref<64xi32, #tpu.memory_space<hbm>>) dst(%arg7 : memref<64xi32, #tpu.memory_space<vmem>>)
        %dma_start3A_491 = arith.constant 0 : i32
        %dma_start3A_492 = arith.constant 0 : i32
        %dma_start3A_493 = tpu.memref_slice %arg2[%dma_start3A_491, %dma_start3A_492] : memref<10000x128xf32, #tpu.memory_space<hbm>> -> memref<10000x128xf32, #tpu.memory_space<hbm>>
        tpu.enqueue_indirect_dma source(%dma_start3A_493 : memref<10000x128xf32, #tpu.memory_space<hbm>>) target(%arg13 : memref<64x128xf32, #tpu.memory_space<vmem>>) offsets(%arg7 : memref<64xi32, #tpu.memory_space<vmem>>) semaphore(%arg26 : memref<!tpu.dma_semaphore, #tpu.memory_space<semaphore_mem>>)
      } else {
      }
      %mul3A_410 = arith.constant 64 : i32
      %mul3A_411 = arith.muli %add3A_373, %mul3A_410 : i32
      %add3A_412 = arith.addi %mul3A_30, %mul3A_411 : i32
      %dma_wait3A_413 = tpu.memref_slice %arg4[%add3A_412] : memref<320000xi32, #tpu.memory_space<hbm>> -> memref<64xi32, #tpu.memory_space<hbm>>
      %dma_wait3A_414 = tpu.memref_slice %arg4[%add3A_412] : memref<320000xi32, #tpu.memory_space<hbm>> -> memref<64xi32, #tpu.memory_space<hbm>>
      tpu.wait_dma2 semaphore(%arg24 : memref<!tpu.dma_semaphore, #tpu.memory_space<semaphore_mem>>) src(%dma_wait3A_414 : memref<64xi32, #tpu.memory_space<hbm>>) dst(%arg11 : memref<64xi32, #tpu.memory_space<vmem>>)
      %dma_start3A_415 = arith.constant 0 : i32
      %dma_start3A_416 = arith.constant 0 : i32
      %dma_start3A_417 = tpu.memref_slice %arg19[%dma_start3A_415, %dma_start3A_416] : memref<10240x128xf32, #tpu.memory_space<vmem_shared>> -> memref<10240x128xf32, #tpu.memory_space<vmem_shared>>
      tpu.enqueue_indirect_dma source(%arg15 : memref<64x128xf32, #tpu.memory_space<vmem>>) target(%dma_start3A_417 : memref<10240x128xf32, #tpu.memory_space<vmem_shared>>) offsets(%arg11 : memref<64xi32, #tpu.memory_space<vmem>>) semaphore(%arg30 : memref<!tpu.dma_semaphore, #tpu.memory_space<semaphore_mem>>) {add = true}
      %dma_wait3A_418 = arith.constant 0 : i32
      %dma_wait3A_419 = arith.constant 0 : i32
      %dma_wait3A_420 = tpu.memref_slice %arg19[%dma_wait3A_418, %dma_wait3A_419] : memref<10240x128xf32, #tpu.memory_space<vmem_shared>> -> memref<10240x128xf32, #tpu.memory_space<vmem_shared>>
      tpu.wait_indirect_dma semaphore(%arg30 : memref<!tpu.dma_semaphore, #tpu.memory_space<semaphore_mem>>) src(%arg15 : memref<64x128xf32, #tpu.memory_space<vmem>>) dst(%dma_wait3A_420 : memref<10240x128xf32, #tpu.memory_space<vmem_shared>>)
      %add3A_421 = arith.constant 2 : i32
      %add3A_422 = arith.addi %add3A_373, %add3A_421 : i32
      %lt3A_423 = arith.constant 156 : i32
      %lt3A_424 = arith.cmpi slt, %add3A_422, %lt3A_423 : i32
      %convert_element_type3A_425 = arith.extui %lt3A_424 : i1 to i32
      %cond3A_426 = arith.constant 0 : i32
      %cond3A_427 = arith.cmpi ne, %convert_element_type3A_425, %cond3A_426 : i32
      scf.if %cond3A_427 {
        %add3A_484 = arith.constant 2 : i32
        %add3A_485 = arith.addi %add3A_373, %add3A_484 : i32
        %mul3A_486 = arith.constant 64 : i32
        %mul3A_487 = arith.muli %add3A_485, %mul3A_486 : i32
        %add3A_488 = arith.addi %mul3A_30, %mul3A_487 : i32
        %dma_start3A_489 = arith.constant 0 : i32
        %dma_start3A_490 = tpu.memref_slice %arg5[%add3A_488, %dma_start3A_489] : memref<320000x128xf32, #tpu.memory_space<hbm>> -> memref<64x128xf32, #tpu.memory_space<hbm>>
        %dma_start3A_491 = arith.constant 0 : i32
        %dma_start3A_492 = tpu.memref_slice %arg5[%add3A_488, %dma_start3A_491] : memref<320000x128xf32, #tpu.memory_space<hbm>> -> memref<64x128xf32, #tpu.memory_space<hbm>>
        tpu.enqueue_dma source(%dma_start3A_492 : memref<64x128xf32, #tpu.memory_space<hbm>>) target(%arg15 : memref<64x128xf32, #tpu.memory_space<vmem>>) target_semaphore(%arg28 : memref<!tpu.dma_semaphore, #tpu.memory_space<semaphore_mem>>)
      } else {
      }
      %add3A_428 = arith.constant 3 : i32
      %add3A_429 = arith.addi %add3A_262, %add3A_428 : i32
      %dma_wait3A_430 = arith.constant 0 : i32
      %dma_wait3A_431 = arith.constant 0 : i32
      %dma_wait3A_432 = tpu.memref_slice %arg2[%dma_wait3A_430, %dma_wait3A_431] : memref<10000x128xf32, #tpu.memory_space<hbm>> -> memref<10000x128xf32, #tpu.memory_space<hbm>>
      tpu.wait_indirect_dma semaphore(%arg27 : memref<!tpu.dma_semaphore, #tpu.memory_space<semaphore_mem>>) src(%dma_wait3A_432 : memref<10000x128xf32, #tpu.memory_space<hbm>>) dst(%arg14 : memref<64x128xf32, #tpu.memory_space<vmem>>)
      %mul3A_433 = arith.constant 64 : i32
      %mul3A_434 = arith.muli %add3A_429, %mul3A_433 : i32
      %add3A_435 = arith.addi %mul3A_30, %mul3A_434 : i32
      %dma_wait3A_436 = arith.constant 0 : i32
      %dma_wait3A_437 = tpu.memref_slice %arg5[%add3A_435, %dma_wait3A_436] : memref<320000x128xf32, #tpu.memory_space<hbm>> -> memref<64x128xf32, #tpu.memory_space<hbm>>
      %dma_wait3A_438 = arith.constant 0 : i32
      %dma_wait3A_439 = tpu.memref_slice %arg5[%add3A_435, %dma_wait3A_438] : memref<320000x128xf32, #tpu.memory_space<hbm>> -> memref<64x128xf32, #tpu.memory_space<hbm>>
      tpu.wait_dma2 semaphore(%arg29 : memref<!tpu.dma_semaphore, #tpu.memory_space<semaphore_mem>>) src(%dma_wait3A_439 : memref<64x128xf32, #tpu.memory_space<hbm>>) dst(%arg16 : memref<64x128xf32, #tpu.memory_space<vmem>>)
      %add3A_440 = arith.constant 4 : i32
      %add3A_441 = arith.addi %add3A_429, %add3A_440 : i32
      %lt3A_442 = arith.constant 156 : i32
      %lt3A_443 = arith.cmpi slt, %add3A_441, %lt3A_442 : i32
      %convert_element_type3A_444 = arith.extui %lt3A_443 : i1 to i32
      %cond3A_445 = arith.constant 0 : i32
      %cond3A_446 = arith.cmpi ne, %convert_element_type3A_444, %cond3A_445 : i32
      scf.if %cond3A_446 {
        %add3A_484 = arith.constant 4 : i32
        %add3A_485 = arith.addi %add3A_429, %add3A_484 : i32
        %mul3A_486 = arith.constant 64 : i32
        %mul3A_487 = arith.muli %add3A_485, %mul3A_486 : i32
        %add3A_488 = arith.addi %mul3A_30, %mul3A_487 : i32
        %dma_start3A_489 = tpu.memref_slice %arg3[%add3A_488] : memref<320000xi32, #tpu.memory_space<hbm>> -> memref<64xi32, #tpu.memory_space<hbm>>
        %dma_start3A_490 = tpu.memref_slice %arg3[%add3A_488] : memref<320000xi32, #tpu.memory_space<hbm>> -> memref<64xi32, #tpu.memory_space<hbm>>
        tpu.enqueue_dma source(%dma_start3A_490 : memref<64xi32, #tpu.memory_space<hbm>>) target(%arg10 : memref<64xi32, #tpu.memory_space<vmem>>) target_semaphore(%arg23 : memref<!tpu.dma_semaphore, #tpu.memory_space<semaphore_mem>>)
      } else {
      }
      %mul3A_447 = arith.constant 64 : i32
      %mul3A_448 = arith.muli %add3A_429, %mul3A_447 : i32
      %add3A_449 = arith.addi %mul3A_30, %mul3A_448 : i32
      %dma_start3A_450 = tpu.memref_slice %arg4[%add3A_449] : memref<320000xi32, #tpu.memory_space<hbm>> -> memref<64xi32, #tpu.memory_space<hbm>>
      %dma_start3A_451 = tpu.memref_slice %arg4[%add3A_449] : memref<320000xi32, #tpu.memory_space<hbm>> -> memref<64xi32, #tpu.memory_space<hbm>>
      tpu.enqueue_dma source(%dma_start3A_451 : memref<64xi32, #tpu.memory_space<hbm>>) target(%arg12 : memref<64xi32, #tpu.memory_space<vmem>>) target_semaphore(%arg25 : memref<!tpu.dma_semaphore, #tpu.memory_space<semaphore_mem>>)
      %scan3A_452 = arith.constant 0 : i32
      %scan3A_453 = arith.constant 0 : i32
      %scan3A_454 = arith.constant 64 : i32
      %scan3A_455 = arith.addi %scan3A_453, %scan3A_454 : i32
      %scan3A_456 = arith.constant 1 : i32
      %scan3A_457 = scf.for %scan3A_484 = %scan3A_453 to %scan3A_455 step %scan3A_456 iter_args(%scan3A_485 = %scan3A_452) -> (i32)  : i32 {
        %get3A = arith.index_cast %scan3A_484 : i32 to index
        %get3A_486 = arith.constant 0 : index
        %get3A_487 = tpu.vector_load %arg14[%get3A, %get3A_486] {strides = array<i32>} : memref<64x128xf32, #tpu.memory_space<vmem>>, vector<1x16xf32>,
        %get3A_488 = vector.shape_cast %get3A_487 : vector<1x16xf32> to vector<16xf32>
        %get3A_489 = arith.index_cast %scan3A_484 : i32 to index
        %get3A_490 = arith.constant 0 : index
        %get3A_491 = tpu.vector_load %arg16[%get3A_489, %get3A_490] {strides = array<i32>} : memref<64x128xf32, #tpu.memory_space<vmem>>, vector<1x16xf32>,
        %get3A_492 = vector.shape_cast %get3A_491 : vector<1x16xf32> to vector<16xf32>
        %add3A_493 = arith.addf %get3A_488, %get3A_492 : vector<16xf32>
        %max3A = arith.constant 0.000000e+00 : f32
        %max3A_494 = vector.broadcast %max3A : f32 to vector<16xf32>
        %max3A_495 = arith.maximumf %add3A_493, %max3A_494 : vector<16xf32>
        %swap3A = arith.index_cast %scan3A_484 : i32 to index
        %swap3A_496 = arith.constant 0 : index
        %swap3A_497 = tpu.vector_load %arg16[%swap3A, %swap3A_496] {strides = array<i32>} : memref<64x128xf32, #tpu.memory_space<vmem>>, vector<1x16xf32>,
        %swap3A_498 = vector.shape_cast %swap3A_497 : vector<1x16xf32> to vector<16xf32>
        %swap3A_499 = vector.shape_cast %max3A_495 : vector<16xf32> to vector<1x16xf32>
        tpu.vector_store %arg16[%swap3A, %swap3A_496], %swap3A_499 {strides = array<i32>} : memref<64x128xf32, #tpu.memory_space<vmem>>, vector<1x16xf32>,
        %get3A_500 = arith.index_cast %scan3A_484 : i32 to index
        %get3A_501 = arith.constant 16 : index
        %get3A_502 = tpu.vector_load %arg14[%get3A_500, %get3A_501] {strides = array<i32>} : memref<64x128xf32, #tpu.memory_space<vmem>>, vector<1x16xf32>,
        %get3A_503 = vector.shape_cast %get3A_502 : vector<1x16xf32> to vector<16xf32>
        %get3A_504 = arith.index_cast %scan3A_484 : i32 to index
        %get3A_505 = arith.constant 16 : index
        %get3A_506 = tpu.vector_load %arg16[%get3A_504, %get3A_505] {strides = array<i32>} : memref<64x128xf32, #tpu.memory_space<vmem>>, vector<1x16xf32>,
        %get3A_507 = vector.shape_cast %get3A_506 : vector<1x16xf32> to vector<16xf32>
        %add3A_508 = arith.addf %get3A_503, %get3A_507 : vector<16xf32>
        %max3A_509 = arith.constant 0.000000e+00 : f32
        %max3A_510 = vector.broadcast %max3A_509 : f32 to vector<16xf32>
        %max3A_511 = arith.maximumf %add3A_508, %max3A_510 : vector<16xf32>
        %swap3A_512 = arith.index_cast %scan3A_484 : i32 to index
        %swap3A_513 = arith.constant 16 : index
        %swap3A_514 = tpu.vector_load %arg16[%swap3A_512, %swap3A_513] {strides = array<i32>} : memref<64x128xf32, #tpu.memory_space<vmem>>, vector<1x16xf32>,
        %swap3A_515 = vector.shape_cast %swap3A_514 : vector<1x16xf32> to vector<16xf32>
        %swap3A_516 = vector.shape_cast %max3A_511 : vector<16xf32> to vector<1x16xf32>
        tpu.vector_store %arg16[%swap3A_512, %swap3A_513], %swap3A_516 {strides = array<i32>} : memref<64x128xf32, #tpu.memory_space<vmem>>, vector<1x16xf32>,
        %get3A_517 = arith.index_cast %scan3A_484 : i32 to index
        %get3A_518 = arith.constant 32 : index
        %get3A_519 = tpu.vector_load %arg14[%get3A_517, %get3A_518] {strides = array<i32>} : memref<64x128xf32, #tpu.memory_space<vmem>>, vector<1x16xf32>,
        %get3A_520 = vector.shape_cast %get3A_519 : vector<1x16xf32> to vector<16xf32>
        %get3A_521 = arith.index_cast %scan3A_484 : i32 to index
        %get3A_522 = arith.constant 32 : index
        %get3A_523 = tpu.vector_load %arg16[%get3A_521, %get3A_522] {strides = array<i32>} : memref<64x128xf32, #tpu.memory_space<vmem>>, vector<1x16xf32>,
        %get3A_524 = vector.shape_cast %get3A_523 : vector<1x16xf32> to vector<16xf32>
        %add3A_525 = arith.addf %get3A_520, %get3A_524 : vector<16xf32>
        %max3A_526 = arith.constant 0.000000e+00 : f32
        %max3A_527 = vector.broadcast %max3A_526 : f32 to vector<16xf32>
        %max3A_528 = arith.maximumf %add3A_525, %max3A_527 : vector<16xf32>
        %swap3A_529 = arith.index_cast %scan3A_484 : i32 to index
        %swap3A_530 = arith.constant 32 : index
        %swap3A_531 = tpu.vector_load %arg16[%swap3A_529, %swap3A_530] {strides = array<i32>} : memref<64x128xf32, #tpu.memory_space<vmem>>, vector<1x16xf32>,
        %swap3A_532 = vector.shape_cast %swap3A_531 : vector<1x16xf32> to vector<16xf32>
        %swap3A_533 = vector.shape_cast %max3A_528 : vector<16xf32> to vector<1x16xf32>
        tpu.vector_store %arg16[%swap3A_529, %swap3A_530], %swap3A_533 {strides = array<i32>} : memref<64x128xf32, #tpu.memory_space<vmem>>, vector<1x16xf32>,
        %get3A_534 = arith.index_cast %scan3A_484 : i32 to index
        %get3A_535 = arith.constant 48 : index
        %get3A_536 = tpu.vector_load %arg14[%get3A_534, %get3A_535] {strides = array<i32>} : memref<64x128xf32, #tpu.memory_space<vmem>>, vector<1x16xf32>,
        %get3A_537 = vector.shape_cast %get3A_536 : vector<1x16xf32> to vector<16xf32>
        %get3A_538 = arith.index_cast %scan3A_484 : i32 to index
        %get3A_539 = arith.constant 48 : index
        %get3A_540 = tpu.vector_load %arg16[%get3A_538, %get3A_539] {strides = array<i32>} : memref<64x128xf32, #tpu.memory_space<vmem>>, vector<1x16xf32>,
        %get3A_541 = vector.shape_cast %get3A_540 : vector<1x16xf32> to vector<16xf32>
        %add3A_542 = arith.addf %get3A_537, %get3A_541 : vector<16xf32>
        %max3A_543 = arith.constant 0.000000e+00 : f32
        %max3A_544 = vector.broadcast %max3A_543 : f32 to vector<16xf32>
        %max3A_545 = arith.maximumf %add3A_542, %max3A_544 : vector<16xf32>
        %swap3A_546 = arith.index_cast %scan3A_484 : i32 to index
        %swap3A_547 = arith.constant 48 : index
        %swap3A_548 = tpu.vector_load %arg16[%swap3A_546, %swap3A_547] {strides = array<i32>} : memref<64x128xf32, #tpu.memory_space<vmem>>, vector<1x16xf32>,
        %swap3A_549 = vector.shape_cast %swap3A_548 : vector<1x16xf32> to vector<16xf32>
        %swap3A_550 = vector.shape_cast %max3A_545 : vector<16xf32> to vector<1x16xf32>
        tpu.vector_store %arg16[%swap3A_546, %swap3A_547], %swap3A_550 {strides = array<i32>} : memref<64x128xf32, #tpu.memory_space<vmem>>, vector<1x16xf32>,
        %get3A_551 = arith.index_cast %scan3A_484 : i32 to index
        %get3A_552 = arith.constant 64 : index
        %get3A_553 = tpu.vector_load %arg14[%get3A_551, %get3A_552] {strides = array<i32>} : memref<64x128xf32, #tpu.memory_space<vmem>>, vector<1x16xf32>,
        %get3A_554 = vector.shape_cast %get3A_553 : vector<1x16xf32> to vector<16xf32>
        %get3A_555 = arith.index_cast %scan3A_484 : i32 to index
        %get3A_556 = arith.constant 64 : index
        %get3A_557 = tpu.vector_load %arg16[%get3A_555, %get3A_556] {strides = array<i32>} : memref<64x128xf32, #tpu.memory_space<vmem>>, vector<1x16xf32>,
        %get3A_558 = vector.shape_cast %get3A_557 : vector<1x16xf32> to vector<16xf32>
        %add3A_559 = arith.addf %get3A_554, %get3A_558 : vector<16xf32>
        %max3A_560 = arith.constant 0.000000e+00 : f32
        %max3A_561 = vector.broadcast %max3A_560 : f32 to vector<16xf32>
        %max3A_562 = arith.maximumf %add3A_559, %max3A_561 : vector<16xf32>
        %swap3A_563 = arith.index_cast %scan3A_484 : i32 to index
        %swap3A_564 = arith.constant 64 : index
        %swap3A_565 = tpu.vector_load %arg16[%swap3A_563, %swap3A_564] {strides = array<i32>} : memref<64x128xf32, #tpu.memory_space<vmem>>, vector<1x16xf32>,
        %swap3A_566 = vector.shape_cast %swap3A_565 : vector<1x16xf32> to vector<16xf32>
        %swap3A_567 = vector.shape_cast %max3A_562 : vector<16xf32> to vector<1x16xf32>
        tpu.vector_store %arg16[%swap3A_563, %swap3A_564], %swap3A_567 {strides = array<i32>} : memref<64x128xf32, #tpu.memory_space<vmem>>, vector<1x16xf32>,
        %get3A_568 = arith.index_cast %scan3A_484 : i32 to index
        %get3A_569 = arith.constant 80 : index
        %get3A_570 = tpu.vector_load %arg14[%get3A_568, %get3A_569] {strides = array<i32>} : memref<64x128xf32, #tpu.memory_space<vmem>>, vector<1x16xf32>,
        %get3A_571 = vector.shape_cast %get3A_570 : vector<1x16xf32> to vector<16xf32>
        %get3A_572 = arith.index_cast %scan3A_484 : i32 to index
        %get3A_573 = arith.constant 80 : index
        %get3A_574 = tpu.vector_load %arg16[%get3A_572, %get3A_573] {strides = array<i32>} : memref<64x128xf32, #tpu.memory_space<vmem>>, vector<1x16xf32>,
        %get3A_575 = vector.shape_cast %get3A_574 : vector<1x16xf32> to vector<16xf32>
        %add3A_576 = arith.addf %get3A_571, %get3A_575 : vector<16xf32>
        %max3A_577 = arith.constant 0.000000e+00 : f32
        %max3A_578 = vector.broadcast %max3A_577 : f32 to vector<16xf32>
        %max3A_579 = arith.maximumf %add3A_576, %max3A_578 : vector<16xf32>
        %swap3A_580 = arith.index_cast %scan3A_484 : i32 to index
        %swap3A_581 = arith.constant 80 : index
        %swap3A_582 = tpu.vector_load %arg16[%swap3A_580, %swap3A_581] {strides = array<i32>} : memref<64x128xf32, #tpu.memory_space<vmem>>, vector<1x16xf32>,
        %swap3A_583 = vector.shape_cast %swap3A_582 : vector<1x16xf32> to vector<16xf32>
        %swap3A_584 = vector.shape_cast %max3A_579 : vector<16xf32> to vector<1x16xf32>
        tpu.vector_store %arg16[%swap3A_580, %swap3A_581], %swap3A_584 {strides = array<i32>} : memref<64x128xf32, #tpu.memory_space<vmem>>, vector<1x16xf32>,
        %get3A_585 = arith.index_cast %scan3A_484 : i32 to index
        %get3A_586 = arith.constant 96 : index
        %get3A_587 = tpu.vector_load %arg14[%get3A_585, %get3A_586] {strides = array<i32>} : memref<64x128xf32, #tpu.memory_space<vmem>>, vector<1x16xf32>,
        %get3A_588 = vector.shape_cast %get3A_587 : vector<1x16xf32> to vector<16xf32>
        %get3A_589 = arith.index_cast %scan3A_484 : i32 to index
        %get3A_590 = arith.constant 96 : index
        %get3A_591 = tpu.vector_load %arg16[%get3A_589, %get3A_590] {strides = array<i32>} : memref<64x128xf32, #tpu.memory_space<vmem>>, vector<1x16xf32>,
        %get3A_592 = vector.shape_cast %get3A_591 : vector<1x16xf32> to vector<16xf32>
        %add3A_593 = arith.addf %get3A_588, %get3A_592 : vector<16xf32>
        %max3A_594 = arith.constant 0.000000e+00 : f32
        %max3A_595 = vector.broadcast %max3A_594 : f32 to vector<16xf32>
        %max3A_596 = arith.maximumf %add3A_593, %max3A_595 : vector<16xf32>
        %swap3A_597 = arith.index_cast %scan3A_484 : i32 to index
        %swap3A_598 = arith.constant 96 : index
        %swap3A_599 = tpu.vector_load %arg16[%swap3A_597, %swap3A_598] {strides = array<i32>} : memref<64x128xf32, #tpu.memory_space<vmem>>, vector<1x16xf32>,
        %swap3A_600 = vector.shape_cast %swap3A_599 : vector<1x16xf32> to vector<16xf32>
        %swap3A_601 = vector.shape_cast %max3A_596 : vector<16xf32> to vector<1x16xf32>
        tpu.vector_store %arg16[%swap3A_597, %swap3A_598], %swap3A_601 {strides = array<i32>} : memref<64x128xf32, #tpu.memory_space<vmem>>, vector<1x16xf32>,
        %get3A_602 = arith.index_cast %scan3A_484 : i32 to index
        %get3A_603 = arith.constant 112 : index
        %get3A_604 = tpu.vector_load %arg14[%get3A_602, %get3A_603] {strides = array<i32>} : memref<64x128xf32, #tpu.memory_space<vmem>>, vector<1x16xf32>,
        %get3A_605 = vector.shape_cast %get3A_604 : vector<1x16xf32> to vector<16xf32>
        %get3A_606 = arith.index_cast %scan3A_484 : i32 to index
        %get3A_607 = arith.constant 112 : index
        %get3A_608 = tpu.vector_load %arg16[%get3A_606, %get3A_607] {strides = array<i32>} : memref<64x128xf32, #tpu.memory_space<vmem>>, vector<1x16xf32>,
        %get3A_609 = vector.shape_cast %get3A_608 : vector<1x16xf32> to vector<16xf32>
        %add3A_610 = arith.addf %get3A_605, %get3A_609 : vector<16xf32>
        %max3A_611 = arith.constant 0.000000e+00 : f32
        %max3A_612 = vector.broadcast %max3A_611 : f32 to vector<16xf32>
        %max3A_613 = arith.maximumf %add3A_610, %max3A_612 : vector<16xf32>
        %swap3A_614 = arith.index_cast %scan3A_484 : i32 to index
        %swap3A_615 = arith.constant 112 : index
        %swap3A_616 = tpu.vector_load %arg16[%swap3A_614, %swap3A_615] {strides = array<i32>} : memref<64x128xf32, #tpu.memory_space<vmem>>, vector<1x16xf32>,
        %swap3A_617 = vector.shape_cast %swap3A_616 : vector<1x16xf32> to vector<16xf32>
        %swap3A_618 = vector.shape_cast %max3A_613 : vector<16xf32> to vector<1x16xf32>
        tpu.vector_store %arg16[%swap3A_614, %swap3A_615], %swap3A_618 {strides = array<i32>} : memref<64x128xf32, #tpu.memory_space<vmem>>, vector<1x16xf32>,
        %scan3A_619 = arith.constant 0 : i32
        scf.yield %scan3A_619 : i32
      }
      %scan3A_458 = arith.constant 64 : i32
      %add3A_459 = arith.constant 2 : i32
      %add3A_460 = arith.addi %add3A_429, %add3A_459 : i32
      %lt3A_461 = arith.constant 156 : i32
      %lt3A_462 = arith.cmpi slt, %add3A_460, %lt3A_461 : i32
      %convert_element_type3A_463 = arith.extui %lt3A_462 : i1 to i32
      %cond3A_464 = arith.constant 0 : i32
      %cond3A_465 = arith.cmpi ne, %convert_element_type3A_463, %cond3A_464 : i32
      scf.if %cond3A_465 {
        %add3A_484 = arith.constant 2 : i32
        %add3A_485 = arith.addi %add3A_429, %add3A_484 : i32
        %mul3A_486 = arith.constant 64 : i32
        %mul3A_487 = arith.muli %add3A_485, %mul3A_486 : i32
        %add3A_488 = arith.addi %mul3A_30, %mul3A_487 : i32
        %dma_wait3A_489 = tpu.memref_slice %arg3[%add3A_488] : memref<320000xi32, #tpu.memory_space<hbm>> -> memref<64xi32, #tpu.memory_space<hbm>>
        %dma_wait3A_490 = tpu.memref_slice %arg3[%add3A_488] : memref<320000xi32, #tpu.memory_space<hbm>> -> memref<64xi32, #tpu.memory_space<hbm>>
        tpu.wait_dma2 semaphore(%arg21 : memref<!tpu.dma_semaphore, #tpu.memory_space<semaphore_mem>>) src(%dma_wait3A_490 : memref<64xi32, #tpu.memory_space<hbm>>) dst(%arg8 : memref<64xi32, #tpu.memory_space<vmem>>)
        %dma_start3A_491 = arith.constant 0 : i32
        %dma_start3A_492 = arith.constant 0 : i32
        %dma_start3A_493 = tpu.memref_slice %arg2[%dma_start3A_491, %dma_start3A_492] : memref<10000x128xf32, #tpu.memory_space<hbm>> -> memref<10000x128xf32, #tpu.memory_space<hbm>>
        tpu.enqueue_indirect_dma source(%dma_start3A_493 : memref<10000x128xf32, #tpu.memory_space<hbm>>) target(%arg14 : memref<64x128xf32, #tpu.memory_space<vmem>>) offsets(%arg8 : memref<64xi32, #tpu.memory_space<vmem>>) semaphore(%arg27 : memref<!tpu.dma_semaphore, #tpu.memory_space<semaphore_mem>>)
      } else {
      }
      %mul3A_466 = arith.constant 64 : i32
      %mul3A_467 = arith.muli %add3A_429, %mul3A_466 : i32
      %add3A_468 = arith.addi %mul3A_30, %mul3A_467 : i32
      %dma_wait3A_469 = tpu.memref_slice %arg4[%add3A_468] : memref<320000xi32, #tpu.memory_space<hbm>> -> memref<64xi32, #tpu.memory_space<hbm>>
      %dma_wait3A_470 = tpu.memref_slice %arg4[%add3A_468] : memref<320000xi32, #tpu.memory_space<hbm>> -> memref<64xi32, #tpu.memory_space<hbm>>
      tpu.wait_dma2 semaphore(%arg25 : memref<!tpu.dma_semaphore, #tpu.memory_space<semaphore_mem>>) src(%dma_wait3A_470 : memref<64xi32, #tpu.memory_space<hbm>>) dst(%arg12 : memref<64xi32, #tpu.memory_space<vmem>>)
      %dma_start3A_471 = arith.constant 0 : i32
      %dma_start3A_472 = arith.constant 0 : i32
      %dma_start3A_473 = tpu.memref_slice %arg19[%dma_start3A_471, %dma_start3A_472] : memref<10240x128xf32, #tpu.memory_space<vmem_shared>> -> memref<10240x128xf32, #tpu.memory_space<vmem_shared>>
      tpu.enqueue_indirect_dma source(%arg16 : memref<64x128xf32, #tpu.memory_space<vmem>>) target(%dma_start3A_473 : memref<10240x128xf32, #tpu.memory_space<vmem_shared>>) offsets(%arg12 : memref<64xi32, #tpu.memory_space<vmem>>) semaphore(%arg31 : memref<!tpu.dma_semaphore, #tpu.memory_space<semaphore_mem>>) {add = true}
      %dma_wait3A_474 = arith.constant 0 : i32
      %dma_wait3A_475 = arith.constant 0 : i32
      %dma_wait3A_476 = tpu.memref_slice %arg19[%dma_wait3A_474, %dma_wait3A_475] : memref<10240x128xf32, #tpu.memory_space<vmem_shared>> -> memref<10240x128xf32, #tpu.memory_space<vmem_shared>>
      tpu.wait_indirect_dma semaphore(%arg31 : memref<!tpu.dma_semaphore, #tpu.memory_space<semaphore_mem>>) src(%arg16 : memref<64x128xf32, #tpu.memory_space<vmem>>) dst(%dma_wait3A_476 : memref<10240x128xf32, #tpu.memory_space<vmem_shared>>)
      %add3A_477 = arith.constant 2 : i32
      %add3A_478 = arith.addi %add3A_429, %add3A_477 : i32
      %lt3A_479 = arith.constant 156 : i32
      %lt3A_480 = arith.cmpi slt, %add3A_478, %lt3A_479 : i32
      %convert_element_type3A_481 = arith.extui %lt3A_480 : i1 to i32
      %cond3A_482 = arith.constant 0 : i32
      %cond3A_483 = arith.cmpi ne, %convert_element_type3A_481, %cond3A_482 : i32
      scf.if %cond3A_483 {
        %add3A_484 = arith.constant 2 : i32
        %add3A_485 = arith.addi %add3A_429, %add3A_484 : i32
        %mul3A_486 = arith.constant 64 : i32
        %mul3A_487 = arith.muli %add3A_485, %mul3A_486 : i32
        %add3A_488 = arith.addi %mul3A_30, %mul3A_487 : i32
        %dma_start3A_489 = arith.constant 0 : i32
        %dma_start3A_490 = tpu.memref_slice %arg5[%add3A_488, %dma_start3A_489] : memref<320000x128xf32, #tpu.memory_space<hbm>> -> memref<64x128xf32, #tpu.memory_space<hbm>>
        %dma_start3A_491 = arith.constant 0 : i32
        %dma_start3A_492 = tpu.memref_slice %arg5[%add3A_488, %dma_start3A_491] : memref<320000x128xf32, #tpu.memory_space<hbm>> -> memref<64x128xf32, #tpu.memory_space<hbm>>
        tpu.enqueue_dma source(%dma_start3A_492 : memref<64x128xf32, #tpu.memory_space<hbm>>) target(%arg16 : memref<64x128xf32, #tpu.memory_space<vmem>>) target_semaphore(%arg29 : memref<!tpu.dma_semaphore, #tpu.memory_space<semaphore_mem>>)
      } else {
      }
    }
    %scan3A_75 = arith.constant 38 : i32
    %dma_wait3A_76 = arith.constant 0 : i32
    %dma_wait3A_77 = arith.constant 0 : i32
    %dma_wait3A_78 = tpu.memref_slice %arg2[%dma_wait3A_76, %dma_wait3A_77] : memref<10000x128xf32, #tpu.memory_space<hbm>> -> memref<10000x128xf32, #tpu.memory_space<hbm>>
    tpu.wait_indirect_dma semaphore(%arg26 : memref<!tpu.dma_semaphore, #tpu.memory_space<semaphore_mem>>) src(%dma_wait3A_78 : memref<10000x128xf32, #tpu.memory_space<hbm>>) dst(%arg13 : memref<64x128xf32, #tpu.memory_space<vmem>>)
    %add3A_79 = arith.constant 9728 : i32
    %add3A_80 = arith.addi %mul3A_30, %add3A_79 : i32
    %dma_wait3A_81 = arith.constant 0 : i32
    %dma_wait3A_82 = tpu.memref_slice %arg5[%add3A_80, %dma_wait3A_81] : memref<320000x128xf32, #tpu.memory_space<hbm>> -> memref<64x128xf32, #tpu.memory_space<hbm>>
    %dma_wait3A_83 = arith.constant 0 : i32
    %dma_wait3A_84 = tpu.memref_slice %arg5[%add3A_80, %dma_wait3A_83] : memref<320000x128xf32, #tpu.memory_space<hbm>> -> memref<64x128xf32, #tpu.memory_space<hbm>>
    tpu.wait_dma2 semaphore(%arg28 : memref<!tpu.dma_semaphore, #tpu.memory_space<semaphore_mem>>) src(%dma_wait3A_84 : memref<64x128xf32, #tpu.memory_space<hbm>>) dst(%arg15 : memref<64x128xf32, #tpu.memory_space<vmem>>)
    %add3A_85 = arith.constant 9728 : i32
    %add3A_86 = arith.addi %mul3A_30, %add3A_85 : i32
    %dma_start3A_87 = tpu.memref_slice %arg4[%add3A_86] : memref<320000xi32, #tpu.memory_space<hbm>> -> memref<64xi32, #tpu.memory_space<hbm>>
    %dma_start3A_88 = tpu.memref_slice %arg4[%add3A_86] : memref<320000xi32, #tpu.memory_space<hbm>> -> memref<64xi32, #tpu.memory_space<hbm>>
    tpu.enqueue_dma source(%dma_start3A_88 : memref<64xi32, #tpu.memory_space<hbm>>) target(%arg11 : memref<64xi32, #tpu.memory_space<vmem>>) target_semaphore(%arg24 : memref<!tpu.dma_semaphore, #tpu.memory_space<semaphore_mem>>)
    %scan3A_89 = arith.constant 0 : i32
    %scan3A_90 = arith.constant 0 : i32
    %scan3A_91 = arith.constant 64 : i32
    %scan3A_92 = arith.addi %scan3A_90, %scan3A_91 : i32
    %scan3A_93 = arith.constant 1 : i32
    %scan3A_94 = scf.for %scan3A_258 = %scan3A_90 to %scan3A_92 step %scan3A_93 iter_args(%scan3A_259 = %scan3A_89) -> (i32)  : i32 {
      %get3A = arith.index_cast %scan3A_258 : i32 to index
      %get3A_260 = arith.constant 0 : index
      %get3A_261 = tpu.vector_load %arg13[%get3A, %get3A_260] {strides = array<i32>} : memref<64x128xf32, #tpu.memory_space<vmem>>, vector<1x16xf32>,
      %get3A_262 = vector.shape_cast %get3A_261 : vector<1x16xf32> to vector<16xf32>
      %get3A_263 = arith.index_cast %scan3A_258 : i32 to index
      %get3A_264 = arith.constant 0 : index
      %get3A_265 = tpu.vector_load %arg15[%get3A_263, %get3A_264] {strides = array<i32>} : memref<64x128xf32, #tpu.memory_space<vmem>>, vector<1x16xf32>,
      %get3A_266 = vector.shape_cast %get3A_265 : vector<1x16xf32> to vector<16xf32>
      %add3A_267 = arith.addf %get3A_262, %get3A_266 : vector<16xf32>
      %max3A = arith.constant 0.000000e+00 : f32
      %max3A_268 = vector.broadcast %max3A : f32 to vector<16xf32>
      %max3A_269 = arith.maximumf %add3A_267, %max3A_268 : vector<16xf32>
      %swap3A = arith.index_cast %scan3A_258 : i32 to index
      %swap3A_270 = arith.constant 0 : index
      %swap3A_271 = tpu.vector_load %arg15[%swap3A, %swap3A_270] {strides = array<i32>} : memref<64x128xf32, #tpu.memory_space<vmem>>, vector<1x16xf32>,
      %swap3A_272 = vector.shape_cast %swap3A_271 : vector<1x16xf32> to vector<16xf32>
      %swap3A_273 = vector.shape_cast %max3A_269 : vector<16xf32> to vector<1x16xf32>
      tpu.vector_store %arg15[%swap3A, %swap3A_270], %swap3A_273 {strides = array<i32>} : memref<64x128xf32, #tpu.memory_space<vmem>>, vector<1x16xf32>,
      %get3A_274 = arith.index_cast %scan3A_258 : i32 to index
      %get3A_275 = arith.constant 16 : index
      %get3A_276 = tpu.vector_load %arg13[%get3A_274, %get3A_275] {strides = array<i32>} : memref<64x128xf32, #tpu.memory_space<vmem>>, vector<1x16xf32>,
      %get3A_277 = vector.shape_cast %get3A_276 : vector<1x16xf32> to vector<16xf32>
      %get3A_278 = arith.index_cast %scan3A_258 : i32 to index
      %get3A_279 = arith.constant 16 : index
      %get3A_280 = tpu.vector_load %arg15[%get3A_278, %get3A_279] {strides = array<i32>} : memref<64x128xf32, #tpu.memory_space<vmem>>, vector<1x16xf32>,
      %get3A_281 = vector.shape_cast %get3A_280 : vector<1x16xf32> to vector<16xf32>
      %add3A_282 = arith.addf %get3A_277, %get3A_281 : vector<16xf32>
      %max3A_283 = arith.constant 0.000000e+00 : f32
      %max3A_284 = vector.broadcast %max3A_283 : f32 to vector<16xf32>
      %max3A_285 = arith.maximumf %add3A_282, %max3A_284 : vector<16xf32>
      %swap3A_286 = arith.index_cast %scan3A_258 : i32 to index
      %swap3A_287 = arith.constant 16 : index
      %swap3A_288 = tpu.vector_load %arg15[%swap3A_286, %swap3A_287] {strides = array<i32>} : memref<64x128xf32, #tpu.memory_space<vmem>>, vector<1x16xf32>,
      %swap3A_289 = vector.shape_cast %swap3A_288 : vector<1x16xf32> to vector<16xf32>
      %swap3A_290 = vector.shape_cast %max3A_285 : vector<16xf32> to vector<1x16xf32>
      tpu.vector_store %arg15[%swap3A_286, %swap3A_287], %swap3A_290 {strides = array<i32>} : memref<64x128xf32, #tpu.memory_space<vmem>>, vector<1x16xf32>,
      %get3A_291 = arith.index_cast %scan3A_258 : i32 to index
      %get3A_292 = arith.constant 32 : index
      %get3A_293 = tpu.vector_load %arg13[%get3A_291, %get3A_292] {strides = array<i32>} : memref<64x128xf32, #tpu.memory_space<vmem>>, vector<1x16xf32>,
      %get3A_294 = vector.shape_cast %get3A_293 : vector<1x16xf32> to vector<16xf32>
      %get3A_295 = arith.index_cast %scan3A_258 : i32 to index
      %get3A_296 = arith.constant 32 : index
      %get3A_297 = tpu.vector_load %arg15[%get3A_295, %get3A_296] {strides = array<i32>} : memref<64x128xf32, #tpu.memory_space<vmem>>, vector<1x16xf32>,
      %get3A_298 = vector.shape_cast %get3A_297 : vector<1x16xf32> to vector<16xf32>
      %add3A_299 = arith.addf %get3A_294, %get3A_298 : vector<16xf32>
      %max3A_300 = arith.constant 0.000000e+00 : f32
      %max3A_301 = vector.broadcast %max3A_300 : f32 to vector<16xf32>
      %max3A_302 = arith.maximumf %add3A_299, %max3A_301 : vector<16xf32>
      %swap3A_303 = arith.index_cast %scan3A_258 : i32 to index
      %swap3A_304 = arith.constant 32 : index
      %swap3A_305 = tpu.vector_load %arg15[%swap3A_303, %swap3A_304] {strides = array<i32>} : memref<64x128xf32, #tpu.memory_space<vmem>>, vector<1x16xf32>,
      %swap3A_306 = vector.shape_cast %swap3A_305 : vector<1x16xf32> to vector<16xf32>
      %swap3A_307 = vector.shape_cast %max3A_302 : vector<16xf32> to vector<1x16xf32>
      tpu.vector_store %arg15[%swap3A_303, %swap3A_304], %swap3A_307 {strides = array<i32>} : memref<64x128xf32, #tpu.memory_space<vmem>>, vector<1x16xf32>,
      %get3A_308 = arith.index_cast %scan3A_258 : i32 to index
      %get3A_309 = arith.constant 48 : index
      %get3A_310 = tpu.vector_load %arg13[%get3A_308, %get3A_309] {strides = array<i32>} : memref<64x128xf32, #tpu.memory_space<vmem>>, vector<1x16xf32>,
      %get3A_311 = vector.shape_cast %get3A_310 : vector<1x16xf32> to vector<16xf32>
      %get3A_312 = arith.index_cast %scan3A_258 : i32 to index
      %get3A_313 = arith.constant 48 : index
      %get3A_314 = tpu.vector_load %arg15[%get3A_312, %get3A_313] {strides = array<i32>} : memref<64x128xf32, #tpu.memory_space<vmem>>, vector<1x16xf32>,
      %get3A_315 = vector.shape_cast %get3A_314 : vector<1x16xf32> to vector<16xf32>
      %add3A_316 = arith.addf %get3A_311, %get3A_315 : vector<16xf32>
      %max3A_317 = arith.constant 0.000000e+00 : f32
      %max3A_318 = vector.broadcast %max3A_317 : f32 to vector<16xf32>
      %max3A_319 = arith.maximumf %add3A_316, %max3A_318 : vector<16xf32>
      %swap3A_320 = arith.index_cast %scan3A_258 : i32 to index
      %swap3A_321 = arith.constant 48 : index
      %swap3A_322 = tpu.vector_load %arg15[%swap3A_320, %swap3A_321] {strides = array<i32>} : memref<64x128xf32, #tpu.memory_space<vmem>>, vector<1x16xf32>,
      %swap3A_323 = vector.shape_cast %swap3A_322 : vector<1x16xf32> to vector<16xf32>
      %swap3A_324 = vector.shape_cast %max3A_319 : vector<16xf32> to vector<1x16xf32>
      tpu.vector_store %arg15[%swap3A_320, %swap3A_321], %swap3A_324 {strides = array<i32>} : memref<64x128xf32, #tpu.memory_space<vmem>>, vector<1x16xf32>,
      %get3A_325 = arith.index_cast %scan3A_258 : i32 to index
      %get3A_326 = arith.constant 64 : index
      %get3A_327 = tpu.vector_load %arg13[%get3A_325, %get3A_326] {strides = array<i32>} : memref<64x128xf32, #tpu.memory_space<vmem>>, vector<1x16xf32>,
      %get3A_328 = vector.shape_cast %get3A_327 : vector<1x16xf32> to vector<16xf32>
      %get3A_329 = arith.index_cast %scan3A_258 : i32 to index
      %get3A_330 = arith.constant 64 : index
      %get3A_331 = tpu.vector_load %arg15[%get3A_329, %get3A_330] {strides = array<i32>} : memref<64x128xf32, #tpu.memory_space<vmem>>, vector<1x16xf32>,
      %get3A_332 = vector.shape_cast %get3A_331 : vector<1x16xf32> to vector<16xf32>
      %add3A_333 = arith.addf %get3A_328, %get3A_332 : vector<16xf32>
      %max3A_334 = arith.constant 0.000000e+00 : f32
      %max3A_335 = vector.broadcast %max3A_334 : f32 to vector<16xf32>
      %max3A_336 = arith.maximumf %add3A_333, %max3A_335 : vector<16xf32>
      %swap3A_337 = arith.index_cast %scan3A_258 : i32 to index
      %swap3A_338 = arith.constant 64 : index
      %swap3A_339 = tpu.vector_load %arg15[%swap3A_337, %swap3A_338] {strides = array<i32>} : memref<64x128xf32, #tpu.memory_space<vmem>>, vector<1x16xf32>,
      %swap3A_340 = vector.shape_cast %swap3A_339 : vector<1x16xf32> to vector<16xf32>
      %swap3A_341 = vector.shape_cast %max3A_336 : vector<16xf32> to vector<1x16xf32>
      tpu.vector_store %arg15[%swap3A_337, %swap3A_338], %swap3A_341 {strides = array<i32>} : memref<64x128xf32, #tpu.memory_space<vmem>>, vector<1x16xf32>,
      %get3A_342 = arith.index_cast %scan3A_258 : i32 to index
      %get3A_343 = arith.constant 80 : index
      %get3A_344 = tpu.vector_load %arg13[%get3A_342, %get3A_343] {strides = array<i32>} : memref<64x128xf32, #tpu.memory_space<vmem>>, vector<1x16xf32>,
      %get3A_345 = vector.shape_cast %get3A_344 : vector<1x16xf32> to vector<16xf32>
      %get3A_346 = arith.index_cast %scan3A_258 : i32 to index
      %get3A_347 = arith.constant 80 : index
      %get3A_348 = tpu.vector_load %arg15[%get3A_346, %get3A_347] {strides = array<i32>} : memref<64x128xf32, #tpu.memory_space<vmem>>, vector<1x16xf32>,
      %get3A_349 = vector.shape_cast %get3A_348 : vector<1x16xf32> to vector<16xf32>
      %add3A_350 = arith.addf %get3A_345, %get3A_349 : vector<16xf32>
      %max3A_351 = arith.constant 0.000000e+00 : f32
      %max3A_352 = vector.broadcast %max3A_351 : f32 to vector<16xf32>
      %max3A_353 = arith.maximumf %add3A_350, %max3A_352 : vector<16xf32>
      %swap3A_354 = arith.index_cast %scan3A_258 : i32 to index
      %swap3A_355 = arith.constant 80 : index
      %swap3A_356 = tpu.vector_load %arg15[%swap3A_354, %swap3A_355] {strides = array<i32>} : memref<64x128xf32, #tpu.memory_space<vmem>>, vector<1x16xf32>,
      %swap3A_357 = vector.shape_cast %swap3A_356 : vector<1x16xf32> to vector<16xf32>
      %swap3A_358 = vector.shape_cast %max3A_353 : vector<16xf32> to vector<1x16xf32>
      tpu.vector_store %arg15[%swap3A_354, %swap3A_355], %swap3A_358 {strides = array<i32>} : memref<64x128xf32, #tpu.memory_space<vmem>>, vector<1x16xf32>,
      %get3A_359 = arith.index_cast %scan3A_258 : i32 to index
      %get3A_360 = arith.constant 96 : index
      %get3A_361 = tpu.vector_load %arg13[%get3A_359, %get3A_360] {strides = array<i32>} : memref<64x128xf32, #tpu.memory_space<vmem>>, vector<1x16xf32>,
      %get3A_362 = vector.shape_cast %get3A_361 : vector<1x16xf32> to vector<16xf32>
      %get3A_363 = arith.index_cast %scan3A_258 : i32 to index
      %get3A_364 = arith.constant 96 : index
      %get3A_365 = tpu.vector_load %arg15[%get3A_363, %get3A_364] {strides = array<i32>} : memref<64x128xf32, #tpu.memory_space<vmem>>, vector<1x16xf32>,
      %get3A_366 = vector.shape_cast %get3A_365 : vector<1x16xf32> to vector<16xf32>
      %add3A_367 = arith.addf %get3A_362, %get3A_366 : vector<16xf32>
      %max3A_368 = arith.constant 0.000000e+00 : f32
      %max3A_369 = vector.broadcast %max3A_368 : f32 to vector<16xf32>
      %max3A_370 = arith.maximumf %add3A_367, %max3A_369 : vector<16xf32>
      %swap3A_371 = arith.index_cast %scan3A_258 : i32 to index
      %swap3A_372 = arith.constant 96 : index
      %swap3A_373 = tpu.vector_load %arg15[%swap3A_371, %swap3A_372] {strides = array<i32>} : memref<64x128xf32, #tpu.memory_space<vmem>>, vector<1x16xf32>,
      %swap3A_374 = vector.shape_cast %swap3A_373 : vector<1x16xf32> to vector<16xf32>
      %swap3A_375 = vector.shape_cast %max3A_370 : vector<16xf32> to vector<1x16xf32>
      tpu.vector_store %arg15[%swap3A_371, %swap3A_372], %swap3A_375 {strides = array<i32>} : memref<64x128xf32, #tpu.memory_space<vmem>>, vector<1x16xf32>,
      %get3A_376 = arith.index_cast %scan3A_258 : i32 to index
      %get3A_377 = arith.constant 112 : index
      %get3A_378 = tpu.vector_load %arg13[%get3A_376, %get3A_377] {strides = array<i32>} : memref<64x128xf32, #tpu.memory_space<vmem>>, vector<1x16xf32>,
      %get3A_379 = vector.shape_cast %get3A_378 : vector<1x16xf32> to vector<16xf32>
      %get3A_380 = arith.index_cast %scan3A_258 : i32 to index
      %get3A_381 = arith.constant 112 : index
      %get3A_382 = tpu.vector_load %arg15[%get3A_380, %get3A_381] {strides = array<i32>} : memref<64x128xf32, #tpu.memory_space<vmem>>, vector<1x16xf32>,
      %get3A_383 = vector.shape_cast %get3A_382 : vector<1x16xf32> to vector<16xf32>
      %add3A_384 = arith.addf %get3A_379, %get3A_383 : vector<16xf32>
      %max3A_385 = arith.constant 0.000000e+00 : f32
      %max3A_386 = vector.broadcast %max3A_385 : f32 to vector<16xf32>
      %max3A_387 = arith.maximumf %add3A_384, %max3A_386 : vector<16xf32>
      %swap3A_388 = arith.index_cast %scan3A_258 : i32 to index
      %swap3A_389 = arith.constant 112 : index
      %swap3A_390 = tpu.vector_load %arg15[%swap3A_388, %swap3A_389] {strides = array<i32>} : memref<64x128xf32, #tpu.memory_space<vmem>>, vector<1x16xf32>,
      %swap3A_391 = vector.shape_cast %swap3A_390 : vector<1x16xf32> to vector<16xf32>
      %swap3A_392 = vector.shape_cast %max3A_387 : vector<16xf32> to vector<1x16xf32>
      tpu.vector_store %arg15[%swap3A_388, %swap3A_389], %swap3A_392 {strides = array<i32>} : memref<64x128xf32, #tpu.memory_space<vmem>>, vector<1x16xf32>,
      %scan3A_393 = arith.constant 0 : i32
      scf.yield %scan3A_393 : i32
    }
    %scan3A_95 = arith.constant 64 : i32
    %add3A_96 = arith.constant 9856 : i32
    %add3A_97 = arith.addi %mul3A_30, %add3A_96 : i32
    %dma_wait3A_98 = tpu.memref_slice %arg3[%add3A_97] : memref<320000xi32, #tpu.memory_space<hbm>> -> memref<64xi32, #tpu.memory_space<hbm>>
    %dma_wait3A_99 = tpu.memref_slice %arg3[%add3A_97] : memref<320000xi32, #tpu.memory_space<hbm>> -> memref<64xi32, #tpu.memory_space<hbm>>
    tpu.wait_dma2 semaphore(%arg22 : memref<!tpu.dma_semaphore, #tpu.memory_space<semaphore_mem>>) src(%dma_wait3A_99 : memref<64xi32, #tpu.memory_space<hbm>>) dst(%arg9 : memref<64xi32, #tpu.memory_space<vmem>>)
    %dma_start3A_100 = arith.constant 0 : i32
    %dma_start3A_101 = arith.constant 0 : i32
    %dma_start3A_102 = tpu.memref_slice %arg2[%dma_start3A_100, %dma_start3A_101] : memref<10000x128xf32, #tpu.memory_space<hbm>> -> memref<10000x128xf32, #tpu.memory_space<hbm>>
    tpu.enqueue_indirect_dma source(%dma_start3A_102 : memref<10000x128xf32, #tpu.memory_space<hbm>>) target(%arg13 : memref<64x128xf32, #tpu.memory_space<vmem>>) offsets(%arg9 : memref<64xi32, #tpu.memory_space<vmem>>) semaphore(%arg26 : memref<!tpu.dma_semaphore, #tpu.memory_space<semaphore_mem>>)
    %add3A_103 = arith.constant 9728 : i32
    %add3A_104 = arith.addi %mul3A_30, %add3A_103 : i32
    %dma_wait3A_105 = tpu.memref_slice %arg4[%add3A_104] : memref<320000xi32, #tpu.memory_space<hbm>> -> memref<64xi32, #tpu.memory_space<hbm>>
    %dma_wait3A_106 = tpu.memref_slice %arg4[%add3A_104] : memref<320000xi32, #tpu.memory_space<hbm>> -> memref<64xi32, #tpu.memory_space<hbm>>
    tpu.wait_dma2 semaphore(%arg24 : memref<!tpu.dma_semaphore, #tpu.memory_space<semaphore_mem>>) src(%dma_wait3A_106 : memref<64xi32, #tpu.memory_space<hbm>>) dst(%arg11 : memref<64xi32, #tpu.memory_space<vmem>>)
    %dma_start3A_107 = arith.constant 0 : i32
    %dma_start3A_108 = arith.constant 0 : i32
    %dma_start3A_109 = tpu.memref_slice %arg19[%dma_start3A_107, %dma_start3A_108] : memref<10240x128xf32, #tpu.memory_space<vmem_shared>> -> memref<10240x128xf32, #tpu.memory_space<vmem_shared>>
    tpu.enqueue_indirect_dma source(%arg15 : memref<64x128xf32, #tpu.memory_space<vmem>>) target(%dma_start3A_109 : memref<10240x128xf32, #tpu.memory_space<vmem_shared>>) offsets(%arg11 : memref<64xi32, #tpu.memory_space<vmem>>) semaphore(%arg30 : memref<!tpu.dma_semaphore, #tpu.memory_space<semaphore_mem>>) {add = true}
    %dma_wait3A_110 = arith.constant 0 : i32
    %dma_wait3A_111 = arith.constant 0 : i32
    %dma_wait3A_112 = tpu.memref_slice %arg19[%dma_wait3A_110, %dma_wait3A_111] : memref<10240x128xf32, #tpu.memory_space<vmem_shared>> -> memref<10240x128xf32, #tpu.memory_space<vmem_shared>>
    tpu.wait_indirect_dma semaphore(%arg30 : memref<!tpu.dma_semaphore, #tpu.memory_space<semaphore_mem>>) src(%arg15 : memref<64x128xf32, #tpu.memory_space<vmem>>) dst(%dma_wait3A_112 : memref<10240x128xf32, #tpu.memory_space<vmem_shared>>)
    %add3A_113 = arith.constant 9856 : i32
    %add3A_114 = arith.addi %mul3A_30, %add3A_113 : i32
    %dma_start3A_115 = arith.constant 0 : i32
    %dma_start3A_116 = tpu.memref_slice %arg5[%add3A_114, %dma_start3A_115] : memref<320000x128xf32, #tpu.memory_space<hbm>> -> memref<64x128xf32, #tpu.memory_space<hbm>>
    %dma_start3A_117 = arith.constant 0 : i32
    %dma_start3A_118 = tpu.memref_slice %arg5[%add3A_114, %dma_start3A_117] : memref<320000x128xf32, #tpu.memory_space<hbm>> -> memref<64x128xf32, #tpu.memory_space<hbm>>
    tpu.enqueue_dma source(%dma_start3A_118 : memref<64x128xf32, #tpu.memory_space<hbm>>) target(%arg15 : memref<64x128xf32, #tpu.memory_space<vmem>>) target_semaphore(%arg28 : memref<!tpu.dma_semaphore, #tpu.memory_space<semaphore_mem>>)
    %dma_wait3A_119 = arith.constant 0 : i32
    %dma_wait3A_120 = arith.constant 0 : i32
    %dma_wait3A_121 = tpu.memref_slice %arg2[%dma_wait3A_119, %dma_wait3A_120] : memref<10000x128xf32, #tpu.memory_space<hbm>> -> memref<10000x128xf32, #tpu.memory_space<hbm>>
    tpu.wait_indirect_dma semaphore(%arg27 : memref<!tpu.dma_semaphore, #tpu.memory_space<semaphore_mem>>) src(%dma_wait3A_121 : memref<10000x128xf32, #tpu.memory_space<hbm>>) dst(%arg14 : memref<64x128xf32, #tpu.memory_space<vmem>>)
    %add3A_122 = arith.constant 9792 : i32
    %add3A_123 = arith.addi %mul3A_30, %add3A_122 : i32
    %dma_wait3A_124 = arith.constant 0 : i32
    %dma_wait3A_125 = tpu.memref_slice %arg5[%add3A_123, %dma_wait3A_124] : memref<320000x128xf32, #tpu.memory_space<hbm>> -> memref<64x128xf32, #tpu.memory_space<hbm>>
    %dma_wait3A_126 = arith.constant 0 : i32
    %dma_wait3A_127 = tpu.memref_slice %arg5[%add3A_123, %dma_wait3A_126] : memref<320000x128xf32, #tpu.memory_space<hbm>> -> memref<64x128xf32, #tpu.memory_space<hbm>>
    tpu.wait_dma2 semaphore(%arg29 : memref<!tpu.dma_semaphore, #tpu.memory_space<semaphore_mem>>) src(%dma_wait3A_127 : memref<64x128xf32, #tpu.memory_space<hbm>>) dst(%arg16 : memref<64x128xf32, #tpu.memory_space<vmem>>)
    %add3A_128 = arith.constant 9792 : i32
    %add3A_129 = arith.addi %mul3A_30, %add3A_128 : i32
    %dma_start3A_130 = tpu.memref_slice %arg4[%add3A_129] : memref<320000xi32, #tpu.memory_space<hbm>> -> memref<64xi32, #tpu.memory_space<hbm>>
    %dma_start3A_131 = tpu.memref_slice %arg4[%add3A_129] : memref<320000xi32, #tpu.memory_space<hbm>> -> memref<64xi32, #tpu.memory_space<hbm>>
    tpu.enqueue_dma source(%dma_start3A_131 : memref<64xi32, #tpu.memory_space<hbm>>) target(%arg12 : memref<64xi32, #tpu.memory_space<vmem>>) target_semaphore(%arg25 : memref<!tpu.dma_semaphore, #tpu.memory_space<semaphore_mem>>)
    %scan3A_132 = arith.constant 0 : i32
    %scan3A_133 = arith.constant 0 : i32
    %scan3A_134 = arith.constant 64 : i32
    %scan3A_135 = arith.addi %scan3A_133, %scan3A_134 : i32
    %scan3A_136 = arith.constant 1 : i32
    %scan3A_137 = scf.for %scan3A_258 = %scan3A_133 to %scan3A_135 step %scan3A_136 iter_args(%scan3A_259 = %scan3A_132) -> (i32)  : i32 {
      %get3A = arith.index_cast %scan3A_258 : i32 to index
      %get3A_260 = arith.constant 0 : index
      %get3A_261 = tpu.vector_load %arg14[%get3A, %get3A_260] {strides = array<i32>} : memref<64x128xf32, #tpu.memory_space<vmem>>, vector<1x16xf32>,
      %get3A_262 = vector.shape_cast %get3A_261 : vector<1x16xf32> to vector<16xf32>
      %get3A_263 = arith.index_cast %scan3A_258 : i32 to index
      %get3A_264 = arith.constant 0 : index
      %get3A_265 = tpu.vector_load %arg16[%get3A_263, %get3A_264] {strides = array<i32>} : memref<64x128xf32, #tpu.memory_space<vmem>>, vector<1x16xf32>,
      %get3A_266 = vector.shape_cast %get3A_265 : vector<1x16xf32> to vector<16xf32>
      %add3A_267 = arith.addf %get3A_262, %get3A_266 : vector<16xf32>
      %max3A = arith.constant 0.000000e+00 : f32
      %max3A_268 = vector.broadcast %max3A : f32 to vector<16xf32>
      %max3A_269 = arith.maximumf %add3A_267, %max3A_268 : vector<16xf32>
      %swap3A = arith.index_cast %scan3A_258 : i32 to index
      %swap3A_270 = arith.constant 0 : index
      %swap3A_271 = tpu.vector_load %arg16[%swap3A, %swap3A_270] {strides = array<i32>} : memref<64x128xf32, #tpu.memory_space<vmem>>, vector<1x16xf32>,
      %swap3A_272 = vector.shape_cast %swap3A_271 : vector<1x16xf32> to vector<16xf32>
      %swap3A_273 = vector.shape_cast %max3A_269 : vector<16xf32> to vector<1x16xf32>
      tpu.vector_store %arg16[%swap3A, %swap3A_270], %swap3A_273 {strides = array<i32>} : memref<64x128xf32, #tpu.memory_space<vmem>>, vector<1x16xf32>,
      %get3A_274 = arith.index_cast %scan3A_258 : i32 to index
      %get3A_275 = arith.constant 16 : index
      %get3A_276 = tpu.vector_load %arg14[%get3A_274, %get3A_275] {strides = array<i32>} : memref<64x128xf32, #tpu.memory_space<vmem>>, vector<1x16xf32>,
      %get3A_277 = vector.shape_cast %get3A_276 : vector<1x16xf32> to vector<16xf32>
      %get3A_278 = arith.index_cast %scan3A_258 : i32 to index
      %get3A_279 = arith.constant 16 : index
      %get3A_280 = tpu.vector_load %arg16[%get3A_278, %get3A_279] {strides = array<i32>} : memref<64x128xf32, #tpu.memory_space<vmem>>, vector<1x16xf32>,
      %get3A_281 = vector.shape_cast %get3A_280 : vector<1x16xf32> to vector<16xf32>
      %add3A_282 = arith.addf %get3A_277, %get3A_281 : vector<16xf32>
      %max3A_283 = arith.constant 0.000000e+00 : f32
      %max3A_284 = vector.broadcast %max3A_283 : f32 to vector<16xf32>
      %max3A_285 = arith.maximumf %add3A_282, %max3A_284 : vector<16xf32>
      %swap3A_286 = arith.index_cast %scan3A_258 : i32 to index
      %swap3A_287 = arith.constant 16 : index
      %swap3A_288 = tpu.vector_load %arg16[%swap3A_286, %swap3A_287] {strides = array<i32>} : memref<64x128xf32, #tpu.memory_space<vmem>>, vector<1x16xf32>,
      %swap3A_289 = vector.shape_cast %swap3A_288 : vector<1x16xf32> to vector<16xf32>
      %swap3A_290 = vector.shape_cast %max3A_285 : vector<16xf32> to vector<1x16xf32>
      tpu.vector_store %arg16[%swap3A_286, %swap3A_287], %swap3A_290 {strides = array<i32>} : memref<64x128xf32, #tpu.memory_space<vmem>>, vector<1x16xf32>,
      %get3A_291 = arith.index_cast %scan3A_258 : i32 to index
      %get3A_292 = arith.constant 32 : index
      %get3A_293 = tpu.vector_load %arg14[%get3A_291, %get3A_292] {strides = array<i32>} : memref<64x128xf32, #tpu.memory_space<vmem>>, vector<1x16xf32>,
      %get3A_294 = vector.shape_cast %get3A_293 : vector<1x16xf32> to vector<16xf32>
      %get3A_295 = arith.index_cast %scan3A_258 : i32 to index
      %get3A_296 = arith.constant 32 : index
      %get3A_297 = tpu.vector_load %arg16[%get3A_295, %get3A_296] {strides = array<i32>} : memref<64x128xf32, #tpu.memory_space<vmem>>, vector<1x16xf32>,
      %get3A_298 = vector.shape_cast %get3A_297 : vector<1x16xf32> to vector<16xf32>
      %add3A_299 = arith.addf %get3A_294, %get3A_298 : vector<16xf32>
      %max3A_300 = arith.constant 0.000000e+00 : f32
      %max3A_301 = vector.broadcast %max3A_300 : f32 to vector<16xf32>
      %max3A_302 = arith.maximumf %add3A_299, %max3A_301 : vector<16xf32>
      %swap3A_303 = arith.index_cast %scan3A_258 : i32 to index
      %swap3A_304 = arith.constant 32 : index
      %swap3A_305 = tpu.vector_load %arg16[%swap3A_303, %swap3A_304] {strides = array<i32>} : memref<64x128xf32, #tpu.memory_space<vmem>>, vector<1x16xf32>,
      %swap3A_306 = vector.shape_cast %swap3A_305 : vector<1x16xf32> to vector<16xf32>
      %swap3A_307 = vector.shape_cast %max3A_302 : vector<16xf32> to vector<1x16xf32>
      tpu.vector_store %arg16[%swap3A_303, %swap3A_304], %swap3A_307 {strides = array<i32>} : memref<64x128xf32, #tpu.memory_space<vmem>>, vector<1x16xf32>,
      %get3A_308 = arith.index_cast %scan3A_258 : i32 to index
      %get3A_309 = arith.constant 48 : index
      %get3A_310 = tpu.vector_load %arg14[%get3A_308, %get3A_309] {strides = array<i32>} : memref<64x128xf32, #tpu.memory_space<vmem>>, vector<1x16xf32>,
      %get3A_311 = vector.shape_cast %get3A_310 : vector<1x16xf32> to vector<16xf32>
      %get3A_312 = arith.index_cast %scan3A_258 : i32 to index
      %get3A_313 = arith.constant 48 : index
      %get3A_314 = tpu.vector_load %arg16[%get3A_312, %get3A_313] {strides = array<i32>} : memref<64x128xf32, #tpu.memory_space<vmem>>, vector<1x16xf32>,
      %get3A_315 = vector.shape_cast %get3A_314 : vector<1x16xf32> to vector<16xf32>
      %add3A_316 = arith.addf %get3A_311, %get3A_315 : vector<16xf32>
      %max3A_317 = arith.constant 0.000000e+00 : f32
      %max3A_318 = vector.broadcast %max3A_317 : f32 to vector<16xf32>
      %max3A_319 = arith.maximumf %add3A_316, %max3A_318 : vector<16xf32>
      %swap3A_320 = arith.index_cast %scan3A_258 : i32 to index
      %swap3A_321 = arith.constant 48 : index
      %swap3A_322 = tpu.vector_load %arg16[%swap3A_320, %swap3A_321] {strides = array<i32>} : memref<64x128xf32, #tpu.memory_space<vmem>>, vector<1x16xf32>,
      %swap3A_323 = vector.shape_cast %swap3A_322 : vector<1x16xf32> to vector<16xf32>
      %swap3A_324 = vector.shape_cast %max3A_319 : vector<16xf32> to vector<1x16xf32>
      tpu.vector_store %arg16[%swap3A_320, %swap3A_321], %swap3A_324 {strides = array<i32>} : memref<64x128xf32, #tpu.memory_space<vmem>>, vector<1x16xf32>,
      %get3A_325 = arith.index_cast %scan3A_258 : i32 to index
      %get3A_326 = arith.constant 64 : index
      %get3A_327 = tpu.vector_load %arg14[%get3A_325, %get3A_326] {strides = array<i32>} : memref<64x128xf32, #tpu.memory_space<vmem>>, vector<1x16xf32>,
      %get3A_328 = vector.shape_cast %get3A_327 : vector<1x16xf32> to vector<16xf32>
      %get3A_329 = arith.index_cast %scan3A_258 : i32 to index
      %get3A_330 = arith.constant 64 : index
      %get3A_331 = tpu.vector_load %arg16[%get3A_329, %get3A_330] {strides = array<i32>} : memref<64x128xf32, #tpu.memory_space<vmem>>, vector<1x16xf32>,
      %get3A_332 = vector.shape_cast %get3A_331 : vector<1x16xf32> to vector<16xf32>
      %add3A_333 = arith.addf %get3A_328, %get3A_332 : vector<16xf32>
      %max3A_334 = arith.constant 0.000000e+00 : f32
      %max3A_335 = vector.broadcast %max3A_334 : f32 to vector<16xf32>
      %max3A_336 = arith.maximumf %add3A_333, %max3A_335 : vector<16xf32>
      %swap3A_337 = arith.index_cast %scan3A_258 : i32 to index
      %swap3A_338 = arith.constant 64 : index
      %swap3A_339 = tpu.vector_load %arg16[%swap3A_337, %swap3A_338] {strides = array<i32>} : memref<64x128xf32, #tpu.memory_space<vmem>>, vector<1x16xf32>,
      %swap3A_340 = vector.shape_cast %swap3A_339 : vector<1x16xf32> to vector<16xf32>
      %swap3A_341 = vector.shape_cast %max3A_336 : vector<16xf32> to vector<1x16xf32>
      tpu.vector_store %arg16[%swap3A_337, %swap3A_338], %swap3A_341 {strides = array<i32>} : memref<64x128xf32, #tpu.memory_space<vmem>>, vector<1x16xf32>,
      %get3A_342 = arith.index_cast %scan3A_258 : i32 to index
      %get3A_343 = arith.constant 80 : index
      %get3A_344 = tpu.vector_load %arg14[%get3A_342, %get3A_343] {strides = array<i32>} : memref<64x128xf32, #tpu.memory_space<vmem>>, vector<1x16xf32>,
      %get3A_345 = vector.shape_cast %get3A_344 : vector<1x16xf32> to vector<16xf32>
      %get3A_346 = arith.index_cast %scan3A_258 : i32 to index
      %get3A_347 = arith.constant 80 : index
      %get3A_348 = tpu.vector_load %arg16[%get3A_346, %get3A_347] {strides = array<i32>} : memref<64x128xf32, #tpu.memory_space<vmem>>, vector<1x16xf32>,
      %get3A_349 = vector.shape_cast %get3A_348 : vector<1x16xf32> to vector<16xf32>
      %add3A_350 = arith.addf %get3A_345, %get3A_349 : vector<16xf32>
      %max3A_351 = arith.constant 0.000000e+00 : f32
      %max3A_352 = vector.broadcast %max3A_351 : f32 to vector<16xf32>
      %max3A_353 = arith.maximumf %add3A_350, %max3A_352 : vector<16xf32>
      %swap3A_354 = arith.index_cast %scan3A_258 : i32 to index
      %swap3A_355 = arith.constant 80 : index
      %swap3A_356 = tpu.vector_load %arg16[%swap3A_354, %swap3A_355] {strides = array<i32>} : memref<64x128xf32, #tpu.memory_space<vmem>>, vector<1x16xf32>,
      %swap3A_357 = vector.shape_cast %swap3A_356 : vector<1x16xf32> to vector<16xf32>
      %swap3A_358 = vector.shape_cast %max3A_353 : vector<16xf32> to vector<1x16xf32>
      tpu.vector_store %arg16[%swap3A_354, %swap3A_355], %swap3A_358 {strides = array<i32>} : memref<64x128xf32, #tpu.memory_space<vmem>>, vector<1x16xf32>,
      %get3A_359 = arith.index_cast %scan3A_258 : i32 to index
      %get3A_360 = arith.constant 96 : index
      %get3A_361 = tpu.vector_load %arg14[%get3A_359, %get3A_360] {strides = array<i32>} : memref<64x128xf32, #tpu.memory_space<vmem>>, vector<1x16xf32>,
      %get3A_362 = vector.shape_cast %get3A_361 : vector<1x16xf32> to vector<16xf32>
      %get3A_363 = arith.index_cast %scan3A_258 : i32 to index
      %get3A_364 = arith.constant 96 : index
      %get3A_365 = tpu.vector_load %arg16[%get3A_363, %get3A_364] {strides = array<i32>} : memref<64x128xf32, #tpu.memory_space<vmem>>, vector<1x16xf32>,
      %get3A_366 = vector.shape_cast %get3A_365 : vector<1x16xf32> to vector<16xf32>
      %add3A_367 = arith.addf %get3A_362, %get3A_366 : vector<16xf32>
      %max3A_368 = arith.constant 0.000000e+00 : f32
      %max3A_369 = vector.broadcast %max3A_368 : f32 to vector<16xf32>
      %max3A_370 = arith.maximumf %add3A_367, %max3A_369 : vector<16xf32>
      %swap3A_371 = arith.index_cast %scan3A_258 : i32 to index
      %swap3A_372 = arith.constant 96 : index
      %swap3A_373 = tpu.vector_load %arg16[%swap3A_371, %swap3A_372] {strides = array<i32>} : memref<64x128xf32, #tpu.memory_space<vmem>>, vector<1x16xf32>,
      %swap3A_374 = vector.shape_cast %swap3A_373 : vector<1x16xf32> to vector<16xf32>
      %swap3A_375 = vector.shape_cast %max3A_370 : vector<16xf32> to vector<1x16xf32>
      tpu.vector_store %arg16[%swap3A_371, %swap3A_372], %swap3A_375 {strides = array<i32>} : memref<64x128xf32, #tpu.memory_space<vmem>>, vector<1x16xf32>,
      %get3A_376 = arith.index_cast %scan3A_258 : i32 to index
      %get3A_377 = arith.constant 112 : index
      %get3A_378 = tpu.vector_load %arg14[%get3A_376, %get3A_377] {strides = array<i32>} : memref<64x128xf32, #tpu.memory_space<vmem>>, vector<1x16xf32>,
      %get3A_379 = vector.shape_cast %get3A_378 : vector<1x16xf32> to vector<16xf32>
      %get3A_380 = arith.index_cast %scan3A_258 : i32 to index
      %get3A_381 = arith.constant 112 : index
      %get3A_382 = tpu.vector_load %arg16[%get3A_380, %get3A_381] {strides = array<i32>} : memref<64x128xf32, #tpu.memory_space<vmem>>, vector<1x16xf32>,
      %get3A_383 = vector.shape_cast %get3A_382 : vector<1x16xf32> to vector<16xf32>
      %add3A_384 = arith.addf %get3A_379, %get3A_383 : vector<16xf32>
      %max3A_385 = arith.constant 0.000000e+00 : f32
      %max3A_386 = vector.broadcast %max3A_385 : f32 to vector<16xf32>
      %max3A_387 = arith.maximumf %add3A_384, %max3A_386 : vector<16xf32>
      %swap3A_388 = arith.index_cast %scan3A_258 : i32 to index
      %swap3A_389 = arith.constant 112 : index
      %swap3A_390 = tpu.vector_load %arg16[%swap3A_388, %swap3A_389] {strides = array<i32>} : memref<64x128xf32, #tpu.memory_space<vmem>>, vector<1x16xf32>,
      %swap3A_391 = vector.shape_cast %swap3A_390 : vector<1x16xf32> to vector<16xf32>
      %swap3A_392 = vector.shape_cast %max3A_387 : vector<16xf32> to vector<1x16xf32>
      tpu.vector_store %arg16[%swap3A_388, %swap3A_389], %swap3A_392 {strides = array<i32>} : memref<64x128xf32, #tpu.memory_space<vmem>>, vector<1x16xf32>,
      %scan3A_393 = arith.constant 0 : i32
      scf.yield %scan3A_393 : i32
    }
    %scan3A_138 = arith.constant 64 : i32
    %add3A_139 = arith.constant 9920 : i32
    %add3A_140 = arith.addi %mul3A_30, %add3A_139 : i32
    %dma_wait3A_141 = tpu.memref_slice %arg3[%add3A_140] : memref<320000xi32, #tpu.memory_space<hbm>> -> memref<64xi32, #tpu.memory_space<hbm>>
    %dma_wait3A_142 = tpu.memref_slice %arg3[%add3A_140] : memref<320000xi32, #tpu.memory_space<hbm>> -> memref<64xi32, #tpu.memory_space<hbm>>
    tpu.wait_dma2 semaphore(%arg23 : memref<!tpu.dma_semaphore, #tpu.memory_space<semaphore_mem>>) src(%dma_wait3A_142 : memref<64xi32, #tpu.memory_space<hbm>>) dst(%arg10 : memref<64xi32, #tpu.memory_space<vmem>>)
    %dma_start3A_143 = arith.constant 0 : i32
    %dma_start3A_144 = arith.constant 0 : i32
    %dma_start3A_145 = tpu.memref_slice %arg2[%dma_start3A_143, %dma_start3A_144] : memref<10000x128xf32, #tpu.memory_space<hbm>> -> memref<10000x128xf32, #tpu.memory_space<hbm>>
    tpu.enqueue_indirect_dma source(%dma_start3A_145 : memref<10000x128xf32, #tpu.memory_space<hbm>>) target(%arg14 : memref<64x128xf32, #tpu.memory_space<vmem>>) offsets(%arg10 : memref<64xi32, #tpu.memory_space<vmem>>) semaphore(%arg27 : memref<!tpu.dma_semaphore, #tpu.memory_space<semaphore_mem>>)
    %add3A_146 = arith.constant 9792 : i32
    %add3A_147 = arith.addi %mul3A_30, %add3A_146 : i32
    %dma_wait3A_148 = tpu.memref_slice %arg4[%add3A_147] : memref<320000xi32, #tpu.memory_space<hbm>> -> memref<64xi32, #tpu.memory_space<hbm>>
    %dma_wait3A_149 = tpu.memref_slice %arg4[%add3A_147] : memref<320000xi32, #tpu.memory_space<hbm>> -> memref<64xi32, #tpu.memory_space<hbm>>
    tpu.wait_dma2 semaphore(%arg25 : memref<!tpu.dma_semaphore, #tpu.memory_space<semaphore_mem>>) src(%dma_wait3A_149 : memref<64xi32, #tpu.memory_space<hbm>>) dst(%arg12 : memref<64xi32, #tpu.memory_space<vmem>>)
    %dma_start3A_150 = arith.constant 0 : i32
    %dma_start3A_151 = arith.constant 0 : i32
    %dma_start3A_152 = tpu.memref_slice %arg19[%dma_start3A_150, %dma_start3A_151] : memref<10240x128xf32, #tpu.memory_space<vmem_shared>> -> memref<10240x128xf32, #tpu.memory_space<vmem_shared>>
    tpu.enqueue_indirect_dma source(%arg16 : memref<64x128xf32, #tpu.memory_space<vmem>>) target(%dma_start3A_152 : memref<10240x128xf32, #tpu.memory_space<vmem_shared>>) offsets(%arg12 : memref<64xi32, #tpu.memory_space<vmem>>) semaphore(%arg31 : memref<!tpu.dma_semaphore, #tpu.memory_space<semaphore_mem>>) {add = true}
    %dma_wait3A_153 = arith.constant 0 : i32
    %dma_wait3A_154 = arith.constant 0 : i32
    %dma_wait3A_155 = tpu.memref_slice %arg19[%dma_wait3A_153, %dma_wait3A_154] : memref<10240x128xf32, #tpu.memory_space<vmem_shared>> -> memref<10240x128xf32, #tpu.memory_space<vmem_shared>>
    tpu.wait_indirect_dma semaphore(%arg31 : memref<!tpu.dma_semaphore, #tpu.memory_space<semaphore_mem>>) src(%arg16 : memref<64x128xf32, #tpu.memory_space<vmem>>) dst(%dma_wait3A_155 : memref<10240x128xf32, #tpu.memory_space<vmem_shared>>)
    %add3A_156 = arith.constant 9920 : i32
    %add3A_157 = arith.addi %mul3A_30, %add3A_156 : i32
    %dma_start3A_158 = arith.constant 0 : i32
    %dma_start3A_159 = tpu.memref_slice %arg5[%add3A_157, %dma_start3A_158] : memref<320000x128xf32, #tpu.memory_space<hbm>> -> memref<64x128xf32, #tpu.memory_space<hbm>>
    %dma_start3A_160 = arith.constant 0 : i32
    %dma_start3A_161 = tpu.memref_slice %arg5[%add3A_157, %dma_start3A_160] : memref<320000x128xf32, #tpu.memory_space<hbm>> -> memref<64x128xf32, #tpu.memory_space<hbm>>
    tpu.enqueue_dma source(%dma_start3A_161 : memref<64x128xf32, #tpu.memory_space<hbm>>) target(%arg16 : memref<64x128xf32, #tpu.memory_space<vmem>>) target_semaphore(%arg29 : memref<!tpu.dma_semaphore, #tpu.memory_space<semaphore_mem>>)
    %dma_wait3A_162 = arith.constant 0 : i32
    %dma_wait3A_163 = arith.constant 0 : i32
    %dma_wait3A_164 = tpu.memref_slice %arg2[%dma_wait3A_162, %dma_wait3A_163] : memref<10000x128xf32, #tpu.memory_space<hbm>> -> memref<10000x128xf32, #tpu.memory_space<hbm>>
    tpu.wait_indirect_dma semaphore(%arg26 : memref<!tpu.dma_semaphore, #tpu.memory_space<semaphore_mem>>) src(%dma_wait3A_164 : memref<10000x128xf32, #tpu.memory_space<hbm>>) dst(%arg13 : memref<64x128xf32, #tpu.memory_space<vmem>>)
    %add3A_165 = arith.constant 9856 : i32
    %add3A_166 = arith.addi %mul3A_30, %add3A_165 : i32
    %dma_wait3A_167 = arith.constant 0 : i32
    %dma_wait3A_168 = tpu.memref_slice %arg5[%add3A_166, %dma_wait3A_167] : memref<320000x128xf32, #tpu.memory_space<hbm>> -> memref<64x128xf32, #tpu.memory_space<hbm>>
    %dma_wait3A_169 = arith.constant 0 : i32
    %dma_wait3A_170 = tpu.memref_slice %arg5[%add3A_166, %dma_wait3A_169] : memref<320000x128xf32, #tpu.memory_space<hbm>> -> memref<64x128xf32, #tpu.memory_space<hbm>>
    tpu.wait_dma2 semaphore(%arg28 : memref<!tpu.dma_semaphore, #tpu.memory_space<semaphore_mem>>) src(%dma_wait3A_170 : memref<64x128xf32, #tpu.memory_space<hbm>>) dst(%arg15 : memref<64x128xf32, #tpu.memory_space<vmem>>)
    %add3A_171 = arith.constant 9856 : i32
    %add3A_172 = arith.addi %mul3A_30, %add3A_171 : i32
    %dma_start3A_173 = tpu.memref_slice %arg4[%add3A_172] : memref<320000xi32, #tpu.memory_space<hbm>> -> memref<64xi32, #tpu.memory_space<hbm>>
    %dma_start3A_174 = tpu.memref_slice %arg4[%add3A_172] : memref<320000xi32, #tpu.memory_space<hbm>> -> memref<64xi32, #tpu.memory_space<hbm>>
    tpu.enqueue_dma source(%dma_start3A_174 : memref<64xi32, #tpu.memory_space<hbm>>) target(%arg11 : memref<64xi32, #tpu.memory_space<vmem>>) target_semaphore(%arg24 : memref<!tpu.dma_semaphore, #tpu.memory_space<semaphore_mem>>)
    %scan3A_175 = arith.constant 0 : i32
    %scan3A_176 = arith.constant 0 : i32
    %scan3A_177 = arith.constant 64 : i32
    %scan3A_178 = arith.addi %scan3A_176, %scan3A_177 : i32
    %scan3A_179 = arith.constant 1 : i32
    %scan3A_180 = scf.for %scan3A_258 = %scan3A_176 to %scan3A_178 step %scan3A_179 iter_args(%scan3A_259 = %scan3A_175) -> (i32)  : i32 {
      %get3A = arith.index_cast %scan3A_258 : i32 to index
      %get3A_260 = arith.constant 0 : index
      %get3A_261 = tpu.vector_load %arg13[%get3A, %get3A_260] {strides = array<i32>} : memref<64x128xf32, #tpu.memory_space<vmem>>, vector<1x16xf32>,
      %get3A_262 = vector.shape_cast %get3A_261 : vector<1x16xf32> to vector<16xf32>
      %get3A_263 = arith.index_cast %scan3A_258 : i32 to index
      %get3A_264 = arith.constant 0 : index
      %get3A_265 = tpu.vector_load %arg15[%get3A_263, %get3A_264] {strides = array<i32>} : memref<64x128xf32, #tpu.memory_space<vmem>>, vector<1x16xf32>,
      %get3A_266 = vector.shape_cast %get3A_265 : vector<1x16xf32> to vector<16xf32>
      %add3A_267 = arith.addf %get3A_262, %get3A_266 : vector<16xf32>
      %max3A = arith.constant 0.000000e+00 : f32
      %max3A_268 = vector.broadcast %max3A : f32 to vector<16xf32>
      %max3A_269 = arith.maximumf %add3A_267, %max3A_268 : vector<16xf32>
      %swap3A = arith.index_cast %scan3A_258 : i32 to index
      %swap3A_270 = arith.constant 0 : index
      %swap3A_271 = tpu.vector_load %arg15[%swap3A, %swap3A_270] {strides = array<i32>} : memref<64x128xf32, #tpu.memory_space<vmem>>, vector<1x16xf32>,
      %swap3A_272 = vector.shape_cast %swap3A_271 : vector<1x16xf32> to vector<16xf32>
      %swap3A_273 = vector.shape_cast %max3A_269 : vector<16xf32> to vector<1x16xf32>
      tpu.vector_store %arg15[%swap3A, %swap3A_270], %swap3A_273 {strides = array<i32>} : memref<64x128xf32, #tpu.memory_space<vmem>>, vector<1x16xf32>,
      %get3A_274 = arith.index_cast %scan3A_258 : i32 to index
      %get3A_275 = arith.constant 16 : index
      %get3A_276 = tpu.vector_load %arg13[%get3A_274, %get3A_275] {strides = array<i32>} : memref<64x128xf32, #tpu.memory_space<vmem>>, vector<1x16xf32>,
      %get3A_277 = vector.shape_cast %get3A_276 : vector<1x16xf32> to vector<16xf32>
      %get3A_278 = arith.index_cast %scan3A_258 : i32 to index
      %get3A_279 = arith.constant 16 : index
      %get3A_280 = tpu.vector_load %arg15[%get3A_278, %get3A_279] {strides = array<i32>} : memref<64x128xf32, #tpu.memory_space<vmem>>, vector<1x16xf32>,
      %get3A_281 = vector.shape_cast %get3A_280 : vector<1x16xf32> to vector<16xf32>
      %add3A_282 = arith.addf %get3A_277, %get3A_281 : vector<16xf32>
      %max3A_283 = arith.constant 0.000000e+00 : f32
      %max3A_284 = vector.broadcast %max3A_283 : f32 to vector<16xf32>
      %max3A_285 = arith.maximumf %add3A_282, %max3A_284 : vector<16xf32>
      %swap3A_286 = arith.index_cast %scan3A_258 : i32 to index
      %swap3A_287 = arith.constant 16 : index
      %swap3A_288 = tpu.vector_load %arg15[%swap3A_286, %swap3A_287] {strides = array<i32>} : memref<64x128xf32, #tpu.memory_space<vmem>>, vector<1x16xf32>,
      %swap3A_289 = vector.shape_cast %swap3A_288 : vector<1x16xf32> to vector<16xf32>
      %swap3A_290 = vector.shape_cast %max3A_285 : vector<16xf32> to vector<1x16xf32>
      tpu.vector_store %arg15[%swap3A_286, %swap3A_287], %swap3A_290 {strides = array<i32>} : memref<64x128xf32, #tpu.memory_space<vmem>>, vector<1x16xf32>,
      %get3A_291 = arith.index_cast %scan3A_258 : i32 to index
      %get3A_292 = arith.constant 32 : index
      %get3A_293 = tpu.vector_load %arg13[%get3A_291, %get3A_292] {strides = array<i32>} : memref<64x128xf32, #tpu.memory_space<vmem>>, vector<1x16xf32>,
      %get3A_294 = vector.shape_cast %get3A_293 : vector<1x16xf32> to vector<16xf32>
      %get3A_295 = arith.index_cast %scan3A_258 : i32 to index
      %get3A_296 = arith.constant 32 : index
      %get3A_297 = tpu.vector_load %arg15[%get3A_295, %get3A_296] {strides = array<i32>} : memref<64x128xf32, #tpu.memory_space<vmem>>, vector<1x16xf32>,
      %get3A_298 = vector.shape_cast %get3A_297 : vector<1x16xf32> to vector<16xf32>
      %add3A_299 = arith.addf %get3A_294, %get3A_298 : vector<16xf32>
      %max3A_300 = arith.constant 0.000000e+00 : f32
      %max3A_301 = vector.broadcast %max3A_300 : f32 to vector<16xf32>
      %max3A_302 = arith.maximumf %add3A_299, %max3A_301 : vector<16xf32>
      %swap3A_303 = arith.index_cast %scan3A_258 : i32 to index
      %swap3A_304 = arith.constant 32 : index
      %swap3A_305 = tpu.vector_load %arg15[%swap3A_303, %swap3A_304] {strides = array<i32>} : memref<64x128xf32, #tpu.memory_space<vmem>>, vector<1x16xf32>,
      %swap3A_306 = vector.shape_cast %swap3A_305 : vector<1x16xf32> to vector<16xf32>
      %swap3A_307 = vector.shape_cast %max3A_302 : vector<16xf32> to vector<1x16xf32>
      tpu.vector_store %arg15[%swap3A_303, %swap3A_304], %swap3A_307 {strides = array<i32>} : memref<64x128xf32, #tpu.memory_space<vmem>>, vector<1x16xf32>,
      %get3A_308 = arith.index_cast %scan3A_258 : i32 to index
      %get3A_309 = arith.constant 48 : index
      %get3A_310 = tpu.vector_load %arg13[%get3A_308, %get3A_309] {strides = array<i32>} : memref<64x128xf32, #tpu.memory_space<vmem>>, vector<1x16xf32>,
      %get3A_311 = vector.shape_cast %get3A_310 : vector<1x16xf32> to vector<16xf32>
      %get3A_312 = arith.index_cast %scan3A_258 : i32 to index
      %get3A_313 = arith.constant 48 : index
      %get3A_314 = tpu.vector_load %arg15[%get3A_312, %get3A_313] {strides = array<i32>} : memref<64x128xf32, #tpu.memory_space<vmem>>, vector<1x16xf32>,
      %get3A_315 = vector.shape_cast %get3A_314 : vector<1x16xf32> to vector<16xf32>
      %add3A_316 = arith.addf %get3A_311, %get3A_315 : vector<16xf32>
      %max3A_317 = arith.constant 0.000000e+00 : f32
      %max3A_318 = vector.broadcast %max3A_317 : f32 to vector<16xf32>
      %max3A_319 = arith.maximumf %add3A_316, %max3A_318 : vector<16xf32>
      %swap3A_320 = arith.index_cast %scan3A_258 : i32 to index
      %swap3A_321 = arith.constant 48 : index
      %swap3A_322 = tpu.vector_load %arg15[%swap3A_320, %swap3A_321] {strides = array<i32>} : memref<64x128xf32, #tpu.memory_space<vmem>>, vector<1x16xf32>,
      %swap3A_323 = vector.shape_cast %swap3A_322 : vector<1x16xf32> to vector<16xf32>
      %swap3A_324 = vector.shape_cast %max3A_319 : vector<16xf32> to vector<1x16xf32>
      tpu.vector_store %arg15[%swap3A_320, %swap3A_321], %swap3A_324 {strides = array<i32>} : memref<64x128xf32, #tpu.memory_space<vmem>>, vector<1x16xf32>,
      %get3A_325 = arith.index_cast %scan3A_258 : i32 to index
      %get3A_326 = arith.constant 64 : index
      %get3A_327 = tpu.vector_load %arg13[%get3A_325, %get3A_326] {strides = array<i32>} : memref<64x128xf32, #tpu.memory_space<vmem>>, vector<1x16xf32>,
      %get3A_328 = vector.shape_cast %get3A_327 : vector<1x16xf32> to vector<16xf32>
      %get3A_329 = arith.index_cast %scan3A_258 : i32 to index
      %get3A_330 = arith.constant 64 : index
      %get3A_331 = tpu.vector_load %arg15[%get3A_329, %get3A_330] {strides = array<i32>} : memref<64x128xf32, #tpu.memory_space<vmem>>, vector<1x16xf32>,
      %get3A_332 = vector.shape_cast %get3A_331 : vector<1x16xf32> to vector<16xf32>
      %add3A_333 = arith.addf %get3A_328, %get3A_332 : vector<16xf32>
      %max3A_334 = arith.constant 0.000000e+00 : f32
      %max3A_335 = vector.broadcast %max3A_334 : f32 to vector<16xf32>
      %max3A_336 = arith.maximumf %add3A_333, %max3A_335 : vector<16xf32>
      %swap3A_337 = arith.index_cast %scan3A_258 : i32 to index
      %swap3A_338 = arith.constant 64 : index
      %swap3A_339 = tpu.vector_load %arg15[%swap3A_337, %swap3A_338] {strides = array<i32>} : memref<64x128xf32, #tpu.memory_space<vmem>>, vector<1x16xf32>,
      %swap3A_340 = vector.shape_cast %swap3A_339 : vector<1x16xf32> to vector<16xf32>
      %swap3A_341 = vector.shape_cast %max3A_336 : vector<16xf32> to vector<1x16xf32>
      tpu.vector_store %arg15[%swap3A_337, %swap3A_338], %swap3A_341 {strides = array<i32>} : memref<64x128xf32, #tpu.memory_space<vmem>>, vector<1x16xf32>,
      %get3A_342 = arith.index_cast %scan3A_258 : i32 to index
      %get3A_343 = arith.constant 80 : index
      %get3A_344 = tpu.vector_load %arg13[%get3A_342, %get3A_343] {strides = array<i32>} : memref<64x128xf32, #tpu.memory_space<vmem>>, vector<1x16xf32>,
      %get3A_345 = vector.shape_cast %get3A_344 : vector<1x16xf32> to vector<16xf32>
      %get3A_346 = arith.index_cast %scan3A_258 : i32 to index
      %get3A_347 = arith.constant 80 : index
      %get3A_348 = tpu.vector_load %arg15[%get3A_346, %get3A_347] {strides = array<i32>} : memref<64x128xf32, #tpu.memory_space<vmem>>, vector<1x16xf32>,
      %get3A_349 = vector.shape_cast %get3A_348 : vector<1x16xf32> to vector<16xf32>
      %add3A_350 = arith.addf %get3A_345, %get3A_349 : vector<16xf32>
      %max3A_351 = arith.constant 0.000000e+00 : f32
      %max3A_352 = vector.broadcast %max3A_351 : f32 to vector<16xf32>
      %max3A_353 = arith.maximumf %add3A_350, %max3A_352 : vector<16xf32>
      %swap3A_354 = arith.index_cast %scan3A_258 : i32 to index
      %swap3A_355 = arith.constant 80 : index
      %swap3A_356 = tpu.vector_load %arg15[%swap3A_354, %swap3A_355] {strides = array<i32>} : memref<64x128xf32, #tpu.memory_space<vmem>>, vector<1x16xf32>,
      %swap3A_357 = vector.shape_cast %swap3A_356 : vector<1x16xf32> to vector<16xf32>
      %swap3A_358 = vector.shape_cast %max3A_353 : vector<16xf32> to vector<1x16xf32>
      tpu.vector_store %arg15[%swap3A_354, %swap3A_355], %swap3A_358 {strides = array<i32>} : memref<64x128xf32, #tpu.memory_space<vmem>>, vector<1x16xf32>,
      %get3A_359 = arith.index_cast %scan3A_258 : i32 to index
      %get3A_360 = arith.constant 96 : index
      %get3A_361 = tpu.vector_load %arg13[%get3A_359, %get3A_360] {strides = array<i32>} : memref<64x128xf32, #tpu.memory_space<vmem>>, vector<1x16xf32>,
      %get3A_362 = vector.shape_cast %get3A_361 : vector<1x16xf32> to vector<16xf32>
      %get3A_363 = arith.index_cast %scan3A_258 : i32 to index
      %get3A_364 = arith.constant 96 : index
      %get3A_365 = tpu.vector_load %arg15[%get3A_363, %get3A_364] {strides = array<i32>} : memref<64x128xf32, #tpu.memory_space<vmem>>, vector<1x16xf32>,
      %get3A_366 = vector.shape_cast %get3A_365 : vector<1x16xf32> to vector<16xf32>
      %add3A_367 = arith.addf %get3A_362, %get3A_366 : vector<16xf32>
      %max3A_368 = arith.constant 0.000000e+00 : f32
      %max3A_369 = vector.broadcast %max3A_368 : f32 to vector<16xf32>
      %max3A_370 = arith.maximumf %add3A_367, %max3A_369 : vector<16xf32>
      %swap3A_371 = arith.index_cast %scan3A_258 : i32 to index
      %swap3A_372 = arith.constant 96 : index
      %swap3A_373 = tpu.vector_load %arg15[%swap3A_371, %swap3A_372] {strides = array<i32>} : memref<64x128xf32, #tpu.memory_space<vmem>>, vector<1x16xf32>,
      %swap3A_374 = vector.shape_cast %swap3A_373 : vector<1x16xf32> to vector<16xf32>
      %swap3A_375 = vector.shape_cast %max3A_370 : vector<16xf32> to vector<1x16xf32>
      tpu.vector_store %arg15[%swap3A_371, %swap3A_372], %swap3A_375 {strides = array<i32>} : memref<64x128xf32, #tpu.memory_space<vmem>>, vector<1x16xf32>,
      %get3A_376 = arith.index_cast %scan3A_258 : i32 to index
      %get3A_377 = arith.constant 112 : index
      %get3A_378 = tpu.vector_load %arg13[%get3A_376, %get3A_377] {strides = array<i32>} : memref<64x128xf32, #tpu.memory_space<vmem>>, vector<1x16xf32>,
      %get3A_379 = vector.shape_cast %get3A_378 : vector<1x16xf32> to vector<16xf32>
      %get3A_380 = arith.index_cast %scan3A_258 : i32 to index
      %get3A_381 = arith.constant 112 : index
      %get3A_382 = tpu.vector_load %arg15[%get3A_380, %get3A_381] {strides = array<i32>} : memref<64x128xf32, #tpu.memory_space<vmem>>, vector<1x16xf32>,
      %get3A_383 = vector.shape_cast %get3A_382 : vector<1x16xf32> to vector<16xf32>
      %add3A_384 = arith.addf %get3A_379, %get3A_383 : vector<16xf32>
      %max3A_385 = arith.constant 0.000000e+00 : f32
      %max3A_386 = vector.broadcast %max3A_385 : f32 to vector<16xf32>
      %max3A_387 = arith.maximumf %add3A_384, %max3A_386 : vector<16xf32>
      %swap3A_388 = arith.index_cast %scan3A_258 : i32 to index
      %swap3A_389 = arith.constant 112 : index
      %swap3A_390 = tpu.vector_load %arg15[%swap3A_388, %swap3A_389] {strides = array<i32>} : memref<64x128xf32, #tpu.memory_space<vmem>>, vector<1x16xf32>,
      %swap3A_391 = vector.shape_cast %swap3A_390 : vector<1x16xf32> to vector<16xf32>
      %swap3A_392 = vector.shape_cast %max3A_387 : vector<16xf32> to vector<1x16xf32>
      tpu.vector_store %arg15[%swap3A_388, %swap3A_389], %swap3A_392 {strides = array<i32>} : memref<64x128xf32, #tpu.memory_space<vmem>>, vector<1x16xf32>,
      %scan3A_393 = arith.constant 0 : i32
      scf.yield %scan3A_393 : i32
    }
    %scan3A_181 = arith.constant 64 : i32
    %add3A_182 = arith.constant 9856 : i32
    %add3A_183 = arith.addi %mul3A_30, %add3A_182 : i32
    %dma_wait3A_184 = tpu.memref_slice %arg4[%add3A_183] : memref<320000xi32, #tpu.memory_space<hbm>> -> memref<64xi32, #tpu.memory_space<hbm>>
    %dma_wait3A_185 = tpu.memref_slice %arg4[%add3A_183] : memref<320000xi32, #tpu.memory_space<hbm>> -> memref<64xi32, #tpu.memory_space<hbm>>
    tpu.wait_dma2 semaphore(%arg24 : memref<!tpu.dma_semaphore, #tpu.memory_space<semaphore_mem>>) src(%dma_wait3A_185 : memref<64xi32, #tpu.memory_space<hbm>>) dst(%arg11 : memref<64xi32, #tpu.memory_space<vmem>>)
    %dma_start3A_186 = arith.constant 0 : i32
    %dma_start3A_187 = arith.constant 0 : i32
    %dma_start3A_188 = tpu.memref_slice %arg19[%dma_start3A_186, %dma_start3A_187] : memref<10240x128xf32, #tpu.memory_space<vmem_shared>> -> memref<10240x128xf32, #tpu.memory_space<vmem_shared>>
    tpu.enqueue_indirect_dma source(%arg15 : memref<64x128xf32, #tpu.memory_space<vmem>>) target(%dma_start3A_188 : memref<10240x128xf32, #tpu.memory_space<vmem_shared>>) offsets(%arg11 : memref<64xi32, #tpu.memory_space<vmem>>) semaphore(%arg30 : memref<!tpu.dma_semaphore, #tpu.memory_space<semaphore_mem>>) {add = true}
    %dma_wait3A_189 = arith.constant 0 : i32
    %dma_wait3A_190 = arith.constant 0 : i32
    %dma_wait3A_191 = tpu.memref_slice %arg19[%dma_wait3A_189, %dma_wait3A_190] : memref<10240x128xf32, #tpu.memory_space<vmem_shared>> -> memref<10240x128xf32, #tpu.memory_space<vmem_shared>>
    tpu.wait_indirect_dma semaphore(%arg30 : memref<!tpu.dma_semaphore, #tpu.memory_space<semaphore_mem>>) src(%arg15 : memref<64x128xf32, #tpu.memory_space<vmem>>) dst(%dma_wait3A_191 : memref<10240x128xf32, #tpu.memory_space<vmem_shared>>)
    %dma_wait3A_192 = arith.constant 0 : i32
    %dma_wait3A_193 = arith.constant 0 : i32
    %dma_wait3A_194 = tpu.memref_slice %arg2[%dma_wait3A_192, %dma_wait3A_193] : memref<10000x128xf32, #tpu.memory_space<hbm>> -> memref<10000x128xf32, #tpu.memory_space<hbm>>
    tpu.wait_indirect_dma semaphore(%arg27 : memref<!tpu.dma_semaphore, #tpu.memory_space<semaphore_mem>>) src(%dma_wait3A_194 : memref<10000x128xf32, #tpu.memory_space<hbm>>) dst(%arg14 : memref<64x128xf32, #tpu.memory_space<vmem>>)
    %add3A_195 = arith.constant 9920 : i32
    %add3A_196 = arith.addi %mul3A_30, %add3A_195 : i32
    %dma_wait3A_197 = arith.constant 0 : i32
    %dma_wait3A_198 = tpu.memref_slice %arg5[%add3A_196, %dma_wait3A_197] : memref<320000x128xf32, #tpu.memory_space<hbm>> -> memref<64x128xf32, #tpu.memory_space<hbm>>
    %dma_wait3A_199 = arith.constant 0 : i32
    %dma_wait3A_200 = tpu.memref_slice %arg5[%add3A_196, %dma_wait3A_199] : memref<320000x128xf32, #tpu.memory_space<hbm>> -> memref<64x128xf32, #tpu.memory_space<hbm>>
    tpu.wait_dma2 semaphore(%arg29 : memref<!tpu.dma_semaphore, #tpu.memory_space<semaphore_mem>>) src(%dma_wait3A_200 : memref<64x128xf32, #tpu.memory_space<hbm>>) dst(%arg16 : memref<64x128xf32, #tpu.memory_space<vmem>>)
    %add3A_201 = arith.constant 9920 : i32
    %add3A_202 = arith.addi %mul3A_30, %add3A_201 : i32
    %dma_start3A_203 = tpu.memref_slice %arg4[%add3A_202] : memref<320000xi32, #tpu.memory_space<hbm>> -> memref<64xi32, #tpu.memory_space<hbm>>
    %dma_start3A_204 = tpu.memref_slice %arg4[%add3A_202] : memref<320000xi32, #tpu.memory_space<hbm>> -> memref<64xi32, #tpu.memory_space<hbm>>
    tpu.enqueue_dma source(%dma_start3A_204 : memref<64xi32, #tpu.memory_space<hbm>>) target(%arg12 : memref<64xi32, #tpu.memory_space<vmem>>) target_semaphore(%arg25 : memref<!tpu.dma_semaphore, #tpu.memory_space<semaphore_mem>>)
    %scan3A_205 = arith.constant 0 : i32
    %scan3A_206 = arith.constant 0 : i32
    %scan3A_207 = arith.constant 64 : i32
    %scan3A_208 = arith.addi %scan3A_206, %scan3A_207 : i32
    %scan3A_209 = arith.constant 1 : i32
    %scan3A_210 = scf.for %scan3A_258 = %scan3A_206 to %scan3A_208 step %scan3A_209 iter_args(%scan3A_259 = %scan3A_205) -> (i32)  : i32 {
      %get3A = arith.index_cast %scan3A_258 : i32 to index
      %get3A_260 = arith.constant 0 : index
      %get3A_261 = tpu.vector_load %arg14[%get3A, %get3A_260] {strides = array<i32>} : memref<64x128xf32, #tpu.memory_space<vmem>>, vector<1x16xf32>,
      %get3A_262 = vector.shape_cast %get3A_261 : vector<1x16xf32> to vector<16xf32>
      %get3A_263 = arith.index_cast %scan3A_258 : i32 to index
      %get3A_264 = arith.constant 0 : index
      %get3A_265 = tpu.vector_load %arg16[%get3A_263, %get3A_264] {strides = array<i32>} : memref<64x128xf32, #tpu.memory_space<vmem>>, vector<1x16xf32>,
      %get3A_266 = vector.shape_cast %get3A_265 : vector<1x16xf32> to vector<16xf32>
      %add3A_267 = arith.addf %get3A_262, %get3A_266 : vector<16xf32>
      %max3A = arith.constant 0.000000e+00 : f32
      %max3A_268 = vector.broadcast %max3A : f32 to vector<16xf32>
      %max3A_269 = arith.maximumf %add3A_267, %max3A_268 : vector<16xf32>
      %swap3A = arith.index_cast %scan3A_258 : i32 to index
      %swap3A_270 = arith.constant 0 : index
      %swap3A_271 = tpu.vector_load %arg16[%swap3A, %swap3A_270] {strides = array<i32>} : memref<64x128xf32, #tpu.memory_space<vmem>>, vector<1x16xf32>,
      %swap3A_272 = vector.shape_cast %swap3A_271 : vector<1x16xf32> to vector<16xf32>
      %swap3A_273 = vector.shape_cast %max3A_269 : vector<16xf32> to vector<1x16xf32>
      tpu.vector_store %arg16[%swap3A, %swap3A_270], %swap3A_273 {strides = array<i32>} : memref<64x128xf32, #tpu.memory_space<vmem>>, vector<1x16xf32>,
      %get3A_274 = arith.index_cast %scan3A_258 : i32 to index
      %get3A_275 = arith.constant 16 : index
      %get3A_276 = tpu.vector_load %arg14[%get3A_274, %get3A_275] {strides = array<i32>} : memref<64x128xf32, #tpu.memory_space<vmem>>, vector<1x16xf32>,
      %get3A_277 = vector.shape_cast %get3A_276 : vector<1x16xf32> to vector<16xf32>
      %get3A_278 = arith.index_cast %scan3A_258 : i32 to index
      %get3A_279 = arith.constant 16 : index
      %get3A_280 = tpu.vector_load %arg16[%get3A_278, %get3A_279] {strides = array<i32>} : memref<64x128xf32, #tpu.memory_space<vmem>>, vector<1x16xf32>,
      %get3A_281 = vector.shape_cast %get3A_280 : vector<1x16xf32> to vector<16xf32>
      %add3A_282 = arith.addf %get3A_277, %get3A_281 : vector<16xf32>
      %max3A_283 = arith.constant 0.000000e+00 : f32
      %max3A_284 = vector.broadcast %max3A_283 : f32 to vector<16xf32>
      %max3A_285 = arith.maximumf %add3A_282, %max3A_284 : vector<16xf32>
      %swap3A_286 = arith.index_cast %scan3A_258 : i32 to index
      %swap3A_287 = arith.constant 16 : index
      %swap3A_288 = tpu.vector_load %arg16[%swap3A_286, %swap3A_287] {strides = array<i32>} : memref<64x128xf32, #tpu.memory_space<vmem>>, vector<1x16xf32>,
      %swap3A_289 = vector.shape_cast %swap3A_288 : vector<1x16xf32> to vector<16xf32>
      %swap3A_290 = vector.shape_cast %max3A_285 : vector<16xf32> to vector<1x16xf32>
      tpu.vector_store %arg16[%swap3A_286, %swap3A_287], %swap3A_290 {strides = array<i32>} : memref<64x128xf32, #tpu.memory_space<vmem>>, vector<1x16xf32>,
      %get3A_291 = arith.index_cast %scan3A_258 : i32 to index
      %get3A_292 = arith.constant 32 : index
      %get3A_293 = tpu.vector_load %arg14[%get3A_291, %get3A_292] {strides = array<i32>} : memref<64x128xf32, #tpu.memory_space<vmem>>, vector<1x16xf32>,
      %get3A_294 = vector.shape_cast %get3A_293 : vector<1x16xf32> to vector<16xf32>
      %get3A_295 = arith.index_cast %scan3A_258 : i32 to index
      %get3A_296 = arith.constant 32 : index
      %get3A_297 = tpu.vector_load %arg16[%get3A_295, %get3A_296] {strides = array<i32>} : memref<64x128xf32, #tpu.memory_space<vmem>>, vector<1x16xf32>,
      %get3A_298 = vector.shape_cast %get3A_297 : vector<1x16xf32> to vector<16xf32>
      %add3A_299 = arith.addf %get3A_294, %get3A_298 : vector<16xf32>
      %max3A_300 = arith.constant 0.000000e+00 : f32
      %max3A_301 = vector.broadcast %max3A_300 : f32 to vector<16xf32>
      %max3A_302 = arith.maximumf %add3A_299, %max3A_301 : vector<16xf32>
      %swap3A_303 = arith.index_cast %scan3A_258 : i32 to index
      %swap3A_304 = arith.constant 32 : index
      %swap3A_305 = tpu.vector_load %arg16[%swap3A_303, %swap3A_304] {strides = array<i32>} : memref<64x128xf32, #tpu.memory_space<vmem>>, vector<1x16xf32>,
      %swap3A_306 = vector.shape_cast %swap3A_305 : vector<1x16xf32> to vector<16xf32>
      %swap3A_307 = vector.shape_cast %max3A_302 : vector<16xf32> to vector<1x16xf32>
      tpu.vector_store %arg16[%swap3A_303, %swap3A_304], %swap3A_307 {strides = array<i32>} : memref<64x128xf32, #tpu.memory_space<vmem>>, vector<1x16xf32>,
      %get3A_308 = arith.index_cast %scan3A_258 : i32 to index
      %get3A_309 = arith.constant 48 : index
      %get3A_310 = tpu.vector_load %arg14[%get3A_308, %get3A_309] {strides = array<i32>} : memref<64x128xf32, #tpu.memory_space<vmem>>, vector<1x16xf32>,
      %get3A_311 = vector.shape_cast %get3A_310 : vector<1x16xf32> to vector<16xf32>
      %get3A_312 = arith.index_cast %scan3A_258 : i32 to index
      %get3A_313 = arith.constant 48 : index
      %get3A_314 = tpu.vector_load %arg16[%get3A_312, %get3A_313] {strides = array<i32>} : memref<64x128xf32, #tpu.memory_space<vmem>>, vector<1x16xf32>,
      %get3A_315 = vector.shape_cast %get3A_314 : vector<1x16xf32> to vector<16xf32>
      %add3A_316 = arith.addf %get3A_311, %get3A_315 : vector<16xf32>
      %max3A_317 = arith.constant 0.000000e+00 : f32
      %max3A_318 = vector.broadcast %max3A_317 : f32 to vector<16xf32>
      %max3A_319 = arith.maximumf %add3A_316, %max3A_318 : vector<16xf32>
      %swap3A_320 = arith.index_cast %scan3A_258 : i32 to index
      %swap3A_321 = arith.constant 48 : index
      %swap3A_322 = tpu.vector_load %arg16[%swap3A_320, %swap3A_321] {strides = array<i32>} : memref<64x128xf32, #tpu.memory_space<vmem>>, vector<1x16xf32>,
      %swap3A_323 = vector.shape_cast %swap3A_322 : vector<1x16xf32> to vector<16xf32>
      %swap3A_324 = vector.shape_cast %max3A_319 : vector<16xf32> to vector<1x16xf32>
      tpu.vector_store %arg16[%swap3A_320, %swap3A_321], %swap3A_324 {strides = array<i32>} : memref<64x128xf32, #tpu.memory_space<vmem>>, vector<1x16xf32>,
      %get3A_325 = arith.index_cast %scan3A_258 : i32 to index
      %get3A_326 = arith.constant 64 : index
      %get3A_327 = tpu.vector_load %arg14[%get3A_325, %get3A_326] {strides = array<i32>} : memref<64x128xf32, #tpu.memory_space<vmem>>, vector<1x16xf32>,
      %get3A_328 = vector.shape_cast %get3A_327 : vector<1x16xf32> to vector<16xf32>
      %get3A_329 = arith.index_cast %scan3A_258 : i32 to index
      %get3A_330 = arith.constant 64 : index
      %get3A_331 = tpu.vector_load %arg16[%get3A_329, %get3A_330] {strides = array<i32>} : memref<64x128xf32, #tpu.memory_space<vmem>>, vector<1x16xf32>,
      %get3A_332 = vector.shape_cast %get3A_331 : vector<1x16xf32> to vector<16xf32>
      %add3A_333 = arith.addf %get3A_328, %get3A_332 : vector<16xf32>
      %max3A_334 = arith.constant 0.000000e+00 : f32
      %max3A_335 = vector.broadcast %max3A_334 : f32 to vector<16xf32>
      %max3A_336 = arith.maximumf %add3A_333, %max3A_335 : vector<16xf32>
      %swap3A_337 = arith.index_cast %scan3A_258 : i32 to index
      %swap3A_338 = arith.constant 64 : index
      %swap3A_339 = tpu.vector_load %arg16[%swap3A_337, %swap3A_338] {strides = array<i32>} : memref<64x128xf32, #tpu.memory_space<vmem>>, vector<1x16xf32>,
      %swap3A_340 = vector.shape_cast %swap3A_339 : vector<1x16xf32> to vector<16xf32>
      %swap3A_341 = vector.shape_cast %max3A_336 : vector<16xf32> to vector<1x16xf32>
      tpu.vector_store %arg16[%swap3A_337, %swap3A_338], %swap3A_341 {strides = array<i32>} : memref<64x128xf32, #tpu.memory_space<vmem>>, vector<1x16xf32>,
      %get3A_342 = arith.index_cast %scan3A_258 : i32 to index
      %get3A_343 = arith.constant 80 : index
      %get3A_344 = tpu.vector_load %arg14[%get3A_342, %get3A_343] {strides = array<i32>} : memref<64x128xf32, #tpu.memory_space<vmem>>, vector<1x16xf32>,
      %get3A_345 = vector.shape_cast %get3A_344 : vector<1x16xf32> to vector<16xf32>
      %get3A_346 = arith.index_cast %scan3A_258 : i32 to index
      %get3A_347 = arith.constant 80 : index
      %get3A_348 = tpu.vector_load %arg16[%get3A_346, %get3A_347] {strides = array<i32>} : memref<64x128xf32, #tpu.memory_space<vmem>>, vector<1x16xf32>,
      %get3A_349 = vector.shape_cast %get3A_348 : vector<1x16xf32> to vector<16xf32>
      %add3A_350 = arith.addf %get3A_345, %get3A_349 : vector<16xf32>
      %max3A_351 = arith.constant 0.000000e+00 : f32
      %max3A_352 = vector.broadcast %max3A_351 : f32 to vector<16xf32>
      %max3A_353 = arith.maximumf %add3A_350, %max3A_352 : vector<16xf32>
      %swap3A_354 = arith.index_cast %scan3A_258 : i32 to index
      %swap3A_355 = arith.constant 80 : index
      %swap3A_356 = tpu.vector_load %arg16[%swap3A_354, %swap3A_355] {strides = array<i32>} : memref<64x128xf32, #tpu.memory_space<vmem>>, vector<1x16xf32>,
      %swap3A_357 = vector.shape_cast %swap3A_356 : vector<1x16xf32> to vector<16xf32>
      %swap3A_358 = vector.shape_cast %max3A_353 : vector<16xf32> to vector<1x16xf32>
      tpu.vector_store %arg16[%swap3A_354, %swap3A_355], %swap3A_358 {strides = array<i32>} : memref<64x128xf32, #tpu.memory_space<vmem>>, vector<1x16xf32>,
      %get3A_359 = arith.index_cast %scan3A_258 : i32 to index
      %get3A_360 = arith.constant 96 : index
      %get3A_361 = tpu.vector_load %arg14[%get3A_359, %get3A_360] {strides = array<i32>} : memref<64x128xf32, #tpu.memory_space<vmem>>, vector<1x16xf32>,
      %get3A_362 = vector.shape_cast %get3A_361 : vector<1x16xf32> to vector<16xf32>
      %get3A_363 = arith.index_cast %scan3A_258 : i32 to index
      %get3A_364 = arith.constant 96 : index
      %get3A_365 = tpu.vector_load %arg16[%get3A_363, %get3A_364] {strides = array<i32>} : memref<64x128xf32, #tpu.memory_space<vmem>>, vector<1x16xf32>,
      %get3A_366 = vector.shape_cast %get3A_365 : vector<1x16xf32> to vector<16xf32>
      %add3A_367 = arith.addf %get3A_362, %get3A_366 : vector<16xf32>
      %max3A_368 = arith.constant 0.000000e+00 : f32
      %max3A_369 = vector.broadcast %max3A_368 : f32 to vector<16xf32>
      %max3A_370 = arith.maximumf %add3A_367, %max3A_369 : vector<16xf32>
      %swap3A_371 = arith.index_cast %scan3A_258 : i32 to index
      %swap3A_372 = arith.constant 96 : index
      %swap3A_373 = tpu.vector_load %arg16[%swap3A_371, %swap3A_372] {strides = array<i32>} : memref<64x128xf32, #tpu.memory_space<vmem>>, vector<1x16xf32>,
      %swap3A_374 = vector.shape_cast %swap3A_373 : vector<1x16xf32> to vector<16xf32>
      %swap3A_375 = vector.shape_cast %max3A_370 : vector<16xf32> to vector<1x16xf32>
      tpu.vector_store %arg16[%swap3A_371, %swap3A_372], %swap3A_375 {strides = array<i32>} : memref<64x128xf32, #tpu.memory_space<vmem>>, vector<1x16xf32>,
      %get3A_376 = arith.index_cast %scan3A_258 : i32 to index
      %get3A_377 = arith.constant 112 : index
      %get3A_378 = tpu.vector_load %arg14[%get3A_376, %get3A_377] {strides = array<i32>} : memref<64x128xf32, #tpu.memory_space<vmem>>, vector<1x16xf32>,
      %get3A_379 = vector.shape_cast %get3A_378 : vector<1x16xf32> to vector<16xf32>
      %get3A_380 = arith.index_cast %scan3A_258 : i32 to index
      %get3A_381 = arith.constant 112 : index
      %get3A_382 = tpu.vector_load %arg16[%get3A_380, %get3A_381] {strides = array<i32>} : memref<64x128xf32, #tpu.memory_space<vmem>>, vector<1x16xf32>,
      %get3A_383 = vector.shape_cast %get3A_382 : vector<1x16xf32> to vector<16xf32>
      %add3A_384 = arith.addf %get3A_379, %get3A_383 : vector<16xf32>
      %max3A_385 = arith.constant 0.000000e+00 : f32
      %max3A_386 = vector.broadcast %max3A_385 : f32 to vector<16xf32>
      %max3A_387 = arith.maximumf %add3A_384, %max3A_386 : vector<16xf32>
      %swap3A_388 = arith.index_cast %scan3A_258 : i32 to index
      %swap3A_389 = arith.constant 112 : index
      %swap3A_390 = tpu.vector_load %arg16[%swap3A_388, %swap3A_389] {strides = array<i32>} : memref<64x128xf32, #tpu.memory_space<vmem>>, vector<1x16xf32>,
      %swap3A_391 = vector.shape_cast %swap3A_390 : vector<1x16xf32> to vector<16xf32>
      %swap3A_392 = vector.shape_cast %max3A_387 : vector<16xf32> to vector<1x16xf32>
      tpu.vector_store %arg16[%swap3A_388, %swap3A_389], %swap3A_392 {strides = array<i32>} : memref<64x128xf32, #tpu.memory_space<vmem>>, vector<1x16xf32>,
      %scan3A_393 = arith.constant 0 : i32
      scf.yield %scan3A_393 : i32
    }
    %scan3A_211 = arith.constant 64 : i32
    %add3A_212 = arith.constant 9920 : i32
    %add3A_213 = arith.addi %mul3A_30, %add3A_212 : i32
    %dma_wait3A_214 = tpu.memref_slice %arg4[%add3A_213] : memref<320000xi32, #tpu.memory_space<hbm>> -> memref<64xi32, #tpu.memory_space<hbm>>
    %dma_wait3A_215 = tpu.memref_slice %arg4[%add3A_213] : memref<320000xi32, #tpu.memory_space<hbm>> -> memref<64xi32, #tpu.memory_space<hbm>>
    tpu.wait_dma2 semaphore(%arg25 : memref<!tpu.dma_semaphore, #tpu.memory_space<semaphore_mem>>) src(%dma_wait3A_215 : memref<64xi32, #tpu.memory_space<hbm>>) dst(%arg12 : memref<64xi32, #tpu.memory_space<vmem>>)
    %dma_start3A_216 = arith.constant 0 : i32
    %dma_start3A_217 = arith.constant 0 : i32
    %dma_start3A_218 = tpu.memref_slice %arg19[%dma_start3A_216, %dma_start3A_217] : memref<10240x128xf32, #tpu.memory_space<vmem_shared>> -> memref<10240x128xf32, #tpu.memory_space<vmem_shared>>
    tpu.enqueue_indirect_dma source(%arg16 : memref<64x128xf32, #tpu.memory_space<vmem>>) target(%dma_start3A_218 : memref<10240x128xf32, #tpu.memory_space<vmem_shared>>) offsets(%arg12 : memref<64xi32, #tpu.memory_space<vmem>>) semaphore(%arg31 : memref<!tpu.dma_semaphore, #tpu.memory_space<semaphore_mem>>) {add = true}
    %dma_wait3A_219 = arith.constant 0 : i32
    %dma_wait3A_220 = arith.constant 0 : i32
    %dma_wait3A_221 = tpu.memref_slice %arg19[%dma_wait3A_219, %dma_wait3A_220] : memref<10240x128xf32, #tpu.memory_space<vmem_shared>> -> memref<10240x128xf32, #tpu.memory_space<vmem_shared>>
    tpu.wait_indirect_dma semaphore(%arg31 : memref<!tpu.dma_semaphore, #tpu.memory_space<semaphore_mem>>) src(%arg16 : memref<64x128xf32, #tpu.memory_space<vmem>>) dst(%dma_wait3A_221 : memref<10240x128xf32, #tpu.memory_space<vmem_shared>>)
    %add3A_222 = arith.constant 9984 : i32
    %add3A_223 = arith.addi %mul3A_30, %add3A_222 : i32
    "tpu.region"() ({
      %run_scoped3A = tpu.sem_alloc : memref<!tpu.dma_semaphore, #tpu.memory_space<semaphore_mem>>
      %dma_start3A_258 = tpu.memref_slice %arg3[%add3A_223] : memref<320000xi32, #tpu.memory_space<hbm>> -> memref<16xi32, #tpu.memory_space<hbm>>
      %dma_start3A_259 = tpu.memref_slice %arg3[%add3A_223] : memref<320000xi32, #tpu.memory_space<hbm>> -> memref<16xi32, #tpu.memory_space<hbm>>
      tpu.enqueue_dma source(%dma_start3A_259 : memref<16xi32, #tpu.memory_space<hbm>>) target(%arg17 : memref<16xi32, #tpu.memory_space<vmem>>) target_semaphore(%run_scoped3A : memref<!tpu.dma_semaphore, #tpu.memory_space<semaphore_mem>>)
      %dma_wait3A_260 = tpu.memref_slice %arg3[%add3A_223] : memref<320000xi32, #tpu.memory_space<hbm>> -> memref<16xi32, #tpu.memory_space<hbm>>
      %dma_wait3A_261 = tpu.memref_slice %arg3[%add3A_223] : memref<320000xi32, #tpu.memory_space<hbm>> -> memref<16xi32, #tpu.memory_space<hbm>>
      tpu.wait_dma2 semaphore(%run_scoped3A : memref<!tpu.dma_semaphore, #tpu.memory_space<semaphore_mem>>) src(%dma_wait3A_261 : memref<16xi32, #tpu.memory_space<hbm>>) dst(%arg17 : memref<16xi32, #tpu.memory_space<vmem>>)
      tpu.yield
    }) : () -> ()
    %add3A_224 = arith.constant 9984 : i32
    %add3A_225 = arith.addi %mul3A_30, %add3A_224 : i32
    "tpu.region"() ({
      %run_scoped3A = tpu.sem_alloc : memref<!tpu.dma_semaphore, #tpu.memory_space<semaphore_mem>>
      %dma_start3A_258 = tpu.memref_slice %arg4[%add3A_225] : memref<320000xi32, #tpu.memory_space<hbm>> -> memref<16xi32, #tpu.memory_space<hbm>>
      %dma_start3A_259 = tpu.memref_slice %arg4[%add3A_225] : memref<320000xi32, #tpu.memory_space<hbm>> -> memref<16xi32, #tpu.memory_space<hbm>>
      tpu.enqueue_dma source(%dma_start3A_259 : memref<16xi32, #tpu.memory_space<hbm>>) target(%arg18 : memref<16xi32, #tpu.memory_space<vmem>>) target_semaphore(%run_scoped3A : memref<!tpu.dma_semaphore, #tpu.memory_space<semaphore_mem>>)
      %dma_wait3A_260 = tpu.memref_slice %arg4[%add3A_225] : memref<320000xi32, #tpu.memory_space<hbm>> -> memref<16xi32, #tpu.memory_space<hbm>>
      %dma_wait3A_261 = tpu.memref_slice %arg4[%add3A_225] : memref<320000xi32, #tpu.memory_space<hbm>> -> memref<16xi32, #tpu.memory_space<hbm>>
      tpu.wait_dma2 semaphore(%run_scoped3A : memref<!tpu.dma_semaphore, #tpu.memory_space<semaphore_mem>>) src(%dma_wait3A_261 : memref<16xi32, #tpu.memory_space<hbm>>) dst(%arg18 : memref<16xi32, #tpu.memory_space<vmem>>)
      tpu.yield
    }) : () -> ()
    %dma_start3A_226 = arith.constant 0 : i32
    %dma_start3A_227 = arith.constant 0 : i32
    %dma_start3A_228 = tpu.memref_slice %arg13[%dma_start3A_226, %dma_start3A_227] : memref<64x128xf32, #tpu.memory_space<vmem>> -> memref<16x128xf32, #tpu.memory_space<vmem>>
    %dma_start3A_229 = arith.constant 0 : i32
    %dma_start3A_230 = arith.constant 0 : i32
    %dma_start3A_231 = tpu.memref_slice %arg2[%dma_start3A_229, %dma_start3A_230] : memref<10000x128xf32, #tpu.memory_space<hbm>> -> memref<10000x128xf32, #tpu.memory_space<hbm>>
    tpu.enqueue_indirect_dma source(%dma_start3A_231 : memref<10000x128xf32, #tpu.memory_space<hbm>>) target(%dma_start3A_228 : memref<16x128xf32, #tpu.memory_space<vmem>>) offsets(%arg17 : memref<16xi32, #tpu.memory_space<vmem>>) semaphore(%arg26 : memref<!tpu.dma_semaphore, #tpu.memory_space<semaphore_mem>>)
    %dma_wait3A_232 = arith.constant 0 : i32
    %dma_wait3A_233 = arith.constant 0 : i32
    %dma_wait3A_234 = tpu.memref_slice %arg13[%dma_wait3A_232, %dma_wait3A_233] : memref<64x128xf32, #tpu.memory_space<vmem>> -> memref<16x128xf32, #tpu.memory_space<vmem>>
    %dma_wait3A_235 = arith.constant 0 : i32
    %dma_wait3A_236 = arith.constant 0 : i32
    %dma_wait3A_237 = tpu.memref_slice %arg2[%dma_wait3A_235, %dma_wait3A_236] : memref<10000x128xf32, #tpu.memory_space<hbm>> -> memref<10000x128xf32, #tpu.memory_space<hbm>>
    tpu.wait_indirect_dma semaphore(%arg26 : memref<!tpu.dma_semaphore, #tpu.memory_space<semaphore_mem>>) src(%dma_wait3A_237 : memref<10000x128xf32, #tpu.memory_space<hbm>>) dst(%dma_wait3A_234 : memref<16x128xf32, #tpu.memory_space<vmem>>)
    %add3A_238 = arith.constant 9984 : i32
    %add3A_239 = arith.addi %mul3A_30, %add3A_238 : i32
    "tpu.region"() ({
      %run_scoped3A = tpu.sem_alloc : memref<!tpu.dma_semaphore, #tpu.memory_space<semaphore_mem>>
      %dma_start3A_258 = arith.constant 0 : i32
      %dma_start3A_259 = arith.constant 0 : i32
      %dma_start3A_260 = tpu.memref_slice %arg15[%dma_start3A_258, %dma_start3A_259] : memref<64x128xf32, #tpu.memory_space<vmem>> -> memref<16x128xf32, #tpu.memory_space<vmem>>
      %dma_start3A_261 = arith.constant 0 : i32
      %dma_start3A_262 = tpu.memref_slice %arg5[%add3A_239, %dma_start3A_261] : memref<320000x128xf32, #tpu.memory_space<hbm>> -> memref<16x128xf32, #tpu.memory_space<hbm>>
      %dma_start3A_263 = arith.constant 0 : i32
      %dma_start3A_264 = arith.constant 0 : i32
      %dma_start3A_265 = tpu.memref_slice %arg15[%dma_start3A_263, %dma_start3A_264] : memref<64x128xf32, #tpu.memory_space<vmem>> -> memref<16x128xf32, #tpu.memory_space<vmem>>
      %dma_start3A_266 = arith.constant 0 : i32
      %dma_start3A_267 = tpu.memref_slice %arg5[%add3A_239, %dma_start3A_266] : memref<320000x128xf32, #tpu.memory_space<hbm>> -> memref<16x128xf32, #tpu.memory_space<hbm>>
      tpu.enqueue_dma source(%dma_start3A_267 : memref<16x128xf32, #tpu.memory_space<hbm>>) target(%dma_start3A_265 : memref<16x128xf32, #tpu.memory_space<vmem>>) target_semaphore(%run_scoped3A : memref<!tpu.dma_semaphore, #tpu.memory_space<semaphore_mem>>)
      %dma_wait3A_268 = arith.constant 0 : i32
      %dma_wait3A_269 = arith.constant 0 : i32
      %dma_wait3A_270 = tpu.memref_slice %arg15[%dma_wait3A_268, %dma_wait3A_269] : memref<64x128xf32, #tpu.memory_space<vmem>> -> memref<16x128xf32, #tpu.memory_space<vmem>>
      %dma_wait3A_271 = arith.constant 0 : i32
      %dma_wait3A_272 = tpu.memref_slice %arg5[%add3A_239, %dma_wait3A_271] : memref<320000x128xf32, #tpu.memory_space<hbm>> -> memref<16x128xf32, #tpu.memory_space<hbm>>
      %dma_wait3A_273 = arith.constant 0 : i32
      %dma_wait3A_274 = arith.constant 0 : i32
      %dma_wait3A_275 = tpu.memref_slice %arg15[%dma_wait3A_273, %dma_wait3A_274] : memref<64x128xf32, #tpu.memory_space<vmem>> -> memref<16x128xf32, #tpu.memory_space<vmem>>
      %dma_wait3A_276 = arith.constant 0 : i32
      %dma_wait3A_277 = tpu.memref_slice %arg5[%add3A_239, %dma_wait3A_276] : memref<320000x128xf32, #tpu.memory_space<hbm>> -> memref<16x128xf32, #tpu.memory_space<hbm>>
      tpu.wait_dma2 semaphore(%run_scoped3A : memref<!tpu.dma_semaphore, #tpu.memory_space<semaphore_mem>>) src(%dma_wait3A_277 : memref<16x128xf32, #tpu.memory_space<hbm>>) dst(%dma_wait3A_275 : memref<16x128xf32, #tpu.memory_space<vmem>>)
      tpu.yield
    }) : () -> ()
    %scan3A_240 = arith.constant 0 : i32
    %scan3A_241 = arith.constant 0 : i32
    %scan3A_242 = arith.constant 16 : i32
    %scan3A_243 = arith.addi %scan3A_241, %scan3A_242 : i32
    %scan3A_244 = arith.constant 1 : i32
    %scan3A_245 = scf.for %scan3A_258 = %scan3A_241 to %scan3A_243 step %scan3A_244 iter_args(%scan3A_259 = %scan3A_240) -> (i32)  : i32 {
      %get3A = arith.index_cast %scan3A_258 : i32 to index
      %get3A_260 = arith.constant 0 : index
      %get3A_261 = tpu.vector_load %arg13[%get3A, %get3A_260] {strides = array<i32>} : memref<64x128xf32, #tpu.memory_space<vmem>>, vector<1x16xf32>,
      %get3A_262 = vector.shape_cast %get3A_261 : vector<1x16xf32> to vector<16xf32>
      %get3A_263 = arith.index_cast %scan3A_258 : i32 to index
      %get3A_264 = arith.constant 0 : index
      %get3A_265 = tpu.vector_load %arg15[%get3A_263, %get3A_264] {strides = array<i32>} : memref<64x128xf32, #tpu.memory_space<vmem>>, vector<1x16xf32>,
      %get3A_266 = vector.shape_cast %get3A_265 : vector<1x16xf32> to vector<16xf32>
      %add3A_267 = arith.addf %get3A_262, %get3A_266 : vector<16xf32>
      %max3A = arith.constant 0.000000e+00 : f32
      %max3A_268 = vector.broadcast %max3A : f32 to vector<16xf32>
      %max3A_269 = arith.maximumf %add3A_267, %max3A_268 : vector<16xf32>
      %swap3A = arith.index_cast %scan3A_258 : i32 to index
      %swap3A_270 = arith.constant 0 : index
      %swap3A_271 = tpu.vector_load %arg15[%swap3A, %swap3A_270] {strides = array<i32>} : memref<64x128xf32, #tpu.memory_space<vmem>>, vector<1x16xf32>,
      %swap3A_272 = vector.shape_cast %swap3A_271 : vector<1x16xf32> to vector<16xf32>
      %swap3A_273 = vector.shape_cast %max3A_269 : vector<16xf32> to vector<1x16xf32>
      tpu.vector_store %arg15[%swap3A, %swap3A_270], %swap3A_273 {strides = array<i32>} : memref<64x128xf32, #tpu.memory_space<vmem>>, vector<1x16xf32>,
      %get3A_274 = arith.index_cast %scan3A_258 : i32 to index
      %get3A_275 = arith.constant 16 : index
      %get3A_276 = tpu.vector_load %arg13[%get3A_274, %get3A_275] {strides = array<i32>} : memref<64x128xf32, #tpu.memory_space<vmem>>, vector<1x16xf32>,
      %get3A_277 = vector.shape_cast %get3A_276 : vector<1x16xf32> to vector<16xf32>
      %get3A_278 = arith.index_cast %scan3A_258 : i32 to index
      %get3A_279 = arith.constant 16 : index
      %get3A_280 = tpu.vector_load %arg15[%get3A_278, %get3A_279] {strides = array<i32>} : memref<64x128xf32, #tpu.memory_space<vmem>>, vector<1x16xf32>,
      %get3A_281 = vector.shape_cast %get3A_280 : vector<1x16xf32> to vector<16xf32>
      %add3A_282 = arith.addf %get3A_277, %get3A_281 : vector<16xf32>
      %max3A_283 = arith.constant 0.000000e+00 : f32
      %max3A_284 = vector.broadcast %max3A_283 : f32 to vector<16xf32>
      %max3A_285 = arith.maximumf %add3A_282, %max3A_284 : vector<16xf32>
      %swap3A_286 = arith.index_cast %scan3A_258 : i32 to index
      %swap3A_287 = arith.constant 16 : index
      %swap3A_288 = tpu.vector_load %arg15[%swap3A_286, %swap3A_287] {strides = array<i32>} : memref<64x128xf32, #tpu.memory_space<vmem>>, vector<1x16xf32>,
      %swap3A_289 = vector.shape_cast %swap3A_288 : vector<1x16xf32> to vector<16xf32>
      %swap3A_290 = vector.shape_cast %max3A_285 : vector<16xf32> to vector<1x16xf32>
      tpu.vector_store %arg15[%swap3A_286, %swap3A_287], %swap3A_290 {strides = array<i32>} : memref<64x128xf32, #tpu.memory_space<vmem>>, vector<1x16xf32>,
      %get3A_291 = arith.index_cast %scan3A_258 : i32 to index
      %get3A_292 = arith.constant 32 : index
      %get3A_293 = tpu.vector_load %arg13[%get3A_291, %get3A_292] {strides = array<i32>} : memref<64x128xf32, #tpu.memory_space<vmem>>, vector<1x16xf32>,
      %get3A_294 = vector.shape_cast %get3A_293 : vector<1x16xf32> to vector<16xf32>
      %get3A_295 = arith.index_cast %scan3A_258 : i32 to index
      %get3A_296 = arith.constant 32 : index
      %get3A_297 = tpu.vector_load %arg15[%get3A_295, %get3A_296] {strides = array<i32>} : memref<64x128xf32, #tpu.memory_space<vmem>>, vector<1x16xf32>,
      %get3A_298 = vector.shape_cast %get3A_297 : vector<1x16xf32> to vector<16xf32>
      %add3A_299 = arith.addf %get3A_294, %get3A_298 : vector<16xf32>
      %max3A_300 = arith.constant 0.000000e+00 : f32
      %max3A_301 = vector.broadcast %max3A_300 : f32 to vector<16xf32>
      %max3A_302 = arith.maximumf %add3A_299, %max3A_301 : vector<16xf32>
      %swap3A_303 = arith.index_cast %scan3A_258 : i32 to index
      %swap3A_304 = arith.constant 32 : index
      %swap3A_305 = tpu.vector_load %arg15[%swap3A_303, %swap3A_304] {strides = array<i32>} : memref<64x128xf32, #tpu.memory_space<vmem>>, vector<1x16xf32>,
      %swap3A_306 = vector.shape_cast %swap3A_305 : vector<1x16xf32> to vector<16xf32>
      %swap3A_307 = vector.shape_cast %max3A_302 : vector<16xf32> to vector<1x16xf32>
      tpu.vector_store %arg15[%swap3A_303, %swap3A_304], %swap3A_307 {strides = array<i32>} : memref<64x128xf32, #tpu.memory_space<vmem>>, vector<1x16xf32>,
      %get3A_308 = arith.index_cast %scan3A_258 : i32 to index
      %get3A_309 = arith.constant 48 : index
      %get3A_310 = tpu.vector_load %arg13[%get3A_308, %get3A_309] {strides = array<i32>} : memref<64x128xf32, #tpu.memory_space<vmem>>, vector<1x16xf32>,
      %get3A_311 = vector.shape_cast %get3A_310 : vector<1x16xf32> to vector<16xf32>
      %get3A_312 = arith.index_cast %scan3A_258 : i32 to index
      %get3A_313 = arith.constant 48 : index
      %get3A_314 = tpu.vector_load %arg15[%get3A_312, %get3A_313] {strides = array<i32>} : memref<64x128xf32, #tpu.memory_space<vmem>>, vector<1x16xf32>,
      %get3A_315 = vector.shape_cast %get3A_314 : vector<1x16xf32> to vector<16xf32>
      %add3A_316 = arith.addf %get3A_311, %get3A_315 : vector<16xf32>
      %max3A_317 = arith.constant 0.000000e+00 : f32
      %max3A_318 = vector.broadcast %max3A_317 : f32 to vector<16xf32>
      %max3A_319 = arith.maximumf %add3A_316, %max3A_318 : vector<16xf32>
      %swap3A_320 = arith.index_cast %scan3A_258 : i32 to index
      %swap3A_321 = arith.constant 48 : index
      %swap3A_322 = tpu.vector_load %arg15[%swap3A_320, %swap3A_321] {strides = array<i32>} : memref<64x128xf32, #tpu.memory_space<vmem>>, vector<1x16xf32>,
      %swap3A_323 = vector.shape_cast %swap3A_322 : vector<1x16xf32> to vector<16xf32>
      %swap3A_324 = vector.shape_cast %max3A_319 : vector<16xf32> to vector<1x16xf32>
      tpu.vector_store %arg15[%swap3A_320, %swap3A_321], %swap3A_324 {strides = array<i32>} : memref<64x128xf32, #tpu.memory_space<vmem>>, vector<1x16xf32>,
      %get3A_325 = arith.index_cast %scan3A_258 : i32 to index
      %get3A_326 = arith.constant 64 : index
      %get3A_327 = tpu.vector_load %arg13[%get3A_325, %get3A_326] {strides = array<i32>} : memref<64x128xf32, #tpu.memory_space<vmem>>, vector<1x16xf32>,
      %get3A_328 = vector.shape_cast %get3A_327 : vector<1x16xf32> to vector<16xf32>
      %get3A_329 = arith.index_cast %scan3A_258 : i32 to index
      %get3A_330 = arith.constant 64 : index
      %get3A_331 = tpu.vector_load %arg15[%get3A_329, %get3A_330] {strides = array<i32>} : memref<64x128xf32, #tpu.memory_space<vmem>>, vector<1x16xf32>,
      %get3A_332 = vector.shape_cast %get3A_331 : vector<1x16xf32> to vector<16xf32>
      %add3A_333 = arith.addf %get3A_328, %get3A_332 : vector<16xf32>
      %max3A_334 = arith.constant 0.000000e+00 : f32
      %max3A_335 = vector.broadcast %max3A_334 : f32 to vector<16xf32>
      %max3A_336 = arith.maximumf %add3A_333, %max3A_335 : vector<16xf32>
      %swap3A_337 = arith.index_cast %scan3A_258 : i32 to index
      %swap3A_338 = arith.constant 64 : index
      %swap3A_339 = tpu.vector_load %arg15[%swap3A_337, %swap3A_338] {strides = array<i32>} : memref<64x128xf32, #tpu.memory_space<vmem>>, vector<1x16xf32>,
      %swap3A_340 = vector.shape_cast %swap3A_339 : vector<1x16xf32> to vector<16xf32>
      %swap3A_341 = vector.shape_cast %max3A_336 : vector<16xf32> to vector<1x16xf32>
      tpu.vector_store %arg15[%swap3A_337, %swap3A_338], %swap3A_341 {strides = array<i32>} : memref<64x128xf32, #tpu.memory_space<vmem>>, vector<1x16xf32>,
      %get3A_342 = arith.index_cast %scan3A_258 : i32 to index
      %get3A_343 = arith.constant 80 : index
      %get3A_344 = tpu.vector_load %arg13[%get3A_342, %get3A_343] {strides = array<i32>} : memref<64x128xf32, #tpu.memory_space<vmem>>, vector<1x16xf32>,
      %get3A_345 = vector.shape_cast %get3A_344 : vector<1x16xf32> to vector<16xf32>
      %get3A_346 = arith.index_cast %scan3A_258 : i32 to index
      %get3A_347 = arith.constant 80 : index
      %get3A_348 = tpu.vector_load %arg15[%get3A_346, %get3A_347] {strides = array<i32>} : memref<64x128xf32, #tpu.memory_space<vmem>>, vector<1x16xf32>,
      %get3A_349 = vector.shape_cast %get3A_348 : vector<1x16xf32> to vector<16xf32>
      %add3A_350 = arith.addf %get3A_345, %get3A_349 : vector<16xf32>
      %max3A_351 = arith.constant 0.000000e+00 : f32
      %max3A_352 = vector.broadcast %max3A_351 : f32 to vector<16xf32>
      %max3A_353 = arith.maximumf %add3A_350, %max3A_352 : vector<16xf32>
      %swap3A_354 = arith.index_cast %scan3A_258 : i32 to index
      %swap3A_355 = arith.constant 80 : index
      %swap3A_356 = tpu.vector_load %arg15[%swap3A_354, %swap3A_355] {strides = array<i32>} : memref<64x128xf32, #tpu.memory_space<vmem>>, vector<1x16xf32>,
      %swap3A_357 = vector.shape_cast %swap3A_356 : vector<1x16xf32> to vector<16xf32>
      %swap3A_358 = vector.shape_cast %max3A_353 : vector<16xf32> to vector<1x16xf32>
      tpu.vector_store %arg15[%swap3A_354, %swap3A_355], %swap3A_358 {strides = array<i32>} : memref<64x128xf32, #tpu.memory_space<vmem>>, vector<1x16xf32>,
      %get3A_359 = arith.index_cast %scan3A_258 : i32 to index
      %get3A_360 = arith.constant 96 : index
      %get3A_361 = tpu.vector_load %arg13[%get3A_359, %get3A_360] {strides = array<i32>} : memref<64x128xf32, #tpu.memory_space<vmem>>, vector<1x16xf32>,
      %get3A_362 = vector.shape_cast %get3A_361 : vector<1x16xf32> to vector<16xf32>
      %get3A_363 = arith.index_cast %scan3A_258 : i32 to index
      %get3A_364 = arith.constant 96 : index
      %get3A_365 = tpu.vector_load %arg15[%get3A_363, %get3A_364] {strides = array<i32>} : memref<64x128xf32, #tpu.memory_space<vmem>>, vector<1x16xf32>,
      %get3A_366 = vector.shape_cast %get3A_365 : vector<1x16xf32> to vector<16xf32>
      %add3A_367 = arith.addf %get3A_362, %get3A_366 : vector<16xf32>
      %max3A_368 = arith.constant 0.000000e+00 : f32
      %max3A_369 = vector.broadcast %max3A_368 : f32 to vector<16xf32>
      %max3A_370 = arith.maximumf %add3A_367, %max3A_369 : vector<16xf32>
      %swap3A_371 = arith.index_cast %scan3A_258 : i32 to index
      %swap3A_372 = arith.constant 96 : index
      %swap3A_373 = tpu.vector_load %arg15[%swap3A_371, %swap3A_372] {strides = array<i32>} : memref<64x128xf32, #tpu.memory_space<vmem>>, vector<1x16xf32>,
      %swap3A_374 = vector.shape_cast %swap3A_373 : vector<1x16xf32> to vector<16xf32>
      %swap3A_375 = vector.shape_cast %max3A_370 : vector<16xf32> to vector<1x16xf32>
      tpu.vector_store %arg15[%swap3A_371, %swap3A_372], %swap3A_375 {strides = array<i32>} : memref<64x128xf32, #tpu.memory_space<vmem>>, vector<1x16xf32>,
      %get3A_376 = arith.index_cast %scan3A_258 : i32 to index
      %get3A_377 = arith.constant 112 : index
      %get3A_378 = tpu.vector_load %arg13[%get3A_376, %get3A_377] {strides = array<i32>} : memref<64x128xf32, #tpu.memory_space<vmem>>, vector<1x16xf32>,
      %get3A_379 = vector.shape_cast %get3A_378 : vector<1x16xf32> to vector<16xf32>
      %get3A_380 = arith.index_cast %scan3A_258 : i32 to index
      %get3A_381 = arith.constant 112 : index
      %get3A_382 = tpu.vector_load %arg15[%get3A_380, %get3A_381] {strides = array<i32>} : memref<64x128xf32, #tpu.memory_space<vmem>>, vector<1x16xf32>,
      %get3A_383 = vector.shape_cast %get3A_382 : vector<1x16xf32> to vector<16xf32>
      %add3A_384 = arith.addf %get3A_379, %get3A_383 : vector<16xf32>
      %max3A_385 = arith.constant 0.000000e+00 : f32
      %max3A_386 = vector.broadcast %max3A_385 : f32 to vector<16xf32>
      %max3A_387 = arith.maximumf %add3A_384, %max3A_386 : vector<16xf32>
      %swap3A_388 = arith.index_cast %scan3A_258 : i32 to index
      %swap3A_389 = arith.constant 112 : index
      %swap3A_390 = tpu.vector_load %arg15[%swap3A_388, %swap3A_389] {strides = array<i32>} : memref<64x128xf32, #tpu.memory_space<vmem>>, vector<1x16xf32>,
      %swap3A_391 = vector.shape_cast %swap3A_390 : vector<1x16xf32> to vector<16xf32>
      %swap3A_392 = vector.shape_cast %max3A_387 : vector<16xf32> to vector<1x16xf32>
      tpu.vector_store %arg15[%swap3A_388, %swap3A_389], %swap3A_392 {strides = array<i32>} : memref<64x128xf32, #tpu.memory_space<vmem>>, vector<1x16xf32>,
      %scan3A_393 = arith.constant 0 : i32
      scf.yield %scan3A_393 : i32
    }
    %scan3A_246 = arith.constant 16 : i32
    "tpu.region"() ({
      %run_scoped3A = tpu.sem_alloc : memref<!tpu.dma_semaphore, #tpu.memory_space<semaphore_mem>>
      %dma_start3A_258 = arith.constant 0 : i32
      %dma_start3A_259 = arith.constant 0 : i32
      %dma_start3A_260 = tpu.memref_slice %arg15[%dma_start3A_258, %dma_start3A_259] : memref<64x128xf32, #tpu.memory_space<vmem>> -> memref<16x128xf32, #tpu.memory_space<vmem>>
      %dma_start3A_261 = arith.constant 0 : i32
      %dma_start3A_262 = arith.constant 0 : i32
      %dma_start3A_263 = tpu.memref_slice %arg19[%dma_start3A_261, %dma_start3A_262] : memref<10240x128xf32, #tpu.memory_space<vmem_shared>> -> memref<10240x128xf32, #tpu.memory_space<vmem_shared>>
      tpu.enqueue_indirect_dma source(%dma_start3A_260 : memref<16x128xf32, #tpu.memory_space<vmem>>) target(%dma_start3A_263 : memref<10240x128xf32, #tpu.memory_space<vmem_shared>>) offsets(%arg18 : memref<16xi32, #tpu.memory_space<vmem>>) semaphore(%run_scoped3A : memref<!tpu.dma_semaphore, #tpu.memory_space<semaphore_mem>>) {add = true}
      %dma_wait3A_264 = arith.constant 0 : i32
      %dma_wait3A_265 = arith.constant 0 : i32
      %dma_wait3A_266 = tpu.memref_slice %arg15[%dma_wait3A_264, %dma_wait3A_265] : memref<64x128xf32, #tpu.memory_space<vmem>> -> memref<16x128xf32, #tpu.memory_space<vmem>>
      %dma_wait3A_267 = arith.constant 0 : i32
      %dma_wait3A_268 = arith.constant 0 : i32
      %dma_wait3A_269 = tpu.memref_slice %arg19[%dma_wait3A_267, %dma_wait3A_268] : memref<10240x128xf32, #tpu.memory_space<vmem_shared>> -> memref<10240x128xf32, #tpu.memory_space<vmem_shared>>
      tpu.wait_indirect_dma semaphore(%run_scoped3A : memref<!tpu.dma_semaphore, #tpu.memory_space<semaphore_mem>>) src(%dma_wait3A_266 : memref<16x128xf32, #tpu.memory_space<vmem>>) dst(%dma_wait3A_269 : memref<10240x128xf32, #tpu.memory_space<vmem_shared>>)
      tpu.yield
    }) : () -> ()
    %barrier3A_247 = arith.constant 0 : index
    tpu.barrier barrier_id(%barrier3A_247)
    %add3A_248 = arith.constant 0 : i32
    %add3A_249 = arith.addi %mul3A_8, %add3A_248 : i32
    "tpu.region"() ({
      %run_scoped3A = tpu.sem_alloc : memref<!tpu.dma_semaphore, #tpu.memory_space<semaphore_mem>>
      %dma_start3A_258 = arith.constant 0 : i32
      %dma_start3A_259 = tpu.memref_slice %arg6[%arg0, %add3A_249, %dma_start3A_258] : memref<2x10240x128xf32, #tpu.memory_space<hbm>> -> memref<1x128x128xf32, #tpu.memory_space<hbm>>
      %dma_start3A_260 = tpu.memref_squeeze %dma_start3A_259 : memref<1x128x128xf32, #tpu.memory_space<hbm>> -> memref<128x128xf32, #tpu.memory_space<hbm>>
      %dma_start3A_261 = arith.constant 0 : i32
      %dma_start3A_262 = tpu.memref_slice %arg19[%add3A_249, %dma_start3A_261] : memref<10240x128xf32, #tpu.memory_space<vmem_shared>> -> memref<128x128xf32, #tpu.memory_space<vmem_shared>>
      tpu.enqueue_dma source(%dma_start3A_262 : memref<128x128xf32, #tpu.memory_space<vmem_shared>>) target(%dma_start3A_260 : memref<128x128xf32, #tpu.memory_space<hbm>>) target_semaphore(%run_scoped3A : memref<!tpu.dma_semaphore, #tpu.memory_space<semaphore_mem>>)
      %dma_wait3A_263 = arith.constant 0 : i32
      %dma_wait3A_264 = tpu.memref_slice %arg6[%arg0, %add3A_249, %dma_wait3A_263] : memref<2x10240x128xf32, #tpu.memory_space<hbm>> -> memref<1x128x128xf32, #tpu.memory_space<hbm>>
      %dma_wait3A_265 = tpu.memref_squeeze %dma_wait3A_264 : memref<1x128x128xf32, #tpu.memory_space<hbm>> -> memref<128x128xf32, #tpu.memory_space<hbm>>
      %dma_wait3A_266 = arith.constant 0 : i32
      %dma_wait3A_267 = tpu.memref_slice %arg19[%add3A_249, %dma_wait3A_266] : memref<10240x128xf32, #tpu.memory_space<vmem_shared>> -> memref<128x128xf32, #tpu.memory_space<vmem_shared>>
      tpu.wait_dma2 semaphore(%run_scoped3A : memref<!tpu.dma_semaphore, #tpu.memory_space<semaphore_mem>>) src(%dma_wait3A_267 : memref<128x128xf32, #tpu.memory_space<vmem_shared>>) dst(%dma_wait3A_265 : memref<128x128xf32, #tpu.memory_space<hbm>>)
      tpu.yield
    }) : () -> ()
    %add3A_250 = arith.constant 128 : i32
    %add3A_251 = arith.addi %mul3A_8, %add3A_250 : i32
    "tpu.region"() ({
      %run_scoped3A = tpu.sem_alloc : memref<!tpu.dma_semaphore, #tpu.memory_space<semaphore_mem>>
      %dma_start3A_258 = arith.constant 0 : i32
      %dma_start3A_259 = tpu.memref_slice %arg6[%arg0, %add3A_251, %dma_start3A_258] : memref<2x10240x128xf32, #tpu.memory_space<hbm>> -> memref<1x128x128xf32, #tpu.memory_space<hbm>>
      %dma_start3A_260 = tpu.memref_squeeze %dma_start3A_259 : memref<1x128x128xf32, #tpu.memory_space<hbm>> -> memref<128x128xf32, #tpu.memory_space<hbm>>
      %dma_start3A_261 = arith.constant 0 : i32
      %dma_start3A_262 = tpu.memref_slice %arg19[%add3A_251, %dma_start3A_261] : memref<10240x128xf32, #tpu.memory_space<vmem_shared>> -> memref<128x128xf32, #tpu.memory_space<vmem_shared>>
      tpu.enqueue_dma source(%dma_start3A_262 : memref<128x128xf32, #tpu.memory_space<vmem_shared>>) target(%dma_start3A_260 : memref<128x128xf32, #tpu.memory_space<hbm>>) target_semaphore(%run_scoped3A : memref<!tpu.dma_semaphore, #tpu.memory_space<semaphore_mem>>)
      %dma_wait3A_263 = arith.constant 0 : i32
      %dma_wait3A_264 = tpu.memref_slice %arg6[%arg0, %add3A_251, %dma_wait3A_263] : memref<2x10240x128xf32, #tpu.memory_space<hbm>> -> memref<1x128x128xf32, #tpu.memory_space<hbm>>
      %dma_wait3A_265 = tpu.memref_squeeze %dma_wait3A_264 : memref<1x128x128xf32, #tpu.memory_space<hbm>> -> memref<128x128xf32, #tpu.memory_space<hbm>>
      %dma_wait3A_266 = arith.constant 0 : i32
      %dma_wait3A_267 = tpu.memref_slice %arg19[%add3A_251, %dma_wait3A_266] : memref<10240x128xf32, #tpu.memory_space<vmem_shared>> -> memref<128x128xf32, #tpu.memory_space<vmem_shared>>
      tpu.wait_dma2 semaphore(%run_scoped3A : memref<!tpu.dma_semaphore, #tpu.memory_space<semaphore_mem>>) src(%dma_wait3A_267 : memref<128x128xf32, #tpu.memory_space<vmem_shared>>) dst(%dma_wait3A_265 : memref<128x128xf32, #tpu.memory_space<hbm>>)
      tpu.yield
    }) : () -> ()
    %add3A_252 = arith.constant 256 : i32
    %add3A_253 = arith.addi %mul3A_8, %add3A_252 : i32
    "tpu.region"() ({
      %run_scoped3A = tpu.sem_alloc : memref<!tpu.dma_semaphore, #tpu.memory_space<semaphore_mem>>
      %dma_start3A_258 = arith.constant 0 : i32
      %dma_start3A_259 = tpu.memref_slice %arg6[%arg0, %add3A_253, %dma_start3A_258] : memref<2x10240x128xf32, #tpu.memory_space<hbm>> -> memref<1x128x128xf32, #tpu.memory_space<hbm>>
      %dma_start3A_260 = tpu.memref_squeeze %dma_start3A_259 : memref<1x128x128xf32, #tpu.memory_space<hbm>> -> memref<128x128xf32, #tpu.memory_space<hbm>>
      %dma_start3A_261 = arith.constant 0 : i32
      %dma_start3A_262 = tpu.memref_slice %arg19[%add3A_253, %dma_start3A_261] : memref<10240x128xf32, #tpu.memory_space<vmem_shared>> -> memref<128x128xf32, #tpu.memory_space<vmem_shared>>
      tpu.enqueue_dma source(%dma_start3A_262 : memref<128x128xf32, #tpu.memory_space<vmem_shared>>) target(%dma_start3A_260 : memref<128x128xf32, #tpu.memory_space<hbm>>) target_semaphore(%run_scoped3A : memref<!tpu.dma_semaphore, #tpu.memory_space<semaphore_mem>>)
      %dma_wait3A_263 = arith.constant 0 : i32
      %dma_wait3A_264 = tpu.memref_slice %arg6[%arg0, %add3A_253, %dma_wait3A_263] : memref<2x10240x128xf32, #tpu.memory_space<hbm>> -> memref<1x128x128xf32, #tpu.memory_space<hbm>>
      %dma_wait3A_265 = tpu.memref_squeeze %dma_wait3A_264 : memref<1x128x128xf32, #tpu.memory_space<hbm>> -> memref<128x128xf32, #tpu.memory_space<hbm>>
      %dma_wait3A_266 = arith.constant 0 : i32
      %dma_wait3A_267 = tpu.memref_slice %arg19[%add3A_253, %dma_wait3A_266] : memref<10240x128xf32, #tpu.memory_space<vmem_shared>> -> memref<128x128xf32, #tpu.memory_space<vmem_shared>>
      tpu.wait_dma2 semaphore(%run_scoped3A : memref<!tpu.dma_semaphore, #tpu.memory_space<semaphore_mem>>) src(%dma_wait3A_267 : memref<128x128xf32, #tpu.memory_space<vmem_shared>>) dst(%dma_wait3A_265 : memref<128x128xf32, #tpu.memory_space<hbm>>)
      tpu.yield
    }) : () -> ()
    %add3A_254 = arith.constant 384 : i32
    %add3A_255 = arith.addi %mul3A_8, %add3A_254 : i32
    "tpu.region"() ({
      %run_scoped3A = tpu.sem_alloc : memref<!tpu.dma_semaphore, #tpu.memory_space<semaphore_mem>>
      %dma_start3A_258 = arith.constant 0 : i32
      %dma_start3A_259 = tpu.memref_slice %arg6[%arg0, %add3A_255, %dma_start3A_258] : memref<2x10240x128xf32, #tpu.memory_space<hbm>> -> memref<1x128x128xf32, #tpu.memory_space<hbm>>
      %dma_start3A_260 = tpu.memref_squeeze %dma_start3A_259 : memref<1x128x128xf32, #tpu.memory_space<hbm>> -> memref<128x128xf32, #tpu.memory_space<hbm>>
      %dma_start3A_261 = arith.constant 0 : i32
      %dma_start3A_262 = tpu.memref_slice %arg19[%add3A_255, %dma_start3A_261] : memref<10240x128xf32, #tpu.memory_space<vmem_shared>> -> memref<128x128xf32, #tpu.memory_space<vmem_shared>>
      tpu.enqueue_dma source(%dma_start3A_262 : memref<128x128xf32, #tpu.memory_space<vmem_shared>>) target(%dma_start3A_260 : memref<128x128xf32, #tpu.memory_space<hbm>>) target_semaphore(%run_scoped3A : memref<!tpu.dma_semaphore, #tpu.memory_space<semaphore_mem>>)
      %dma_wait3A_263 = arith.constant 0 : i32
      %dma_wait3A_264 = tpu.memref_slice %arg6[%arg0, %add3A_255, %dma_wait3A_263] : memref<2x10240x128xf32, #tpu.memory_space<hbm>> -> memref<1x128x128xf32, #tpu.memory_space<hbm>>
      %dma_wait3A_265 = tpu.memref_squeeze %dma_wait3A_264 : memref<1x128x128xf32, #tpu.memory_space<hbm>> -> memref<128x128xf32, #tpu.memory_space<hbm>>
      %dma_wait3A_266 = arith.constant 0 : i32
      %dma_wait3A_267 = tpu.memref_slice %arg19[%add3A_255, %dma_wait3A_266] : memref<10240x128xf32, #tpu.memory_space<vmem_shared>> -> memref<128x128xf32, #tpu.memory_space<vmem_shared>>
      tpu.wait_dma2 semaphore(%run_scoped3A : memref<!tpu.dma_semaphore, #tpu.memory_space<semaphore_mem>>) src(%dma_wait3A_267 : memref<128x128xf32, #tpu.memory_space<vmem_shared>>) dst(%dma_wait3A_265 : memref<128x128xf32, #tpu.memory_space<hbm>>)
      tpu.yield
    }) : () -> ()
    %add3A_256 = arith.constant 512 : i32
    %add3A_257 = arith.addi %mul3A_8, %add3A_256 : i32
    "tpu.region"() ({
      %run_scoped3A = tpu.sem_alloc : memref<!tpu.dma_semaphore, #tpu.memory_space<semaphore_mem>>
      %dma_start3A_258 = arith.constant 0 : i32
      %dma_start3A_259 = tpu.memref_slice %arg6[%arg0, %add3A_257, %dma_start3A_258] : memref<2x10240x128xf32, #tpu.memory_space<hbm>> -> memref<1x128x128xf32, #tpu.memory_space<hbm>>
      %dma_start3A_260 = tpu.memref_squeeze %dma_start3A_259 : memref<1x128x128xf32, #tpu.memory_space<hbm>> -> memref<128x128xf32, #tpu.memory_space<hbm>>
      %dma_start3A_261 = arith.constant 0 : i32
      %dma_start3A_262 = tpu.memref_slice %arg19[%add3A_257, %dma_start3A_261] : memref<10240x128xf32, #tpu.memory_space<vmem_shared>> -> memref<128x128xf32, #tpu.memory_space<vmem_shared>>
      tpu.enqueue_dma source(%dma_start3A_262 : memref<128x128xf32, #tpu.memory_space<vmem_shared>>) target(%dma_start3A_260 : memref<128x128xf32, #tpu.memory_space<hbm>>) target_semaphore(%run_scoped3A : memref<!tpu.dma_semaphore, #tpu.memory_space<semaphore_mem>>)
      %dma_wait3A_263 = arith.constant 0 : i32
      %dma_wait3A_264 = tpu.memref_slice %arg6[%arg0, %add3A_257, %dma_wait3A_263] : memref<2x10240x128xf32, #tpu.memory_space<hbm>> -> memref<1x128x128xf32, #tpu.memory_space<hbm>>
      %dma_wait3A_265 = tpu.memref_squeeze %dma_wait3A_264 : memref<1x128x128xf32, #tpu.memory_space<hbm>> -> memref<128x128xf32, #tpu.memory_space<hbm>>
      %dma_wait3A_266 = arith.constant 0 : i32
      %dma_wait3A_267 = tpu.memref_slice %arg19[%add3A_257, %dma_wait3A_266] : memref<10240x128xf32, #tpu.memory_space<vmem_shared>> -> memref<128x128xf32, #tpu.memory_space<vmem_shared>>
      tpu.wait_dma2 semaphore(%run_scoped3A : memref<!tpu.dma_semaphore, #tpu.memory_space<semaphore_mem>>) src(%dma_wait3A_267 : memref<128x128xf32, #tpu.memory_space<vmem_shared>>) dst(%dma_wait3A_265 : memref<128x128xf32, #tpu.memory_space<hbm>>)
      tpu.yield
    }) : () -> ()
    return
  }
}

module attributes {stable_mosaic.version = 14 : i64} {
  func.func @body(%arg0: i32, %arg1: i32, %arg2: memref<5000x128xf32, #tpu.memory_space<vmem>>, %arg3: memref<2x5000x128xf32, #tpu.memory_space<vmem>>, %arg4: memref<5000x1xi32, #tpu.memory_space<vmem>>, %arg5: memref<128x256xf32, #tpu.memory_space<vmem>>, %arg6: memref<1x256xf32, #tpu.memory_space<vmem>>, %arg7: memref<256x128xf32, #tpu.memory_space<vmem>>, %arg8: memref<1x128xf32, #tpu.memory_space<vmem>>, %arg9: memref<1x128xf32, #tpu.memory_space<vmem>>, %arg10: memref<1x128xf32, #tpu.memory_space<vmem>>, %arg11: memref<5000x128xf32, #tpu.memory_space<vmem>>, %arg12: memref<1x512xf32, #tpu.memory_space<vmem>>) attributes {dimension_semantics = [#tpu.dimension_semantics<arbitrary>, #tpu.dimension_semantics<arbitrary>], iteration_bounds = array<i64: 2, 2>, scalar_prefetch = 0 : i64, scratch_operands = 1 : i64, tpu.core_type = #tpu.core_type<tc>, window_params = [{transform_indices = @transform_0, window_bounds = array<i64: 5000, 128>}, {transform_indices = @transform_1, window_bounds = array<i64: 2, 5000, 128>}, {transform_indices = @transform_2, window_bounds = array<i64: 5000, 1>}, {pipeline_mode = #tpu.pipeline_mode<synchronous>, transform_indices = @transform_3, window_bounds = array<i64: 128, 256>}, {pipeline_mode = #tpu.pipeline_mode<synchronous>, transform_indices = @transform_4, window_bounds = array<i64: 1, 256>}, {pipeline_mode = #tpu.pipeline_mode<synchronous>, transform_indices = @transform_5, window_bounds = array<i64: 256, 128>}, {pipeline_mode = #tpu.pipeline_mode<synchronous>, transform_indices = @transform_6, window_bounds = array<i64: 1, 128>}, {pipeline_mode = #tpu.pipeline_mode<synchronous>, transform_indices = @transform_7, window_bounds = array<i64: 1, 128>}, {pipeline_mode = #tpu.pipeline_mode<synchronous>, transform_indices = @transform_8, window_bounds = array<i64: 1, 128>}, {transform_indices = @transform_9, window_bounds = array<i64: 5000, 128>}]} {
    %get3A = arith.constant 0 : index
    %get3A_0 = arith.constant 0 : index
    %get3A_1 = vector.load %arg4[%get3A, %get3A_0] : memref<5000x1xi32, #tpu.memory_space<vmem>>, vector<5000x1xi32>
    %iota3A = tpu.iota {dimensions = array<i32: 1>} : vector<5000x512xi32>
    %eq3A = vector.broadcast %get3A_1 : vector<5000x1xi32> to vector<5000x512xi32>
    %eq3A_2 = arith.cmpi eq, %eq3A, %iota3A : vector<5000x512xi32>
    %convert_element_type3A = arith.extui %eq3A_2 : vector<5000x512xi1> to vector<5000x512xi32>
    %convert_element_type3A_3 = arith.sitofp %convert_element_type3A : vector<5000x512xi32> to vector<5000x512xf32>
    %eq3A_4 = arith.constant 0 : i32
    %eq3A_5 = arith.cmpi eq, %arg0, %eq3A_4 : i32
    %eq3A_6 = arith.constant 0 : i32
    %eq3A_7 = arith.cmpi eq, %arg1, %eq3A_6 : i32
    %and3A = arith.andi %eq3A_5, %eq3A_7 : i1
    %convert_element_type3A_8 = arith.extui %and3A : i1 to i32
    %cond3A = arith.constant 0 : i32
    %cond3A_9 = arith.cmpi ne, %convert_element_type3A_8, %cond3A : i32
    scf.if %cond3A_9 {
      %broadcast_in_dim3A = arith.constant 0.000000e+00 : f32
      %broadcast_in_dim3A_20 = vector.broadcast %broadcast_in_dim3A : f32 to vector<1x512xf32>
      %swap3A = arith.constant 0 : index
      %swap3A_21 = arith.constant 0 : index
      %swap3A_22 = vector.load %arg12[%swap3A, %swap3A_21] : memref<1x512xf32, #tpu.memory_space<vmem>>, vector<1x512xf32>
      tpu.vector_store %arg12[%swap3A, %swap3A_21], %broadcast_in_dim3A_20 {strides = array<i32>} : memref<1x512xf32, #tpu.memory_space<vmem>>, vector<1x512xf32>,
    } else {
    }
    %eq3A_10 = arith.constant 0 : i32
    %eq3A_11 = arith.cmpi eq, %arg0, %eq3A_10 : i32
    %convert_element_type3A_12 = arith.extui %eq3A_11 : i1 to i32
    %cond3A_13 = arith.constant 0 : i32
    %cond3A_14 = arith.cmpi ne, %convert_element_type3A_12, %cond3A_13 : i32
    scf.if %cond3A_14 {
      %get3A_20 = arith.constant 0 : index
      %get3A_21 = arith.constant 0 : index
      %get3A_22 = vector.load %arg12[%get3A_20, %get3A_21] : memref<1x512xf32, #tpu.memory_space<vmem>>, vector<1x512xf32>
      %reduce_sum3A = arith.constant dense<0.000000e+00> : vector<512xf32>
      %reduce_sum3A_23 = vector.multi_reduction <add>, %convert_element_type3A_3, %reduce_sum3A [0] : vector<5000x512xf32> to vector<512xf32>
      %broadcast_in_dim3A = vector.shape_cast %reduce_sum3A_23 : vector<512xf32> to vector<1x512xf32>
      %add3A = arith.addf %get3A_22, %broadcast_in_dim3A : vector<1x512xf32>
      %swap3A = arith.constant 0 : index
      %swap3A_24 = arith.constant 0 : index
      %swap3A_25 = vector.load %arg12[%swap3A, %swap3A_24] : memref<1x512xf32, #tpu.memory_space<vmem>>, vector<1x512xf32>
      tpu.vector_store %arg12[%swap3A, %swap3A_24], %add3A {strides = array<i32>} : memref<1x512xf32, #tpu.memory_space<vmem>>, vector<1x512xf32>,
    } else {
    }
    %eq3A_15 = arith.constant 1 : i32
    %eq3A_16 = arith.cmpi eq, %arg0, %eq3A_15 : i32
    %convert_element_type3A_17 = arith.extui %eq3A_16 : i1 to i32
    %cond3A_18 = arith.constant 0 : i32
    %cond3A_19 = arith.cmpi ne, %convert_element_type3A_17, %cond3A_18 : i32
    scf.if %cond3A_19 {
      %get3A_20 = arith.constant 0 : index
      %get3A_21 = arith.constant 0 : index
      %get3A_22 = vector.load %arg2[%get3A_20, %get3A_21] : memref<5000x128xf32, #tpu.memory_space<vmem>>, vector<5000x128xf32>
      %get3A_23 = arith.constant 0 : index
      %get3A_24 = arith.constant 0 : index
      %get3A_25 = arith.constant 0 : index
      %get3A_26 = vector.load %arg3[%get3A_23, %get3A_24, %get3A_25] : memref<2x5000x128xf32, #tpu.memory_space<vmem>>, vector<1x5000x128xf32>
      %get3A_27 = vector.shape_cast %get3A_26 : vector<1x5000x128xf32> to vector<5000x128xf32>
      %add3A = arith.addf %get3A_22, %get3A_27 : vector<5000x128xf32>
      %get3A_28 = arith.constant 1 : index
      %get3A_29 = arith.constant 0 : index
      %get3A_30 = arith.constant 0 : index
      %get3A_31 = vector.load %arg3[%get3A_28, %get3A_29, %get3A_30] : memref<2x5000x128xf32, #tpu.memory_space<vmem>>, vector<1x5000x128xf32>
      %get3A_32 = vector.shape_cast %get3A_31 : vector<1x5000x128xf32> to vector<5000x128xf32>
      %add3A_33 = arith.addf %add3A, %get3A_32 : vector<5000x128xf32>
      %get3A_34 = arith.constant 0 : index
      %get3A_35 = arith.constant 0 : index
      %get3A_36 = vector.load %arg5[%get3A_34, %get3A_35] : memref<128x256xf32, #tpu.memory_space<vmem>>, vector<128x256xf32>
      %dot_general3A = arith.constant dense<0.000000e+00> : vector<5000x256xf32>
      %dot_general3A_37 = tpu.matmul %add3A_33, %get3A_36, %dot_general3A {dimension_numbers = #tpu.dot_dimension_numbers<[1], [0], [0], [1], [0, 0, 1, 1], [], []>, transpose_lhs_hint = false} : vector<5000x128xf32>, vector<128x256xf32>, vector<5000x256xf32> -> vector<5000x256xf32>
      %get3A_38 = arith.constant 0 : index
      %get3A_39 = arith.constant 0 : index
      %get3A_40 = vector.load %arg6[%get3A_38, %get3A_39] : memref<1x256xf32, #tpu.memory_space<vmem>>, vector<1x256xf32>
      %add3A_41 = vector.broadcast %get3A_40 : vector<1x256xf32> to vector<5000x256xf32>
      %add3A_42 = arith.addf %dot_general3A_37, %add3A_41 : vector<5000x256xf32>
      %max3A = arith.constant 0.000000e+00 : f32
      %max3A_43 = vector.broadcast %max3A : f32 to vector<5000x256xf32>
      %max3A_44 = arith.maximumf %add3A_42, %max3A_43 : vector<5000x256xf32>
      %get3A_45 = arith.constant 0 : index
      %get3A_46 = arith.constant 0 : index
      %get3A_47 = vector.load %arg7[%get3A_45, %get3A_46] : memref<256x128xf32, #tpu.memory_space<vmem>>, vector<256x128xf32>
      %dot_general3A_48 = arith.constant dense<0.000000e+00> : vector<5000x128xf32>
      %dot_general3A_49 = tpu.matmul %max3A_44, %get3A_47, %dot_general3A_48 {dimension_numbers = #tpu.dot_dimension_numbers<[1], [0], [0], [1], [0, 0, 1, 1], [], []>, transpose_lhs_hint = false} : vector<5000x256xf32>, vector<256x128xf32>, vector<5000x128xf32> -> vector<5000x128xf32>
      %get3A_50 = arith.constant 0 : index
      %get3A_51 = arith.constant 0 : index
      %get3A_52 = vector.load %arg8[%get3A_50, %get3A_51] : memref<1x128xf32, #tpu.memory_space<vmem>>, vector<1x128xf32>
      %add3A_53 = vector.broadcast %get3A_52 : vector<1x128xf32> to vector<5000x128xf32>
      %add3A_54 = arith.addf %dot_general3A_49, %add3A_53 : vector<5000x128xf32>
      %reduce_sum3A = arith.constant dense<0.000000e+00> : vector<5000xf32>
      %reduce_sum3A_55 = vector.multi_reduction <add>, %add3A_54, %reduce_sum3A [1] : vector<5000x128xf32> to vector<5000xf32>
      %broadcast_in_dim3A = vector.shape_cast %reduce_sum3A_55 : vector<5000xf32> to vector<5000x1xf32>
      %div3A = arith.constant 1.280000e+02 : f32
      %div3A_56 = vector.broadcast %div3A : f32 to vector<5000x1xf32>
      %div3A_57 = arith.divf %broadcast_in_dim3A, %div3A_56 : vector<5000x1xf32>
      %sub3A = vector.broadcast %div3A_57 : vector<5000x1xf32> to vector<5000x128xf32>
      %sub3A_58 = arith.subf %add3A_54, %sub3A : vector<5000x128xf32>
      %integer_pow3A = arith.mulf %sub3A_58, %sub3A_58 : vector<5000x128xf32>
      %reduce_sum3A_59 = arith.constant dense<0.000000e+00> : vector<5000xf32>
      %reduce_sum3A_60 = vector.multi_reduction <add>, %integer_pow3A, %reduce_sum3A_59 [1] : vector<5000x128xf32> to vector<5000xf32>
      %broadcast_in_dim3A_61 = vector.shape_cast %reduce_sum3A_60 : vector<5000xf32> to vector<5000x1xf32>
      %div3A_62 = arith.constant 1.280000e+02 : f32
      %div3A_63 = vector.broadcast %div3A_62 : f32 to vector<5000x1xf32>
      %div3A_64 = arith.divf %broadcast_in_dim3A_61, %div3A_63 : vector<5000x1xf32>
      %sub3A_65 = vector.broadcast %div3A_57 : vector<5000x1xf32> to vector<5000x128xf32>
      %sub3A_66 = arith.subf %add3A_54, %sub3A_65 : vector<5000x128xf32>
      %add3A_67 = arith.constant 9.99999974E-6 : f32
      %add3A_68 = vector.broadcast %add3A_67 : f32 to vector<5000x1xf32>
      %add3A_69 = arith.addf %div3A_64, %add3A_68 : vector<5000x1xf32>
      %rsqrt3A = math.rsqrt %add3A_69 : vector<5000x1xf32>
      %mul3A = vector.broadcast %rsqrt3A : vector<5000x1xf32> to vector<5000x128xf32>
      %mul3A_70 = arith.mulf %sub3A_66, %mul3A : vector<5000x128xf32>
      %get3A_71 = arith.constant 0 : index
      %get3A_72 = arith.constant 0 : index
      %get3A_73 = vector.load %arg9[%get3A_71, %get3A_72] : memref<1x128xf32, #tpu.memory_space<vmem>>, vector<1x128xf32>
      %mul3A_74 = vector.broadcast %get3A_73 : vector<1x128xf32> to vector<5000x128xf32>
      %mul3A_75 = arith.mulf %mul3A_70, %mul3A_74 : vector<5000x128xf32>
      %get3A_76 = arith.constant 0 : index
      %get3A_77 = arith.constant 0 : index
      %get3A_78 = vector.load %arg10[%get3A_76, %get3A_77] : memref<1x128xf32, #tpu.memory_space<vmem>>, vector<1x128xf32>
      %add3A_79 = vector.broadcast %get3A_78 : vector<1x128xf32> to vector<5000x128xf32>
      %add3A_80 = arith.addf %mul3A_75, %add3A_79 : vector<5000x128xf32>
      %get3A_81 = arith.constant 0 : index
      %get3A_82 = arith.constant 0 : index
      %get3A_83 = vector.load %arg12[%get3A_81, %get3A_82] : memref<1x512xf32, #tpu.memory_space<vmem>>, vector<1x512xf32>
      %mul3A_84 = vector.broadcast %get3A_83 : vector<1x512xf32> to vector<5000x512xf32>
      %mul3A_85 = arith.mulf %convert_element_type3A_3, %mul3A_84 : vector<5000x512xf32>
      %reduce_sum3A_86 = arith.constant dense<0.000000e+00> : vector<5000xf32>
      %reduce_sum3A_87 = vector.multi_reduction <add>, %mul3A_85, %reduce_sum3A_86 [1] : vector<5000x512xf32> to vector<5000xf32>
      %broadcast_in_dim3A_88 = vector.shape_cast %reduce_sum3A_87 : vector<5000xf32> to vector<5000x1xf32>
      %rsqrt3A_89 = math.rsqrt %broadcast_in_dim3A_88 : vector<5000x1xf32>
      %mul3A_90 = vector.broadcast %rsqrt3A_89 : vector<5000x1xf32> to vector<5000x128xf32>
      %mul3A_91 = arith.mulf %add3A_80, %mul3A_90 : vector<5000x128xf32>
      %max3A_92 = arith.constant 0.000000e+00 : f32
      %max3A_93 = vector.broadcast %max3A_92 : f32 to vector<5000x128xf32>
      %max3A_94 = arith.maximumf %mul3A_91, %max3A_93 : vector<5000x128xf32>
      %add3A_95 = arith.addf %max3A_94, %get3A_22 : vector<5000x128xf32>
      %swap3A = arith.constant 0 : index
      %swap3A_96 = arith.constant 0 : index
      %swap3A_97 = vector.load %arg11[%swap3A, %swap3A_96] : memref<5000x128xf32, #tpu.memory_space<vmem>>, vector<5000x128xf32>
      tpu.vector_store %arg11[%swap3A, %swap3A_96], %add3A_95 {strides = array<i32>} : memref<5000x128xf32, #tpu.memory_space<vmem>>, vector<5000x128xf32>,
    } else {
    }
    return
  }
  func.func @transform_0(%arg0: i32, %arg1: i32) -> (i32, i32) {
    %mul3A = arith.muli %arg0, %arg1 : i32
    %c0_i32 = arith.constant 0 : i32
    %c0_i32_0 = arith.constant 0 : i32
    return %mul3A, %c0_i32 : i32, i32
  }
  func.func @transform_1(%arg0: i32, %arg1: i32) -> (i32, i32, i32) {
    %mul3A = arith.muli %arg0, %arg1 : i32
    %c0_i32 = arith.constant 0 : i32
    %c0_i32_0 = arith.constant 0 : i32
    %c0_i32_1 = arith.constant 0 : i32
    return %c0_i32, %mul3A, %c0_i32_0 : i32, i32, i32
  }
  func.func @transform_2(%arg0: i32, %arg1: i32) -> (i32, i32) {
    %c0_i32 = arith.constant 0 : i32
    %c0_i32_0 = arith.constant 0 : i32
    return %arg1, %c0_i32 : i32, i32
  }
  func.func @transform_3(%arg0: i32, %arg1: i32) -> (i32, i32) {
    %c0_i32 = arith.constant 0 : i32
    %c0_i32_0 = arith.constant 0 : i32
    %c0_i32_1 = arith.constant 0 : i32
    return %c0_i32, %c0_i32_0 : i32, i32
  }
  func.func @transform_4(%arg0: i32, %arg1: i32) -> (i32, i32) {
    %c0_i32 = arith.constant 0 : i32
    %c0_i32_0 = arith.constant 0 : i32
    %c0_i32_1 = arith.constant 0 : i32
    return %c0_i32, %c0_i32_0 : i32, i32
  }
  func.func @transform_5(%arg0: i32, %arg1: i32) -> (i32, i32) {
    %c0_i32 = arith.constant 0 : i32
    %c0_i32_0 = arith.constant 0 : i32
    %c0_i32_1 = arith.constant 0 : i32
    return %c0_i32, %c0_i32_0 : i32, i32
  }
  func.func @transform_6(%arg0: i32, %arg1: i32) -> (i32, i32) {
    %c0_i32 = arith.constant 0 : i32
    %c0_i32_0 = arith.constant 0 : i32
    %c0_i32_1 = arith.constant 0 : i32
    return %c0_i32, %c0_i32_0 : i32, i32
  }
  func.func @transform_7(%arg0: i32, %arg1: i32) -> (i32, i32) {
    %c0_i32 = arith.constant 0 : i32
    %c0_i32_0 = arith.constant 0 : i32
    %c0_i32_1 = arith.constant 0 : i32
    return %c0_i32, %c0_i32_0 : i32, i32
  }
  func.func @transform_8(%arg0: i32, %arg1: i32) -> (i32, i32) {
    %c0_i32 = arith.constant 0 : i32
    %c0_i32_0 = arith.constant 0 : i32
    %c0_i32_1 = arith.constant 0 : i32
    return %c0_i32, %c0_i32_0 : i32, i32
  }
  func.func @transform_9(%arg0: i32, %arg1: i32) -> (i32, i32) {
    %mul3A = arith.muli %arg0, %arg1 : i32
    %c0_i32 = arith.constant 0 : i32
    %c0_i32_0 = arith.constant 0 : i32
    return %mul3A, %c0_i32 : i32, i32
  }
}

</mosaic_0001>

<sc_bundles>
// kernel: kernel.4.cloned.1.call-start
scs
__scs_entry_jumppad:
0x0: {  	(pc) =	sbr.rel $0x88, $3  }
0x1: {  	(tag) =	ssettag $0x0;
	lr =	simm.s32 $0x1  }
0x2: {  	[smem:$0x3F97] =	sst lr;
	_ =	strace $0xD0000000  }
0x3: {  	_ = 	snop  }
0x4: {  	_ = 	snop  }
0x5: {  	_ = 	snop  }
0x6: {  	_ = 	snop  }
0x7: {  	_ = 	snop  }
__scs_overlays_trampoline_lowered:
0x8: {  	[smem:$0x3FA6] =	sst s0  }
0x9: {  	[smem:$0x3FA7] =	sst s1  }
0xa: {  	[smem:$0x3FA8] =	sst s2  }
0xb: {  	[smem:$0x3FA9] =	sst s3  }
0xc: {  	[smem:$0x3FAA] =	sst s4  }
0xd: {  	[smem:$0x3FAB] =	sst s5  }
0xe: {  	[smem:$0x3FAC] =	sst s6  }
0xf: {  	[smem:$0x3FAD] =	sst s7  }
0x10: {  	[smem:$0x3FAE] =	sst s8  }
0x11: {  	[smem:$0x3FAF] =	sst s9;
	s0 =	simm.s32 @!p0 $0x0  }
0x12: {  	s1 =	sld [smem:$0x3F95];
	s0 =	simm.s32 @p0 $0x1  }
0x13: {  	[smem:$0x3FB0] =	sst s0;
	s0 =	simm.s32 @!p1 $0x0  }
0x14: {  	s2 =	sld [smem:$0x3F94];
	s0 =	simm.s32 @p1 $0x1  }
0x15: {  	[smem:$0x3FB1] =	sst s0;
	s0 =	simm.s32 @!p2 $0x0  }
0x16: {  	s3 =	sld [smem:$0x3FDB];
	s0 =	simm.s32 @p2 $0x1  }
0x17: {  	s4 =	simm.s32 $0x1BF5;
	[smem:$0x3FB3] =	sst s0  }
0x18: {  	s0 =	sld [smem:$0x3F96];
	_ =	swait.ge [sflag:s4], $0x0  }
0x19: {  	s7 =	sld [smem:$0x3F97]  }
0x1a: {  	s8 =	sadd.s32 $0xFFFFE003, lr  }
0x1b: {  	s9 =	sadd.s32 $0xFFFFFEF7, lr;
	s5 =	simm.s32 $0xFFFFFFFF;
	p2 =	slt.u32 s8, $0xFFFFF086  }
0x1c: {  	p1 =	slt.u32 s9, $0xF7A;
	s5 =	simm.s32 @!p2 $0x0  }
0x1d: {  	s5 =	simm.s32 @p1 $0x1;
	p0 =	seq.s32 s7, s2  }
0x1e: {  	s7 =	smul.u32 @!p0 $0xF7A, s2;
	p2 =	seq.s32 @!p0 s5, $0x0  }
0x1f: {  	s9 =	smul.u32 $0xF7A, s1;
	s8 =	simm.s32 @!p0 $0x1BF5;
	p2 =	por !p2, p0  }
0x20: {  	[sflag:s8] =	ssyncset.s32 @!p0 $0xFFFFF086;
	s6 =	sadd.s32 @!p0 s3, s7;
	s7 =	simm.s32 @!p0 $0x108  }
0x21: {  	s3 =	sadd.s32 s3, s9;
	s6 =	sadd.s32 @!p0 $0x88, s6;
	s7 =	simm.s32 @p2 $0x1082  }
0x22: {  	[simem:s7], [sflag:s8] =	dma.local @!p0 [hbm:s6], $0xF7A  }
0x23: {  	s9 =	sor.u32 $0xD0000000, s2;
	s6 =	simm.s32 $0x108;
	_ =	swait.ge @!p0 [sflag:s8], $0x0  }
0x24: {  	s3 =	sadd.s32 $0x88, s3;
	s6 =	simm.s32 @!p1 $0x1082;
	[sflag:s4] =	ssyncset.s32 $0xFFFFF086  }
0x25: {  	[simem:s6], [sflag:s4] =	dma.local [hbm:s3], $0xF7A  }
0x26: {  	[smem:$0x3F97] =	sst s1;
	(tag) =	ssettag s2;
	_ =	strace s9  }
0x27: {  	s1 =	sld [smem:$0x3FA7]  }
0x28: {  	s2 =	sld [smem:$0x3FA8]  }
0x29: {  	s4 =	sld [smem:$0x3FAA]  }
0x2a: {  	p0 =	seq.s32 s5, $0x0;
	s5 =	sld [smem:$0x3FAB]  }
0x2b: {  	s6 =	sld [smem:$0x3FAC]  }
0x2c: {  	s7 =	sld [smem:$0x3FAD]  }
0x2d: {  	s3 =	simm.s32 $0x108;
	s8 =	sld [smem:$0x3FAE]  }
0x2e: {  	s3 =	simm.s32 @!p0 $0x1082;
	s9 =	sld [smem:$0x3FAF]  }
0x2f: {  	lr =	sadd.s32 s0, s3;
	s0 =	sld [smem:$0x3FA6]  }
0x30: {  	s3 =	sld [smem:$0x3FA9]  }
0x31: {  	[smem:$0x3FB2] =	sst s10  }
0x32: {  	s10 =	sld [smem:$0x3FB0];
	_ =	sdelay $0x3  }
0x33: {  	p0 =	seq.s32 s10, $0x1;
	s10 =	sld [smem:$0x3FB2];
	_ =	sdelay $0x3  }
0x34: {  	[smem:$0x3FB2] =	sst s10  }
0x35: {  	s10 =	sld [smem:$0x3FB1];
	_ =	sdelay $0x3  }
0x36: {  	p1 =	seq.s32 s10, $0x1;
	s10 =	sld [smem:$0x3FB2];
	_ =	sdelay $0x3  }
0x37: {  	[smem:$0x3FB2] =	sst s10  }
0x38: {  	s10 =	sld [smem:$0x3FB3]  }
0x39: {  	_ = 	snop;
	(pc) =	sbr.ind lr, $3  }
0x3a: {  	_ = 	snop  }
0x3b: {  	_ = 	snop  }
0x3c: {  	p2 =	seq.s32 s10, $0x1;
	s10 =	sld [smem:$0x3FB2]  }
0x3d: {  	_ =	shalt  }
0x3e: {  	_ =	shalt  }
0x3f: {  	_ =	shalt  }
0x40: {  	_ =	shalt  }
0x41: {  	_ =	shalt  }
0x42: {  	_ =	shalt  }
0x43: {  	_ =	shalt  }
0x44: {  	_ =	shalt  }
0x45: {  	_ =	shalt  }
0x46: {  	_ =	shalt  }
0x47: {  	_ =	shalt  }
0x48: {  	_ =	shalt  }
0x49: {  	_ =	shalt  }
0x4a: {  	_ =	shalt  }
0x4b: {  	_ =	shalt  }
0x4c: {  	_ =	shalt  }
0x4d: {  	_ =	shalt  }
0x4e: {  	_ =	shalt  }
0x4f: {  	_ =	shalt  }
0x50: {  	_ =	shalt  }
0x51: {  	_ =	shalt  }
0x52: {  	_ =	shalt  }
0x53: {  	_ =	shalt  }
0x54: {  	_ =	shalt  }
0x55: {  	_ =	shalt  }
0x56: {  	_ =	shalt  }
0x57: {  	_ =	shalt  }
0x58: {  	_ =	shalt  }
0x59: {  	_ =	shalt  }
0x5a: {  	_ =	shalt  }
0x5b: {  	_ =	shalt  }
0x5c: {  	_ =	shalt  }
0x5d: {  	_ =	shalt  }
0x5e: {  	_ =	shalt  }
0x5f: {  	_ =	shalt  }
0x60: {  	_ =	shalt  }
0x61: {  	_ =	shalt  }
0x62: {  	_ =	shalt  }
0x63: {  	_ =	shalt  }
0x64: {  	_ =	shalt  }
0x65: {  	_ =	shalt  }
0x66: {  	_ =	shalt  }
0x67: {  	_ =	shalt  }
0x68: {  	_ =	shalt  }
0x69: {  	_ =	shalt  }
0x6a: {  	_ =	shalt  }
0x6b: {  	_ =	shalt  }
0x6c: {  	_ =	shalt  }
0x6d: {  	_ =	shalt  }
0x6e: {  	_ =	shalt  }
0x6f: {  	_ =	shalt  }
0x70: {  	_ =	shalt  }
0x71: {  	_ =	shalt  }
0x72: {  	_ =	shalt  }
0x73: {  	_ =	shalt  }
0x74: {  	_ =	shalt  }
0x75: {  	_ =	shalt  }
0x76: {  	_ =	shalt  }
0x77: {  	_ =	shalt  }
0x78: {  	_ =	shalt  }
0x79: {  	_ =	shalt  }
0x7a: {  	_ =	shalt  }
0x7b: {  	_ =	shalt  }
0x7c: {  	_ =	shalt  }
0x7d: {  	_ =	shalt  }
0x7e: {  	_ =	shalt  }
0x7f: {  	_ =	shalt  }
0x80: {  	_ =	shalt  }
0x81: {  	_ =	shalt  }
0x82: {  	_ =	shalt  }
0x83: {  	_ =	shalt  }
0x84: {  	_ =	shalt  }
0x85: {  	_ =	shalt  }
0x86: {  	_ =	shalt  }
0x87: {  	_ =	shalt  }
.Lfunc_end0:
.L_simem_size_0:
called_computation_lowered:
.L_overlay_start_0:
0x88: {  	s2 =	sld [smem:$0x3FD9]  }
0x89: {  	s3 =	sld [smem:$0x3FFE];
	_ =	sdelay $0x1  }
0x8a: {  	s1 =	srdreg.scid  }
0x8b: {  	s0 =	sand.u32 $0x1, s1  }
0x8c: {  	s17 =	sshll.u32 s0, $0xA;
	s2 =	sadd.s32 s3, s2  }
0x8d: {  	s2 =	sadd.s32 s2, s17  }
0x8e: {  	[smem:$0x3FBE] =	sst s2  }
0x8f: {  	_ = 	snop  }
0x90: {  	s2 =	sld [smem:$0x3FC9]  }
0x91: {  	s18 =	sld [smem:$0x3FC7]  }
0x92: {  	s4 =	sld [smem:$0x3FD0];
	(tm) =	ssettm $0x1  }
0x93: {  	s5 =	sld [smem:$0x3FFB];
	_ =	sdelay $0x3  }
0x94: {  	_ =	strace s5  }
0x95: {  	s5 =	sld [smem:$0x3FFC];
	_ =	sdelay $0x3  }
0x96: {  	_ =	strace s5  }
0x97: {  	s5 =	sld [smem:$0x3FFD];
	_ =	sdelay $0x3  }
0x98: {  	_ =	strace s5  }
0x99: {  	_ =	strace $0x8FFFFFFF  }
0x9a: {  	s19 =	sld [smem:$0x3FDB];
	_ =	sdelay $0x1  }
0x9b: {  	s6 =	simm.s32 $_scs_section_size  }
0x9c: {  	s7 =	simm.s32 $_size__tile_overlayer_lowered;
	s8 =	simm.s32 $_tile_overlayer_lowered  }
0x9d: {  	s22 =	simm.s32 $0x1BFF;
	s21 =	sshll.u32 s8, $0x1;
	s5 =	sadd.s32 s6, s19  }
0x9e: {  	s9 =	simm.s32 $0x0;
	s20 =	sshll.u32 s7, $0x1;
	s7 =	sadd.s32 s21, s5  }
0x9f: {  	[timem:s9], [sflag:s22] =	dma.local [hbm:s7], s20  }
0xa0: {  	_ =	swait.ge [sflag:s22], s20  }
0xa1: {  	s6 =	ssub.s32 $0x0, s20;
	[sflag:s22] =	ssyncset.done $0x0  }
0xa2: {  	[sflag:s22] =	ssyncadd.s32 s6;
	_ =	sdelay $0x1  }
0xa3: {  	s23 =	simm.s32 $0x1B8B  }
0xa4: {  	_ =	swait.ge [sflag:s23], $0x1  }
0xa5: {  	[sflag:s23] =	ssyncset.done $0x0  }
0xa6: {  	s25 =	simm.s32 $0x1B8E;
	s24 =	sld [smem:$0x3FFE];
	[sflag:s23] =	ssyncadd.s32 $0xFFFFFFFF  }
0xa7: {  	s26 =	simm.s32 $execute0_lowered;
	[smem:$0x3FD2] =	sst s25  }
0xa8: {  	s7 =	sshll.u32 s26, $0x1;
	_ =	strace $0x80000046;
	[dreg:$0x1] =	wrdreg $0xFFFFFFFF  }
0xa9: {  	s28 =	simm.s32 $_size_execute0_lowered;
	s5 =	sadd.s32 s5, s7;
	[dreg:$0x0] =	wrdreg $0x0  }
0xaa: {  	s7 =	sshll.u32 s28, $0x1;
	[dreg:$0x2] =	wrdreg s5  }
0xab: {  	[dreg:$0x3] =	wrdreg s7  }
0xac: {  	[dreg:$0x4] =	wrdreg $0xC0  }
0xad: {  	_ =	task [dreg:s9], $0x5FFFF  }
0xae: {  	[dreg:$0x1] =	wrdreg $0xFFFFFFFF  }
0xaf: {  	[dreg:$0x0] =	wrdreg $0x60  }
0xb0: {  	[dreg:$0x2] =	wrdreg s2  }
0xb1: {  	[dreg:$0x3] =	wrdreg s24  }
0xb2: {  	[dreg:$0x4] =	wrdreg s4  }
0xb3: {  	[dreg:$0x5] =	wrdreg s18  }
0xb4: {  	[dreg:$0x6] =	wrdreg $0x84000  }
0xb5: {  	[dreg:$0x7] =	wrdreg $0x9  }
0xb6: {  	_ =	task.clear_ibuf [dreg:s9], $0x8FFFF;
	_ =	strace $0x90000046  }
0xb7: {  	s29 =	simm.s32 $0x9;
	_ =	strace $0x80000048  }
0xb8: {  	_ =	swait.ge [sflag:s29], $0x1  }
0xb9: {  	[sflag:s29] =	ssyncadd.s32 $0xFFFFFFFF  }
0xba: {  	_ =	strace $0x90000048  }
0xbb: {  	_ =	sfence  }
0xbc: {  	s30 =	sld [smem:$0x0];
	_ =	sdelay $0x2  }
0xbd: {  	s31 =	sshll.u32 s1, $0xD;
	s1 =	sshrl.u32 s1, $0x2  }
0xbe: {  	s3 =	sand.u32 $0x4000, s31;
	s1 =	sadd.s32 s1, s30  }
0xbf: {  	s0 =	sor.u32 s3, s0;
	s1 =	sshll.u32 s1, $0x11  }
0xc0: {  	s0 =	sor.u32 s1, s0  }
0xc1: {  	s0 =	sadd.s32 $0x8F2B, s0  }
0xc2: {  	[sflag:s0] =	ssyncadd.remote.s32 $0x1  }
0xc3: {  	_ =	sfence.sel $0xFFFF  }
0xc4: {  	[dreg:$0x0] =	wrdreg $0xFFFFFFFF;
	(pc) =	sbr.abs _section_cstart, $3  }
0xc5: {  	[dreg:$0x1] =	wrdreg $0xFFFFFFFF  }
0xc6: {  	_ =	task.clear_ibuf [dreg:s9], $0x2FFFF;
	_ =	strace $0x9FFFFFFF  }
0xc7: {  	(tm) =	ssettm $0x7FFFFFFF  }
tec
execute0_lowered:
.L_overlay_start_1:
0x0: {  	(tag) =	ssettag $0x1  }
0x1: {  	s1 =	rddreg [dreg:$0x0]  }
0x2: {  	s0 =	rddreg [dreg:$0x1]  }
0x3: {  	s2 =	rddreg [dreg:$0x2]  }
0x4: {  	s3 =	rddreg [dreg:$0x3]  }
0x5: {  	s4 =	rddreg [dreg:$0x4];
	s5 =	simm.s32 $0x0  }
0x6: {  	s20 =	srdreg.scid;
	s11 =	stileid.u32;
	s29 =	simm.s32 $0x4300  }
0x7: {  	[smem:$0x7FF] =	sst s5;
	s5 =	sand.u32 $0x1, s20;
	s8 =	smul.u32 $0x50000, s11  }
0x8: {  	s7 =	sadd.s32 $0xE00, s0;
	s0 =	sadd.s32 $0xAC00, s0;
	s10 =	smul.u32 $0x14000, s11  }
0x9: {  	_ =	strace $0x80000047;
	s6 =	ssub.s32 $0x2, s5;
	s21 =	sshll.u32 s5, $0x4  }
0xa: {  	s5 =	smul.u32 $0x140000, s5;
	s9 =	sshrl.u32 s6, $0x1;
	s8 =	sshrl.u32 s8, $0x2  }
0xb: {  	s11 =	sor.u32 s11, s21;
	s22 =	sadd.s32 $0x4000, s10;
	s12 =	sadd.s32 $0x8000, s10  }
0xc: {  	s13 =	sadd.s32 $0xC000, s10;
	s14 =	sadd.s32 $0x10000, s10;
	s6 =	ssub.s32 s6, s9  }
0xd: {  	s17 =	sadd.s32 s8, s4;
	s9 =	smul.u32 $0x2710, s11;
	s18 =	sadd.s32 s22, s4  }
0xe: {  	s19 =	sadd.s32 s12, s4;
	s24 =	sadd.s32 s13, s4;
	s26 =	sadd.s32 s14, s4  }
0xf: {  	s10 =	sadd.s32 s10, s5;
	s8 =	sadd.s32 s5, s22;
	[dreg:$0x6] =	wrdreg s17  }
0x10: {  	s12 =	sadd.s32 s5, s12;
	s13 =	sadd.s32 s5, s13;
	[dreg:$0x7] =	wrdreg s18  }
0x11: {  	s5 =	sadd.s32 s5, s14;
	s23 =	smul.u32 $0x27100, s11;
	[dreg:$0x8] =	wrdreg s19  }
0x12: {  	s10 =	sshrl.u32 s10, $0x3;
	s8 =	sshrl.u32 s8, $0x3;
	[dreg:$0x9] =	wrdreg s24  }
0x13: {  	s25 =	sshrl.u32 s12, $0x3;
	[dreg:$0xb] =	wrdreg s26;
	s10 =	sadd.s32 s0, s10  }
0x14: {  	s31 =	sshrl.u32 s13, $0x3;
	s8 =	sadd.s32 s0, s8;
	[dreg:$0xd] =	wrdreg s10  }
0x15: {  	s5 =	sshrl.u32 s5, $0x3;
	s20 =	sadd.s32 $0x40, s9;
	[dreg:$0xe] =	wrdreg s8  }
0x16: {  	s15 =	sshrl.u32 s9, $0x3;
	s8 =	sadd.s32 s0, s25;
	[dreg:$0xa] =	wrdreg s20  }
0x17: {  	s16 =	sshrl.u32 s20, $0x3;
	s10 =	sadd.s32 s3, s23;
	[dreg:$0xf] =	wrdreg s8  }
0x18: {  	s12 =	sadd.s32 $0x2680, s9;
	s16 =	sadd.s32 s7, s16;
	[dreg:$0x12] =	wrdreg s10  }
0x19: {  	s21 =	sadd.s32 $0x2700, s9;
	s8 =	sadd.s32 s0, s31;
	[dreg:$0xc] =	wrdreg s16  }
0x1a: {  	s13 =	sshll.u32 s12, $0x4;
	s0 =	sadd.s32 s0, s5;
	[dreg:$0x10] =	wrdreg s8  }
0x1b: {  	s25 =	sshrl.u32 s21, $0x3;
	s5 =	sadd.s32 s3, s13;
	[dreg:$0x11] =	wrdreg s0  }
0x1c: {  	s23 =	smul.u32 $0x138800, s11;
	s11 =	sadd.s32 s7, s25;
	[dreg:$0x15] =	wrdreg s5  }
0x1d: {  	s14 =	sadd.s32 s2, s15;
	s13 =	sadd.s32 $0x2000, s17;
	[dreg:$0x1b] =	wrdreg s11  }
0x1e: {  	s10 =	sadd.s32 s7, s15;
	s15 =	sadd.s32 $0x26C0, s9;
	[dreg:$0x1f] =	wrdreg s13  }
0x1f: {  	s8 =	sshll.u32 s20, $0x4;
	s16 =	sadd.s32 $0x4C0, s14;
	[dreg:$0x14] =	wrdreg s10  }
0x20: {  	s20 =	sshll.u32 s15, $0x4;
	s5 =	sadd.s32 s2, s25;
	[dreg:$0x16] =	wrdreg s16  }
0x21: {  	s22 =	sshrl.u32 s15, $0x3;
	s15 =	sadd.s32 $0xA000, s17;
	[dreg:$0x1c] =	wrdreg s5  }
0x22: {  	s31 =	sshll.u32 s21, $0x4;
	s21 =	sadd.s32 $0x10, s10;
	[smem:$0x7F7] =	sst s15  }
0x23: {  	s28 =	simm.s32 $0xD;
	s25 =	sadd.s32 $0x180, s9;
	[smem:$0x7FA] =	sst s21  }
0x24: {  	s30 =	simm.s32 $0x6;
	s0 =	sadd.s32 s3, s8;
	[smem:$0x7FC] =	sst s25  }
0x25: {  	s11 =	simm.s32 $0xB;
	s8 =	sadd.s32 $0x4C8, s14;
	[dreg:$0x13] =	wrdreg s0  }
0x26: {  	s13 =	simm.s32 $0xC;
	s14 =	sadd.s32 $0x6000, s17;
	[dreg:$0x17] =	wrdreg s8  }
0x27: {  	s16 =	sadd.s32 $0xE000, s17;
	s21 =	simm.s32 $0x7;
	[smem:$0x7F6] =	sst s14  }
0x28: {  	s25 =	simm.s32 $0x200;
	s8 =	sadd.s32 s3, s20;
	[smem:$0x7F8] =	sst s16  }
0x29: {  	s0 =	sshrl.u32 s12, $0x3;
	s12 =	smax.u32 s6, $0x1;
	[dreg:$0x18] =	wrdreg s8  }
0x2a: {  	s5 =	simm.s32 $0x0;
	s20 =	sadd.s32 $0x12000, s17;
	[dreg:$0x1e] =	wrdreg s12  }
0x2b: {  	s16 =	simm.s32 $0x40;
	s0 =	sadd.s32 s2, s0;
	[smem:$0x7F9] =	sst s20  }
0x2c: {  	s14 =	simm.s32 $0xA;
	[dreg:$0x19] =	wrdreg s0;
	s0 =	sadd.s32 s2, s22  }
0x2d: {  	s20 =	simm.s32 $0x6300;
	s22 =	sadd.s32 $0x18, s10;
	[dreg:$0x1a] =	wrdreg s0  }
0x2e: {  	s12 =	simm.s32 $0x8;
	s0 =	sadd.s32 s3, s31;
	[smem:$0x7FB] =	sst s22  }
0x2f: {  	s8 =	simm.s32 $0x280;
	s31 =	sadd.s32 $0x1C0, s9;
	[dreg:$0x1d] =	wrdreg s0  }
0x30: {  	v0 =	vimm.f32 $0.0e+00;
	s10 =	simm.s32 $0x5;
	s22 =	simm.s32 $0x9;
	[smem:$0x7FD] =	sst s31  }
.LBB2_1:
0x31: {  	[smem:$0x7F5] =	sst s5;
	s0 =	simm.s32 $0x0;
	s5 =	simm.s32 $0x200  }
.LBB2_2:
0x32: {  	p0 =	sne.s32 s5, $0x7E00;
	[tilespmem:s0+$0x4370] =	vst v0  }
0x33: {  	[tilespmem:s0+$0x4300] =	vst v0  }
0x34: {  	[tilespmem:s0+$0x4310] =	vst v0  }
.Ltmp0:
0x35: {  	[tilespmem:s0+$0x4320] =	vst v0;
	(pc) =	sbr.rel @p0 .LBB2_2-.Ltmp0, $4  }
0x36: {  	[tilespmem:s0+$0x4330] =	vst v0  }
0x37: {  	[tilespmem:s0+$0x4340] =	vst v0  }
0x38: {  	[tilespmem:s0+$0x4350] =	vst v0  }
0x39: {  	[tilespmem:s0+$0x4360] =	vst v0;
	s0 =	sshra.s32 s5, $0x2;
	s5 =	sadd.s32 $0x200, s5  }
0x3a: {  	[tilespmem:s0+$0x4370] =	vst v0  }
0x3b: {  	[tilespmem:s0+$0x4300] =	vst v0  }
0x3c: {  	[tilespmem:s0+$0x4310] =	vst v0  }
0x3d: {  	[tilespmem:s0+$0x4320] =	vst v0  }
0x3e: {  	[tilespmem:s0+$0x4330] =	vst v0  }
0x3f: {  	[tilespmem:s0+$0x4340] =	vst v0  }
0x40: {  	[tilespmem:s0+$0x4350] =	vst v0  }
0x41: {  	[tilespmem:s0+$0x4360] =	vst v0  }
0x42: {  	[spmem:s17] =	stream.linear.scatter [tilespmem:s29], [sflag:$0xD], $0x2000, $0x38;
	[tilespmem:$0x1C400] =	vst v63  }
0x43: {  	_ =	swait.ge [sflag:s28], $0x2000  }
0x44: {  	[sflag:s28] =	ssyncset.done $0x0  }
0x45: {  	s17 =	rddreg [dreg:$0x1f];
	[sflag:s28] =	ssyncadd.s32 $0xFFFFE000  }
0x46: {  	[spmem:s17] =	stream.linear.scatter [tilespmem:s29], [sflag:$0xD], $0x2000, $0x38;
	[tilespmem:$0x1C400] =	vst v63  }
0x47: {  	_ =	swait.ge [sflag:s28], $0x2000  }
0x48: {  	[sflag:s28] =	ssyncset.done $0x0  }
0x49: {  	[sflag:s28] =	ssyncadd.s32 $0xFFFFE000  }
0x4a: {  	[spmem:s18] =	stream.linear.scatter [tilespmem:s29], [sflag:$0xD], $0x2000, $0x38;
	[tilespmem:$0x1C400] =	vst v63  }
0x4b: {  	_ =	swait.ge [sflag:s28], $0x2000  }
0x4c: {  	s31 =	sld [smem:$0x7F6]  }
0x4d: {  	[sflag:s28] =	ssyncset.done $0x0  }
0x4e: {  	[sflag:s28] =	ssyncadd.s32 $0xFFFFE000  }
0x4f: {  	[spmem:s31] =	stream.linear.scatter [tilespmem:s29], [sflag:$0xD], $0x2000, $0x38;
	[tilespmem:$0x1C400] =	vst v63  }
0x50: {  	_ =	swait.ge [sflag:s28], $0x2000  }
0x51: {  	[sflag:s28] =	ssyncset.done $0x0  }
0x52: {  	[sflag:s28] =	ssyncadd.s32 $0xFFFFE000  }
0x53: {  	[spmem:s19] =	stream.linear.scatter [tilespmem:s29], [sflag:$0xD], $0x2000, $0x38;
	[tilespmem:$0x1C400] =	vst v63  }
0x54: {  	_ =	swait.ge [sflag:s28], $0x2000  }
0x55: {  	s5 =	sld [smem:$0x7F7]  }
0x56: {  	[sflag:s28] =	ssyncset.done $0x0  }
0x57: {  	[sflag:s28] =	ssyncadd.s32 $0xFFFFE000  }
0x58: {  	[spmem:s5] =	stream.linear.scatter [tilespmem:s29], [sflag:$0xD], $0x2000, $0x38;
	[tilespmem:$0x1C400] =	vst v63  }
0x59: {  	_ =	swait.ge [sflag:s28], $0x2000  }
0x5a: {  	[sflag:s28] =	ssyncset.done $0x0  }
0x5b: {  	[sflag:s28] =	ssyncadd.s32 $0xFFFFE000  }
0x5c: {  	[spmem:s24] =	stream.linear.scatter [tilespmem:s29], [sflag:$0xD], $0x2000, $0x38;
	[tilespmem:$0x1C400] =	vst v63  }
0x5d: {  	_ =	swait.ge [sflag:s28], $0x2000  }
0x5e: {  	s6 =	sld [smem:$0x7F8]  }
0x5f: {  	[sflag:s28] =	ssyncset.done $0x0  }
0x60: {  	[sflag:s28] =	ssyncadd.s32 $0xFFFFE000  }
0x61: {  	[spmem:s6] =	stream.linear.scatter [tilespmem:s29], [sflag:$0xD], $0x2000, $0x38;
	[tilespmem:$0x1C400] =	vst v63  }
0x62: {  	_ =	swait.ge [sflag:s28], $0x2000  }
0x63: {  	[sflag:s28] =	ssyncset.done $0x0  }
0x64: {  	[sflag:s28] =	ssyncadd.s32 $0xFFFFE000  }
0x65: {  	[spmem:s26] =	stream.linear.scatter [tilespmem:s29], [sflag:$0xD], $0x2000, $0x38;
	[tilespmem:$0x1C400] =	vst v63  }
0x66: {  	_ =	swait.ge [sflag:s28], $0x2000  }
0x67: {  	s15 =	sld [smem:$0x7F9]  }
0x68: {  	[sflag:s28] =	ssyncset.done $0x0  }
0x69: {  	[sflag:s28] =	ssyncadd.s32 $0xFFFFE000  }
0x6a: {  	[spmem:s15] =	stream.linear.scatter [tilespmem:s29], [sflag:$0xD], $0x2000, $0x38;
	[tilespmem:$0x1C400] =	vst v63  }
0x6b: {  	_ =	swait.ge [sflag:s28], $0x2000  }
0x6c: {  	[sflag:s28] =	ssyncset.done $0x0  }
0x6d: {  	[sflag:s28] =	ssyncadd.s32 $0xFFFFE000  }
0x6e: {  	[bflag:$0x0] =	sbarrier.arrive $0xFFFF  }
0x6f: {  	s17 =	rddreg [dreg:$0x14]  }
0x70: {  	s26 =	simm.s32 $0x0;
	s18 =	rddreg [dreg:$0xc]  }
0x71: {  	[tilespmem:s26], [sflag:$0x1] =	stream.linear.gather [hbm4b:s17+s26], $0x40, $0x38;
	[tilespmem:$0x1C400] =	vst v63  }
0x72: {  	s5 =	simm.s32 $0x80;
	s19 =	sld [smem:$0x7FA]  }
0x73: {  	[tilespmem:s5], [sflag:$0x2] =	stream.linear.gather [hbm4b:s18+s26], $0x40, $0x38;
	[tilespmem:$0x1C400] =	vst v63  }
0x74: {  	s6 =	simm.s32 $0x100;
	s24 =	sld [smem:$0x7FB]  }
0x75: {  	[tilespmem:s6], [sflag:$0x3] =	stream.linear.gather [hbm4b:s19+s26], $0x40, $0x38;
	[tilespmem:$0x1C400] =	vst v63  }
0x76: {  	s31 =	simm.s32 $0x180;
	s15 =	simm.s32 $0x1  }
0x77: {  	[tilespmem:s31], [sflag:$0x4] =	stream.linear.gather [hbm4b:s24+s26], $0x40, $0x38;
	[tilespmem:$0x1C400] =	vst v63  }
0x78: {  	_ =	swait.ge [sflag:s15], $0x40  }
0x79: {  	[sflag:s15] =	ssyncset.done $0x0  }
0x7a: {  	s17 =	simm.s32 $0x300;
	[sflag:s15] =	ssyncadd.s32 $0xFFFFFFC0  }
0x7b: {  	[tilespmem:s17], [sflag:$0x7] =	stream.indirect.gather [hbm4b:s1+s16], $0x80, s26, s16, $0xb8;
	[tilespmem:$0x1C400] =	vst v63  }
0x7c: {  	s19 =	simm.s32 $0x2;
	s18 =	rddreg [dreg:$0x12]  }
0x7d: {  	[tilespmem:s29], [sflag:$0x9] =	stream.linear.gather [hbm4b:s18+s26], $0x2000, $0x38;
	[tilespmem:$0x1C400] =	vst v63  }
0x7e: {  	_ =	swait.ge [sflag:s19], $0x40  }
0x7f: {  	[sflag:s19] =	ssyncset.done $0x0  }
0x80: {  	s24 =	simm.s32 $0x2300;
	[sflag:s19] =	ssyncadd.s32 $0xFFFFFFC0  }
0x81: {  	[tilespmem:s24], [sflag:$0x8] =	stream.indirect.gather [hbm4b:s1+s16], $0x80, s5, s16, $0xb8;
	[tilespmem:$0x1C400] =	vst v63  }
0x82: {  	s28 =	simm.s32 $0x0;
	s6 =	simm.s32 $0x80;
	s31 =	rddreg [dreg:$0x13]  }
0x83: {  	[tilespmem:s20], [sflag:$0xA] =	stream.linear.gather [hbm4b:s31+s26], $0x2000, $0x38;
	[tilespmem:$0x1C400] =	vst v63  }
.LBB2_4:
0x84: {  	s19 =	sshll.u32 s28, $0x2;
	_ =	swait.ge [sflag:s21], $0x2000  }
0x85: {  	[sflag:s21] =	ssyncset.done $0x0;
	s0 =	sadd.s32 $0x4, s19  }
0x86: {  	[sflag:s21] =	ssyncadd.s32 $0xFFFFE000;
	s5 =	sshll.u32 s0, $0x6  }
0x87: {  	s31 =	sshll.u32 s28, $0x8;
	_ =	swait.ge [sflag:s22], $0x2000;
	s5 =	sadd.s32 s9, s5  }
0x88: {  	s15 =	sadd.s32 s9, s31;
	[sflag:s22] =	ssyncset.done $0x0;
	s5 =	sshrl.u32 s5, $0x3  }
0x89: {  	s24 =	sshrl.u32 s15, $0x3;
	[sflag:s22] =	ssyncadd.s32 $0xFFFFE000;
	s5 =	sadd.s32 s7, s5  }
0x8a: {  	[tilespmem:s26], [sflag:$0x1] =	stream.linear.gather [hbm4b:s5+s26], $0x40, $0x38;
	[tilespmem:$0x1C400] =	vst v63  }
0x8b: {  	s5 =	sadd.s32 s2, s24  }
0x8c: {  	[tilespmem:s25], [sflag:$0x5] =	stream.linear.gather [hbm4b:s5+s26], $0x40, $0x38;
	[tilespmem:$0x1C400] =	vst v63  }
0x8d: {  	s5 =	simm.s32 $0x0  }
0x8e: {  	v7 =	vld [tilespmem:s5+$0x300]  }
0x8f: {  	v12 =	vld [tilespmem:s5+$0x310]  }
0x90: {  	v6 =	vld [tilespmem:s5+$0x320]  }
0x91: {  	v5 =	vld [tilespmem:s5+$0x330]  }
0x92: {  	v4 =	vld [tilespmem:s5+$0x340]  }
0x93: {  	v3 =	vld [tilespmem:s5+$0x350]  }
0x94: {  	v2 =	vld [tilespmem:s5+$0x360]  }
0x95: {  	v1 =	vld [tilespmem:s5+$0x370]  }
0x96: {  	v13 =	vld [tilespmem:s5+$0x4300]  }
0x97: {  	v14 =	vld [tilespmem:s5+$0x4310]  }
0x98: {  	v11 =	vld [tilespmem:s5+$0x4320]  }
0x99: {  	v10 =	vld [tilespmem:s5+$0x4330]  }
0x9a: {  	v9 =	vld [tilespmem:s5+$0x4340]  }
0x9b: {  	v8 =	vld [tilespmem:s5+$0x4350];
	v13 =	vadd.f32 v13, v7  }
0x9c: {  	s15 =	simm.s32 $0x200;
	v12 =	vadd.f32 v14, v12;
	v7 =	vld [tilespmem:s5+$0x4360]  }
.LBB2_5:
0x9d: {  	s17 =	sshra.s32 s15, $0x2;
	p0 =	sne.s32 s15, $0x7E00;
	v13 =	vmax.f32 v13, $0.0e+00;
	v6 =	vadd.f32 v11, v6;
	v11 =	vld [tilespmem:s5+$0x4370]  }
0x9e: {  	v14 =	vld [tilespmem:s17+$0x300];
	[tilespmem:s5+$0x4300] =	vst v13;
	v12 =	vmax.f32 v12, $0.0e+00;
	v5 =	vadd.f32 v10, v5  }
0x9f: {  	v15 =	vld [tilespmem:s17+$0x310];
	[tilespmem:s5+$0x4310] =	vst v12;
	v10 =	vmax.f32 v6, $0.0e+00;
	v4 =	vadd.f32 v9, v4  }
0xa0: {  	v6 =	vld [tilespmem:s17+$0x320];
	[tilespmem:s5+$0x4320] =	vst v10;
	v9 =	vmax.f32 v5, $0.0e+00;
	v3 =	vadd.f32 v8, v3  }
0xa1: {  	v5 =	vld [tilespmem:s17+$0x330];
	[tilespmem:s5+$0x4330] =	vst v9;
	v8 =	vmax.f32 v4, $0.0e+00;
	v2 =	vadd.f32 v7, v2  }
0xa2: {  	v4 =	vld [tilespmem:s17+$0x340];
	[tilespmem:s5+$0x4340] =	vst v8;
	v7 =	vmax.f32 v3, $0.0e+00;
	v1 =	vadd.f32 v11, v1  }
0xa3: {  	v3 =	vld [tilespmem:s17+$0x350];
	[tilespmem:s5+$0x4350] =	vst v7;
	v7 =	vmax.f32 v2, $0.0e+00  }
0xa4: {  	v2 =	vld [tilespmem:s17+$0x360];
	[tilespmem:s5+$0x4360] =	vst v7;
	v7 =	vmax.f32 v1, $0.0e+00  }
0xa5: {  	v1 =	vld [tilespmem:s17+$0x370];
	[tilespmem:s5+$0x4370] =	vst v7;
	s5 =	smov.u32 s17  }
0xa6: {  	v7 =	vld [tilespmem:s5+$0x4300]  }
0xa7: {  	v12 =	vld [tilespmem:s5+$0x4310]  }
.Ltmp1:
0xa8: {  	v11 =	vld [tilespmem:s5+$0x4320];
	(pc) =	sbr.rel @p0 .LBB2_5-.Ltmp1, $4  }
0xa9: {  	v10 =	vld [tilespmem:s5+$0x4330]  }
0xaa: {  	v9 =	vld [tilespmem:s5+$0x4340]  }
0xab: {  	v13 =	vadd.f32 v7, v14;
	v8 =	vld [tilespmem:s5+$0x4350]  }
0xac: {  	s15 =	sadd.s32 $0x200, s15;
	v12 =	vadd.f32 v12, v15;
	v7 =	vld [tilespmem:s5+$0x4360]  }
0xad: {  	v13 =	vmax.f32 v13, $0.0e+00;
	v6 =	vadd.f32 v11, v6;
	v11 =	vld [tilespmem:s5+$0x4370]  }
0xae: {  	[tilespmem:s5+$0x4300] =	vst v13;
	v12 =	vmax.f32 v12, $0.0e+00;
	v5 =	vadd.f32 v10, v5  }
0xaf: {  	[tilespmem:s5+$0x4310] =	vst v12;
	v6 =	vmax.f32 v6, $0.0e+00;
	v4 =	vadd.f32 v9, v4  }
0xb0: {  	[tilespmem:s5+$0x4320] =	vst v6;
	v5 =	vmax.f32 v5, $0.0e+00;
	v3 =	vadd.f32 v8, v3  }
0xb1: {  	[tilespmem:s5+$0x4330] =	vst v5;
	v4 =	vmax.f32 v4, $0.0e+00;
	v2 =	vadd.f32 v7, v2  }
0xb2: {  	[tilespmem:s5+$0x4340] =	vst v4;
	v3 =	vmax.f32 v3, $0.0e+00;
	v1 =	vadd.f32 v11, v1  }
0xb3: {  	[tilespmem:s5+$0x4350] =	vst v3;
	v2 =	vmax.f32 v2, $0.0e+00  }
0xb4: {  	[tilespmem:s5+$0x4360] =	vst v2;
	v1 =	vmax.f32 v1, $0.0e+00  }
0xb5: {  	s15 =	simm.s32 $0x3;
	[tilespmem:s5+$0x4370] =	vst v1  }
0xb6: {  	_ =	swait.ge [sflag:s15], $0x40  }
0xb7: {  	[sflag:s15] =	ssyncset.done $0x0  }
0xb8: {  	s17 =	simm.s32 $0x100;
	[sflag:s15] =	ssyncadd.s32 $0xFFFFFFC0;
	s15 =	simm.s32 $0x300  }
0xb9: {  	[tilespmem:s15], [sflag:$0x7] =	stream.indirect.gather [hbm4b:s1+s16], $0x80, s17, s16, $0xb8;
	[tilespmem:$0x1C400] =	vst v63  }
0xba: {  	_ =	swait.ge [sflag:s10], $0x40  }
0xbb: {  	s17 =	sor.u32 $0x2, s19;
	[sflag:s10] =	ssyncset.done $0x0  }
0xbc: {  	s18 =	sshll.u32 s17, $0xD;
	[sflag:s10] =	ssyncadd.s32 $0xFFFFFFC0  }
0xbd: {  	[spmem:s4] =	stream.indirect.scatter.add.f32 [tilespmem:s29], [sflag:$0xB], $0x80, s25, s16, $0xb8;
	[tilespmem:$0x1C400] =	vst v63  }
0xbe: {  	s5 =	sadd.s32 s23, s18;
	_ =	swait.ge [sflag:s11], $0x2000  }
0xbf: {  	s5 =	sshrl.u32 s5, $0x3;
	[sflag:s11] =	ssyncset.done $0x0  }
0xc0: {  	s15 =	simm.s32 $0x0;
	s5 =	sadd.s32 s3, s5;
	[sflag:s11] =	ssyncadd.s32 $0xFFFFE000  }
0xc1: {  	[tilespmem:s29], [sflag:$0x9] =	stream.linear.gather [hbm4b:s5+s15], $0x2000, $0x38;
	[tilespmem:$0x1C400] =	vst v63  }
0xc2: {  	_ =	swait.ge [sflag:s12], $0x2000  }
0xc3: {  	s5 =	sadd.s32 $0x5, s19;
	[sflag:s12] =	ssyncset.done $0x0  }
0xc4: {  	s18 =	sshll.u32 s5, $0x6;
	[sflag:s12] =	ssyncadd.s32 $0xFFFFE000  }
0xc5: {  	s18 =	sadd.s32 s9, s18;
	_ =	swait.ge [sflag:s14], $0x2000  }
0xc6: {  	s18 =	sshrl.u32 s18, $0x3;
	[sflag:s14] =	ssyncset.done $0x0  }
0xc7: {  	s18 =	sadd.s32 s7, s18;
	s24 =	rddreg [dreg:$0xa];
	[sflag:s14] =	ssyncadd.s32 $0xFFFFE000  }
0xc8: {  	[tilespmem:s6], [sflag:$0x2] =	stream.linear.gather [hbm4b:s18+s15], $0x40, $0x38;
	[tilespmem:$0x1C400] =	vst v63  }
0xc9: {  	s18 =	sadd.s32 s31, s24  }
0xca: {  	s18 =	sshrl.u32 s18, $0x3  }
0xcb: {  	s18 =	sadd.s32 s2, s18  }
0xcc: {  	[tilespmem:s8], [sflag:$0x6] =	stream.linear.gather [hbm4b:s18+s15], $0x40, $0x38;
	[tilespmem:$0x1C400] =	vst v63  }
0xcd: {  	s15 =	simm.s32 $0x0  }
0xce: {  	v7 =	vld [tilespmem:s15+$0x2300]  }
0xcf: {  	v12 =	vld [tilespmem:s15+$0x2310]  }
0xd0: {  	v6 =	vld [tilespmem:s15+$0x2320]  }
0xd1: {  	v5 =	vld [tilespmem:s15+$0x2330]  }
0xd2: {  	v4 =	vld [tilespmem:s15+$0x2340]  }
0xd3: {  	v3 =	vld [tilespmem:s15+$0x2350]  }
0xd4: {  	v2 =	vld [tilespmem:s15+$0x2360]  }
0xd5: {  	v1 =	vld [tilespmem:s15+$0x2370]  }
0xd6: {  	v13 =	vld [tilespmem:s15+$0x6300]  }
0xd7: {  	v14 =	vld [tilespmem:s15+$0x6310]  }
0xd8: {  	v11 =	vld [tilespmem:s15+$0x6320]  }
0xd9: {  	v10 =	vld [tilespmem:s15+$0x6330]  }
0xda: {  	v9 =	vld [tilespmem:s15+$0x6340]  }
0xdb: {  	v8 =	vld [tilespmem:s15+$0x6350];
	v13 =	vadd.f32 v13, v7  }
0xdc: {  	s18 =	simm.s32 $0x200;
	v12 =	vadd.f32 v14, v12;
	v7 =	vld [tilespmem:s15+$0x6360]  }
.LBB2_7:
0xdd: {  	s24 =	sshra.s32 s18, $0x2;
	p0 =	sne.s32 s18, $0x7E00;
	v13 =	vmax.f32 v13, $0.0e+00;
	v6 =	vadd.f32 v11, v6;
	v11 =	vld [tilespmem:s15+$0x6370]  }
0xde: {  	v14 =	vld [tilespmem:s24+$0x2300];
	[tilespmem:s15+$0x6300] =	vst v13;
	v12 =	vmax.f32 v12, $0.0e+00;
	v5 =	vadd.f32 v10, v5  }
0xdf: {  	v15 =	vld [tilespmem:s24+$0x2310];
	[tilespmem:s15+$0x6310] =	vst v12;
	v10 =	vmax.f32 v6, $0.0e+00;
	v4 =	vadd.f32 v9, v4  }
0xe0: {  	v6 =	vld [tilespmem:s24+$0x2320];
	[tilespmem:s15+$0x6320] =	vst v10;
	v9 =	vmax.f32 v5, $0.0e+00;
	v3 =	vadd.f32 v8, v3  }
0xe1: {  	v5 =	vld [tilespmem:s24+$0x2330];
	[tilespmem:s15+$0x6330] =	vst v9;
	v8 =	vmax.f32 v4, $0.0e+00;
	v2 =	vadd.f32 v7, v2  }
0xe2: {  	v4 =	vld [tilespmem:s24+$0x2340];
	[tilespmem:s15+$0x6340] =	vst v8;
	v7 =	vmax.f32 v3, $0.0e+00;
	v1 =	vadd.f32 v11, v1  }
0xe3: {  	v3 =	vld [tilespmem:s24+$0x2350];
	[tilespmem:s15+$0x6350] =	vst v7;
	v7 =	vmax.f32 v2, $0.0e+00  }
0xe4: {  	v2 =	vld [tilespmem:s24+$0x2360];
	[tilespmem:s15+$0x6360] =	vst v7;
	v7 =	vmax.f32 v1, $0.0e+00  }
0xe5: {  	v1 =	vld [tilespmem:s24+$0x2370];
	[tilespmem:s15+$0x6370] =	vst v7;
	s15 =	smov.u32 s24  }
0xe6: {  	v7 =	vld [tilespmem:s15+$0x6300]  }
0xe7: {  	v12 =	vld [tilespmem:s15+$0x6310]  }
.Ltmp2:
0xe8: {  	v11 =	vld [tilespmem:s15+$0x6320];
	(pc) =	sbr.rel @p0 .LBB2_7-.Ltmp2, $4  }
0xe9: {  	v10 =	vld [tilespmem:s15+$0x6330]  }
0xea: {  	v9 =	vld [tilespmem:s15+$0x6340]  }
0xeb: {  	v13 =	vadd.f32 v7, v14;
	v8 =	vld [tilespmem:s15+$0x6350]  }
0xec: {  	s18 =	sadd.s32 $0x200, s18;
	v12 =	vadd.f32 v12, v15;
	v7 =	vld [tilespmem:s15+$0x6360]  }
0xed: {  	v13 =	vmax.f32 v13, $0.0e+00;
	v6 =	vadd.f32 v11, v6;
	v11 =	vld [tilespmem:s15+$0x6370]  }
0xee: {  	[tilespmem:s15+$0x6300] =	vst v13;
	v12 =	vmax.f32 v12, $0.0e+00;
	v5 =	vadd.f32 v10, v5  }
0xef: {  	[tilespmem:s15+$0x6310] =	vst v12;
	v6 =	vmax.f32 v6, $0.0e+00;
	v4 =	vadd.f32 v9, v4  }
0xf0: {  	[tilespmem:s15+$0x6320] =	vst v6;
	v5 =	vmax.f32 v5, $0.0e+00;
	v3 =	vadd.f32 v8, v3  }
0xf1: {  	[tilespmem:s15+$0x6330] =	vst v5;
	v4 =	vmax.f32 v4, $0.0e+00;
	v2 =	vadd.f32 v7, v2  }
0xf2: {  	[tilespmem:s15+$0x6340] =	vst v4;
	v3 =	vmax.f32 v3, $0.0e+00;
	v1 =	vadd.f32 v11, v1  }
0xf3: {  	[tilespmem:s15+$0x6350] =	vst v3;
	v2 =	vmax.f32 v2, $0.0e+00  }
0xf4: {  	[tilespmem:s15+$0x6360] =	vst v2;
	v1 =	vmax.f32 v1, $0.0e+00  }
0xf5: {  	s18 =	simm.s32 $0x4;
	[tilespmem:s15+$0x6370] =	vst v1  }
0xf6: {  	_ =	swait.ge [sflag:s18], $0x40  }
0xf7: {  	[sflag:s18] =	ssyncset.done $0x0  }
0xf8: {  	s24 =	simm.s32 $0x180;
	[sflag:s18] =	ssyncadd.s32 $0xFFFFFFC0;
	s18 =	simm.s32 $0x2300  }
0xf9: {  	[tilespmem:s18], [sflag:$0x8] =	stream.indirect.gather [hbm4b:s1+s16], $0x80, s24, s16, $0xb8;
	[tilespmem:$0x1C400] =	vst v63  }
0xfa: {  	_ =	swait.ge [sflag:s30], $0x40  }
0xfb: {  	s19 =	sor.u32 $0x3, s19;
	[sflag:s30] =	ssyncset.done $0x0  }
0xfc: {  	s18 =	sshll.u32 s19, $0xD;
	[sflag:s30] =	ssyncadd.s32 $0xFFFFFFC0  }
0xfd: {  	[spmem:s4] =	stream.indirect.scatter.add.f32 [tilespmem:s20], [sflag:$0xC], $0x80, s8, s16, $0xb8;
	[tilespmem:$0x1C400] =	vst v63  }
0xfe: {  	s15 =	sadd.s32 s23, s18;
	_ =	swait.ge [sflag:s13], $0x2000  }
0xff: {  	s15 =	sshrl.u32 s15, $0x3;
	[sflag:s13] =	ssyncset.done $0x0  }
0x100: {  	s18 =	simm.s32 $0x0;
	s15 =	sadd.s32 s3, s15;
	[sflag:s13] =	ssyncadd.s32 $0xFFFFE000  }
0x101: {  	[tilespmem:s20], [sflag:$0xA] =	stream.linear.gather [hbm4b:s15+s18], $0x2000, $0x38;
	[tilespmem:$0x1C400] =	vst v63  }
0x102: {  	_ =	swait.ge [sflag:s21], $0x2000  }
0x103: {  	[sflag:s21] =	ssyncset.done $0x0  }
0x104: {  	[sflag:s21] =	ssyncadd.s32 $0xFFFFE000  }
0x105: {  	_ =	swait.ge [sflag:s22], $0x2000  }
0x106: {  	s24 =	sld [smem:$0x7FC];
	_ =	sdelay $0x2  }
0x107: {  	s17 =	sshll.u32 s17, $0x6;
	s15 =	sadd.s32 s31, s24  }
0x108: {  	s17 =	sadd.s32 s9, s17;
	[sflag:s22] =	ssyncset.done $0x0;
	s15 =	sshrl.u32 s15, $0x3  }
0x109: {  	[sflag:s22] =	ssyncadd.s32 $0xFFFFE000;
	s24 =	simm.s32 $0x100;
	s15 =	sadd.s32 s7, s15  }
0x10a: {  	[tilespmem:s24], [sflag:$0x3] =	stream.linear.gather [hbm4b:s15+s18], $0x40, $0x38;
	[tilespmem:$0x1C400] =	vst v63  }
0x10b: {  	s24 =	sshrl.u32 s17, $0x3  }
0x10c: {  	s15 =	sadd.s32 s2, s24  }
0x10d: {  	[tilespmem:s25], [sflag:$0x5] =	stream.linear.gather [hbm4b:s15+s18], $0x40, $0x38;
	[tilespmem:$0x1C400] =	vst v63  }
0x10e: {  	s15 =	simm.s32 $0x0  }
0x10f: {  	v7 =	vld [tilespmem:s15+$0x300]  }
0x110: {  	v12 =	vld [tilespmem:s15+$0x310]  }
0x111: {  	v6 =	vld [tilespmem:s15+$0x320]  }
0x112: {  	v5 =	vld [tilespmem:s15+$0x330]  }
0x113: {  	v4 =	vld [tilespmem:s15+$0x340]  }
0x114: {  	v3 =	vld [tilespmem:s15+$0x350]  }
0x115: {  	v2 =	vld [tilespmem:s15+$0x360]  }
0x116: {  	v1 =	vld [tilespmem:s15+$0x370]  }
0x117: {  	v13 =	vld [tilespmem:s15+$0x4300]  }
0x118: {  	v14 =	vld [tilespmem:s15+$0x4310]  }
0x119: {  	v11 =	vld [tilespmem:s15+$0x4320]  }
0x11a: {  	v10 =	vld [tilespmem:s15+$0x4330]  }
0x11b: {  	v9 =	vld [tilespmem:s15+$0x4340]  }
0x11c: {  	v8 =	vld [tilespmem:s15+$0x4350];
	v13 =	vadd.f32 v13, v7  }
0x11d: {  	s17 =	simm.s32 $0x200;
	v12 =	vadd.f32 v14, v12;
	v7 =	vld [tilespmem:s15+$0x4360]  }
.LBB2_9:
0x11e: {  	s18 =	sshra.s32 s17, $0x2;
	p0 =	sne.s32 s17, $0x7E00;
	v13 =	vmax.f32 v13, $0.0e+00;
	v6 =	vadd.f32 v11, v6;
	v11 =	vld [tilespmem:s15+$0x4370]  }
0x11f: {  	v14 =	vld [tilespmem:s18+$0x300];
	[tilespmem:s15+$0x4300] =	vst v13;
	v12 =	vmax.f32 v12, $0.0e+00;
	v5 =	vadd.f32 v10, v5  }
0x120: {  	v15 =	vld [tilespmem:s18+$0x310];
	[tilespmem:s15+$0x4310] =	vst v12;
	v10 =	vmax.f32 v6, $0.0e+00;
	v4 =	vadd.f32 v9, v4  }
0x121: {  	v6 =	vld [tilespmem:s18+$0x320];
	[tilespmem:s15+$0x4320] =	vst v10;
	v9 =	vmax.f32 v5, $0.0e+00;
	v3 =	vadd.f32 v8, v3  }
0x122: {  	v5 =	vld [tilespmem:s18+$0x330];
	[tilespmem:s15+$0x4330] =	vst v9;
	v8 =	vmax.f32 v4, $0.0e+00;
	v2 =	vadd.f32 v7, v2  }
0x123: {  	v4 =	vld [tilespmem:s18+$0x340];
	[tilespmem:s15+$0x4340] =	vst v8;
	v7 =	vmax.f32 v3, $0.0e+00;
	v1 =	vadd.f32 v11, v1  }
0x124: {  	v3 =	vld [tilespmem:s18+$0x350];
	[tilespmem:s15+$0x4350] =	vst v7;
	v7 =	vmax.f32 v2, $0.0e+00  }
0x125: {  	v2 =	vld [tilespmem:s18+$0x360];
	[tilespmem:s15+$0x4360] =	vst v7;
	v7 =	vmax.f32 v1, $0.0e+00  }
0x126: {  	v1 =	vld [tilespmem:s18+$0x370];
	[tilespmem:s15+$0x4370] =	vst v7;
	s15 =	smov.u32 s18  }
0x127: {  	v7 =	vld [tilespmem:s15+$0x4300]  }
0x128: {  	v12 =	vld [tilespmem:s15+$0x4310]  }
.Ltmp3:
0x129: {  	v11 =	vld [tilespmem:s15+$0x4320];
	(pc) =	sbr.rel @p0 .LBB2_9-.Ltmp3, $4  }
0x12a: {  	v10 =	vld [tilespmem:s15+$0x4330]  }
0x12b: {  	v9 =	vld [tilespmem:s15+$0x4340]  }
0x12c: {  	v13 =	vadd.f32 v7, v14;
	v8 =	vld [tilespmem:s15+$0x4350]  }
0x12d: {  	s17 =	sadd.s32 $0x200, s17;
	v12 =	vadd.f32 v12, v15;
	v7 =	vld [tilespmem:s15+$0x4360]  }
0x12e: {  	v13 =	vmax.f32 v13, $0.0e+00;
	v6 =	vadd.f32 v11, v6;
	v11 =	vld [tilespmem:s15+$0x4370]  }
0x12f: {  	[tilespmem:s15+$0x4300] =	vst v13;
	v12 =	vmax.f32 v12, $0.0e+00;
	v5 =	vadd.f32 v10, v5  }
0x130: {  	[tilespmem:s15+$0x4310] =	vst v12;
	v6 =	vmax.f32 v6, $0.0e+00;
	v4 =	vadd.f32 v9, v4  }
0x131: {  	[tilespmem:s15+$0x4320] =	vst v6;
	v5 =	vmax.f32 v5, $0.0e+00;
	v3 =	vadd.f32 v8, v3  }
0x132: {  	[tilespmem:s15+$0x4330] =	vst v5;
	v4 =	vmax.f32 v4, $0.0e+00;
	v2 =	vadd.f32 v7, v2  }
0x133: {  	[tilespmem:s15+$0x4340] =	vst v4;
	v3 =	vmax.f32 v3, $0.0e+00;
	v1 =	vadd.f32 v11, v1  }
0x134: {  	[tilespmem:s15+$0x4350] =	vst v3;
	v2 =	vmax.f32 v2, $0.0e+00  }
0x135: {  	[tilespmem:s15+$0x4360] =	vst v2;
	v1 =	vmax.f32 v1, $0.0e+00  }
0x136: {  	s17 =	simm.s32 $0x1;
	[tilespmem:s15+$0x4370] =	vst v1  }
0x137: {  	_ =	swait.ge [sflag:s17], $0x40  }
0x138: {  	[sflag:s17] =	ssyncset.done $0x0  }
0x139: {  	s15 =	simm.s32 $0x0;
	[sflag:s17] =	ssyncadd.s32 $0xFFFFFFC0;
	s17 =	simm.s32 $0x300  }
0x13a: {  	[tilespmem:s17], [sflag:$0x7] =	stream.indirect.gather [hbm4b:s1+s16], $0x80, s15, s16, $0xb8;
	[tilespmem:$0x1C400] =	vst v63  }
0x13b: {  	_ =	swait.ge [sflag:s10], $0x40  }
0x13c: {  	[sflag:s10] =	ssyncset.done $0x0  }
0x13d: {  	s0 =	sshll.u32 s0, $0xD;
	[sflag:s10] =	ssyncadd.s32 $0xFFFFFFC0  }
0x13e: {  	[spmem:s4] =	stream.indirect.scatter.add.f32 [tilespmem:s29], [sflag:$0xB], $0x80, s25, s16, $0xb8;
	[tilespmem:$0x1C400] =	vst v63  }
0x13f: {  	s0 =	sadd.s32 s23, s0;
	_ =	swait.ge [sflag:s11], $0x2000  }
0x140: {  	s0 =	sshrl.u32 s0, $0x3;
	[sflag:s11] =	ssyncset.done $0x0  }
0x141: {  	s0 =	sadd.s32 s3, s0;
	[sflag:s11] =	ssyncadd.s32 $0xFFFFE000  }
0x142: {  	[tilespmem:s29], [sflag:$0x9] =	stream.linear.gather [hbm4b:s0+s15], $0x2000, $0x38;
	[tilespmem:$0x1C400] =	vst v63  }
0x143: {  	_ =	swait.ge [sflag:s12], $0x2000  }
0x144: {  	[sflag:s12] =	ssyncset.done $0x0  }
0x145: {  	[sflag:s12] =	ssyncadd.s32 $0xFFFFE000  }
0x146: {  	_ =	swait.ge [sflag:s14], $0x2000  }
0x147: {  	s18 =	sld [smem:$0x7FD];
	_ =	sdelay $0x2  }
0x148: {  	s24 =	sshll.u32 s19, $0x6;
	[sflag:s14] =	ssyncset.done $0x0;
	s0 =	sadd.s32 s31, s18  }
0x149: {  	s17 =	sadd.s32 s9, s24;
	[sflag:s14] =	ssyncadd.s32 $0xFFFFE000;
	s0 =	sshrl.u32 s0, $0x3  }
0x14a: {  	s18 =	simm.s32 $0x180;
	s31 =	sshrl.u32 s17, $0x3;
	s0 =	sadd.s32 s7, s0  }
0x14b: {  	[tilespmem:s18], [sflag:$0x4] =	stream.linear.gather [hbm4b:s0+s15], $0x40, $0x38;
	[tilespmem:$0x1C400] =	vst v63  }
0x14c: {  	s0 =	sadd.s32 s2, s31  }
0x14d: {  	[tilespmem:s8], [sflag:$0x6] =	stream.linear.gather [hbm4b:s0+s15], $0x40, $0x38;
	[tilespmem:$0x1C400] =	vst v63  }
0x14e: {  	s0 =	simm.s32 $0x0  }
0x14f: {  	v7 =	vld [tilespmem:s0+$0x2300]  }
0x150: {  	v12 =	vld [tilespmem:s0+$0x2310]  }
0x151: {  	v6 =	vld [tilespmem:s0+$0x2320]  }
0x152: {  	v5 =	vld [tilespmem:s0+$0x2330]  }
0x153: {  	v4 =	vld [tilespmem:s0+$0x2340]  }
0x154: {  	v3 =	vld [tilespmem:s0+$0x2350]  }
0x155: {  	v2 =	vld [tilespmem:s0+$0x2360]  }
0x156: {  	v1 =	vld [tilespmem:s0+$0x2370]  }
0x157: {  	v13 =	vld [tilespmem:s0+$0x6300]  }
0x158: {  	v14 =	vld [tilespmem:s0+$0x6310]  }
0x159: {  	v11 =	vld [tilespmem:s0+$0x6320]  }
0x15a: {  	v10 =	vld [tilespmem:s0+$0x6330]  }
0x15b: {  	v9 =	vld [tilespmem:s0+$0x6340]  }
0x15c: {  	v8 =	vld [tilespmem:s0+$0x6350];
	v13 =	vadd.f32 v13, v7  }
0x15d: {  	s15 =	simm.s32 $0x200;
	v12 =	vadd.f32 v14, v12;
	v7 =	vld [tilespmem:s0+$0x6360]  }
.LBB2_11:
0x15e: {  	s17 =	sshra.s32 s15, $0x2;
	p0 =	sne.s32 s15, $0x7E00;
	v13 =	vmax.f32 v13, $0.0e+00;
	v6 =	vadd.f32 v11, v6;
	v11 =	vld [tilespmem:s0+$0x6370]  }
0x15f: {  	v14 =	vld [tilespmem:s17+$0x2300];
	[tilespmem:s0+$0x6300] =	vst v13;
	v12 =	vmax.f32 v12, $0.0e+00;
	v5 =	vadd.f32 v10, v5  }
0x160: {  	v15 =	vld [tilespmem:s17+$0x2310];
	[tilespmem:s0+$0x6310] =	vst v12;
	v10 =	vmax.f32 v6, $0.0e+00;
	v4 =	vadd.f32 v9, v4  }
0x161: {  	v6 =	vld [tilespmem:s17+$0x2320];
	[tilespmem:s0+$0x6320] =	vst v10;
	v9 =	vmax.f32 v5, $0.0e+00;
	v3 =	vadd.f32 v8, v3  }
0x162: {  	v5 =	vld [tilespmem:s17+$0x2330];
	[tilespmem:s0+$0x6330] =	vst v9;
	v8 =	vmax.f32 v4, $0.0e+00;
	v2 =	vadd.f32 v7, v2  }
0x163: {  	v4 =	vld [tilespmem:s17+$0x2340];
	[tilespmem:s0+$0x6340] =	vst v8;
	v7 =	vmax.f32 v3, $0.0e+00;
	v1 =	vadd.f32 v11, v1  }
0x164: {  	v3 =	vld [tilespmem:s17+$0x2350];
	[tilespmem:s0+$0x6350] =	vst v7;
	v7 =	vmax.f32 v2, $0.0e+00  }
0x165: {  	v2 =	vld [tilespmem:s17+$0x2360];
	[tilespmem:s0+$0x6360] =	vst v7;
	v7 =	vmax.f32 v1, $0.0e+00  }
0x166: {  	v1 =	vld [tilespmem:s17+$0x2370];
	[tilespmem:s0+$0x6370] =	vst v7;
	s0 =	smov.u32 s17  }
0x167: {  	v7 =	vld [tilespmem:s0+$0x6300]  }
0x168: {  	v12 =	vld [tilespmem:s0+$0x6310]  }
.Ltmp4:
0x169: {  	v11 =	vld [tilespmem:s0+$0x6320];
	(pc) =	sbr.rel @p0 .LBB2_11-.Ltmp4, $4  }
0x16a: {  	v10 =	vld [tilespmem:s0+$0x6330]  }
0x16b: {  	v9 =	vld [tilespmem:s0+$0x6340]  }
0x16c: {  	v13 =	vadd.f32 v7, v14;
	v8 =	vld [tilespmem:s0+$0x6350]  }
0x16d: {  	s15 =	sadd.s32 $0x200, s15;
	v12 =	vadd.f32 v12, v15;
	v7 =	vld [tilespmem:s0+$0x6360]  }
0x16e: {  	v13 =	vmax.f32 v13, $0.0e+00;
	v6 =	vadd.f32 v11, v6;
	v63 =	vld [tilespmem:s0+$0x6370]  }
0x16f: {  	[tilespmem:s0+$0x6300] =	vst v13;
	v12 =	vmax.f32 v12, $0.0e+00;
	v5 =	vadd.f32 v10, v5  }
0x170: {  	[tilespmem:s0+$0x6310] =	vst v12;
	v6 =	vmax.f32 v6, $0.0e+00;
	v4 =	vadd.f32 v9, v4  }
0x171: {  	[tilespmem:s0+$0x6320] =	vst v6;
	v5 =	vmax.f32 v5, $0.0e+00;
	v3 =	vadd.f32 v8, v3  }
0x172: {  	[tilespmem:s0+$0x6330] =	vst v5;
	v4 =	vmax.f32 v4, $0.0e+00;
	v2 =	vadd.f32 v7, v2  }
0x173: {  	[tilespmem:s0+$0x6340] =	vst v4;
	v3 =	vmax.f32 v3, $0.0e+00;
	v1 =	vadd.f32 v63, v1  }
0x174: {  	[tilespmem:s0+$0x6350] =	vst v3;
	v2 =	vmax.f32 v2, $0.0e+00  }
0x175: {  	[tilespmem:s0+$0x6360] =	vst v2;
	v1 =	vmax.f32 v1, $0.0e+00  }
0x176: {  	s18 =	simm.s32 $0x2;
	[tilespmem:s0+$0x6370] =	vst v1  }
0x177: {  	_ =	swait.ge [sflag:s18], $0x40  }
0x178: {  	[sflag:s18] =	ssyncset.done $0x0  }
0x179: {  	s19 =	simm.s32 $0x2300;
	[sflag:s18] =	ssyncadd.s32 $0xFFFFFFC0  }
0x17a: {  	[tilespmem:s19], [sflag:$0x8] =	stream.indirect.gather [hbm4b:s1+s16], $0x80, s6, s16, $0xb8;
	[tilespmem:$0x1C400] =	vst v63  }
0x17b: {  	_ =	swait.ge [sflag:s30], $0x40  }
0x17c: {  	s28 =	sadd.s32 $0x1, s28;
	[sflag:s30] =	ssyncset.done $0x0  }
0x17d: {  	p0 =	sne.s32 s28, $0x26;
	[sflag:s30] =	ssyncadd.s32 $0xFFFFFFC0  }
0x17e: {  	[spmem:s4] =	stream.indirect.scatter.add.f32 [tilespmem:s20], [sflag:$0xC], $0x80, s8, s16, $0xb8;
	[tilespmem:$0x1C400] =	vst v63  }
.Ltmp5:
0x17f: {  	s24 =	sshll.u32 s5, $0xD;
	(pc) =	sbr.rel @p0 .LBB2_4-.Ltmp5, $4  }
0x180: {  	s0 =	sadd.s32 s23, s24;
	_ =	swait.ge [sflag:s13], $0x2000  }
0x181: {  	s0 =	sshrl.u32 s0, $0x3;
	[sflag:s13] =	ssyncset.done $0x0  }
0x182: {  	s31 =	simm.s32 $0x0;
	s0 =	sadd.s32 s3, s0;
	[sflag:s13] =	ssyncadd.s32 $0xFFFFE000  }
0x183: {  	[tilespmem:s20], [sflag:$0xA] =	stream.linear.gather [hbm4b:s0+s31], $0x2000, $0x38;
	[tilespmem:$0x1C400] =	vst v63  }
0x184: {  	_ =	swait.ge [sflag:s21], $0x2000  }
0x185: {  	[sflag:s21] =	ssyncset.done $0x0  }
0x186: {  	[sflag:s21] =	ssyncadd.s32 $0xFFFFE000  }
0x187: {  	_ =	swait.ge [sflag:s22], $0x2000  }
0x188: {  	[sflag:s22] =	ssyncset.done $0x0  }
0x189: {  	s0 =	simm.s32 $0x0;
	s5 =	rddreg [dreg:$0x16];
	[sflag:s22] =	ssyncadd.s32 $0xFFFFE000  }
0x18a: {  	[tilespmem:s25], [sflag:$0x5] =	stream.linear.gather [hbm4b:s5+s0], $0x40, $0x38;
	[tilespmem:$0x1C400] =	vst v63  }
0x18b: {  	s0 =	simm.s32 $0x0  }
0x18c: {  	v7 =	vld [tilespmem:s0+$0x300]  }
0x18d: {  	v12 =	vld [tilespmem:s0+$0x310]  }
0x18e: {  	v6 =	vld [tilespmem:s0+$0x320]  }
0x18f: {  	v5 =	vld [tilespmem:s0+$0x330]  }
0x190: {  	v4 =	vld [tilespmem:s0+$0x340]  }
0x191: {  	v3 =	vld [tilespmem:s0+$0x350]  }
0x192: {  	v2 =	vld [tilespmem:s0+$0x360]  }
0x193: {  	v1 =	vld [tilespmem:s0+$0x370]  }
0x194: {  	v13 =	vld [tilespmem:s0+$0x4300]  }
0x195: {  	v14 =	vld [tilespmem:s0+$0x4310]  }
0x196: {  	v11 =	vld [tilespmem:s0+$0x4320]  }
0x197: {  	v10 =	vld [tilespmem:s0+$0x4330]  }
0x198: {  	v9 =	vld [tilespmem:s0+$0x4340]  }
0x199: {  	v8 =	vld [tilespmem:s0+$0x4350];
	v13 =	vadd.f32 v13, v7  }
0x19a: {  	s5 =	simm.s32 $0x200;
	v12 =	vadd.f32 v14, v12;
	v7 =	vld [tilespmem:s0+$0x4360]  }
.LBB2_14:
0x19b: {  	s15 =	sshra.s32 s5, $0x2;
	p0 =	sne.s32 s5, $0x7E00;
	v13 =	vmax.f32 v13, $0.0e+00;
	v6 =	vadd.f32 v11, v6;
	v11 =	vld [tilespmem:s0+$0x4370]  }
0x19c: {  	v14 =	vld [tilespmem:s15+$0x300];
	[tilespmem:s0+$0x4300] =	vst v13;
	v12 =	vmax.f32 v12, $0.0e+00;
	v5 =	vadd.f32 v10, v5  }
0x19d: {  	v15 =	vld [tilespmem:s15+$0x310];
	[tilespmem:s0+$0x4310] =	vst v12;
	v10 =	vmax.f32 v6, $0.0e+00;
	v4 =	vadd.f32 v9, v4  }
0x19e: {  	v6 =	vld [tilespmem:s15+$0x320];
	[tilespmem:s0+$0x4320] =	vst v10;
	v9 =	vmax.f32 v5, $0.0e+00;
	v3 =	vadd.f32 v8, v3  }
0x19f: {  	v5 =	vld [tilespmem:s15+$0x330];
	[tilespmem:s0+$0x4330] =	vst v9;
	v8 =	vmax.f32 v4, $0.0e+00;
	v2 =	vadd.f32 v7, v2  }
0x1a0: {  	v4 =	vld [tilespmem:s15+$0x340];
	[tilespmem:s0+$0x4340] =	vst v8;
	v7 =	vmax.f32 v3, $0.0e+00;
	v1 =	vadd.f32 v11, v1  }
0x1a1: {  	v3 =	vld [tilespmem:s15+$0x350];
	[tilespmem:s0+$0x4350] =	vst v7;
	v7 =	vmax.f32 v2, $0.0e+00  }
0x1a2: {  	v2 =	vld [tilespmem:s15+$0x360];
	[tilespmem:s0+$0x4360] =	vst v7;
	v7 =	vmax.f32 v1, $0.0e+00  }
0x1a3: {  	v1 =	vld [tilespmem:s15+$0x370];
	[tilespmem:s0+$0x4370] =	vst v7;
	s0 =	smov.u32 s15  }
0x1a4: {  	v7 =	vld [tilespmem:s0+$0x4300]  }
0x1a5: {  	v12 =	vld [tilespmem:s0+$0x4310]  }
.Ltmp6:
0x1a6: {  	v11 =	vld [tilespmem:s0+$0x4320];
	(pc) =	sbr.rel @p0 .LBB2_14-.Ltmp6, $4  }
0x1a7: {  	v10 =	vld [tilespmem:s0+$0x4330]  }
0x1a8: {  	v9 =	vld [tilespmem:s0+$0x4340]  }
0x1a9: {  	v13 =	vadd.f32 v7, v14;
	v8 =	vld [tilespmem:s0+$0x4350]  }
0x1aa: {  	s5 =	sadd.s32 $0x200, s5;
	v12 =	vadd.f32 v12, v15;
	v7 =	vld [tilespmem:s0+$0x4360]  }
0x1ab: {  	v13 =	vmax.f32 v13, $0.0e+00;
	v6 =	vadd.f32 v11, v6;
	v11 =	vld [tilespmem:s0+$0x4370]  }
0x1ac: {  	[tilespmem:s0+$0x4300] =	vst v13;
	v12 =	vmax.f32 v12, $0.0e+00;
	v5 =	vadd.f32 v10, v5  }
0x1ad: {  	[tilespmem:s0+$0x4310] =	vst v12;
	v6 =	vmax.f32 v6, $0.0e+00;
	v4 =	vadd.f32 v9, v4  }
0x1ae: {  	[tilespmem:s0+$0x4320] =	vst v6;
	v5 =	vmax.f32 v5, $0.0e+00;
	v3 =	vadd.f32 v8, v3  }
0x1af: {  	[tilespmem:s0+$0x4330] =	vst v5;
	v4 =	vmax.f32 v4, $0.0e+00;
	v2 =	vadd.f32 v7, v2  }
0x1b0: {  	[tilespmem:s0+$0x4340] =	vst v4;
	v3 =	vmax.f32 v3, $0.0e+00;
	v1 =	vadd.f32 v11, v1  }
0x1b1: {  	[tilespmem:s0+$0x4350] =	vst v3;
	v2 =	vmax.f32 v2, $0.0e+00  }
0x1b2: {  	[tilespmem:s0+$0x4360] =	vst v2;
	v1 =	vmax.f32 v1, $0.0e+00  }
0x1b3: {  	s17 =	simm.s32 $0x3;
	[tilespmem:s0+$0x4370] =	vst v1  }
0x1b4: {  	_ =	swait.ge [sflag:s17], $0x40  }
0x1b5: {  	[sflag:s17] =	ssyncset.done $0x0  }
0x1b6: {  	s18 =	simm.s32 $0x100;
	s5 =	simm.s32 $0x300;
	[sflag:s17] =	ssyncadd.s32 $0xFFFFFFC0  }
0x1b7: {  	[tilespmem:s5], [sflag:$0x7] =	stream.indirect.gather [hbm4b:s1+s16], $0x80, s18, s16, $0xb8;
	[tilespmem:$0x1C400] =	vst v63  }
0x1b8: {  	_ =	swait.ge [sflag:s10], $0x40  }
0x1b9: {  	[sflag:s10] =	ssyncset.done $0x0  }
0x1ba: {  	[sflag:s10] =	ssyncadd.s32 $0xFFFFFFC0  }
0x1bb: {  	[spmem:s4] =	stream.indirect.scatter.add.f32 [tilespmem:s29], [sflag:$0xB], $0x80, s25, s16, $0xb8;
	[tilespmem:$0x1C400] =	vst v63  }
0x1bc: {  	_ =	swait.ge [sflag:s11], $0x2000  }
0x1bd: {  	[sflag:s11] =	ssyncset.done $0x0  }
0x1be: {  	s19 =	simm.s32 $0x0;
	s24 =	rddreg [dreg:$0x15];
	[sflag:s11] =	ssyncadd.s32 $0xFFFFE000  }
0x1bf: {  	[tilespmem:s29], [sflag:$0x9] =	stream.linear.gather [hbm4b:s24+s19], $0x2000, $0x38;
	[tilespmem:$0x1C400] =	vst v63  }
0x1c0: {  	_ =	swait.ge [sflag:s12], $0x2000  }
0x1c1: {  	[sflag:s12] =	ssyncset.done $0x0  }
0x1c2: {  	[sflag:s12] =	ssyncadd.s32 $0xFFFFE000  }
0x1c3: {  	_ =	swait.ge [sflag:s14], $0x2000  }
0x1c4: {  	[sflag:s14] =	ssyncset.done $0x0  }
0x1c5: {  	s0 =	simm.s32 $0x0;
	s26 =	rddreg [dreg:$0x17];
	[sflag:s14] =	ssyncadd.s32 $0xFFFFE000  }
0x1c6: {  	[tilespmem:s8], [sflag:$0x6] =	stream.linear.gather [hbm4b:s26+s19], $0x40, $0x38;
	[tilespmem:$0x1C400] =	vst v63  }
0x1c7: {  	v7 =	vld [tilespmem:s0+$0x2300]  }
0x1c8: {  	v12 =	vld [tilespmem:s0+$0x2310]  }
0x1c9: {  	v6 =	vld [tilespmem:s0+$0x2320]  }
0x1ca: {  	v5 =	vld [tilespmem:s0+$0x2330]  }
0x1cb: {  	v4 =	vld [tilespmem:s0+$0x2340]  }
0x1cc: {  	v3 =	vld [tilespmem:s0+$0x2350]  }
0x1cd: {  	v2 =	vld [tilespmem:s0+$0x2360]  }
0x1ce: {  	v1 =	vld [tilespmem:s0+$0x2370]  }
0x1cf: {  	v13 =	vld [tilespmem:s0+$0x6300]  }
0x1d0: {  	v14 =	vld [tilespmem:s0+$0x6310]  }
0x1d1: {  	s17 =	rddreg [dreg:$0x6];
	v11 =	vld [tilespmem:s0+$0x6320]  }
0x1d2: {  	s18 =	rddreg [dreg:$0x7];
	v10 =	vld [tilespmem:s0+$0x6330]  }
0x1d3: {  	s24 =	rddreg [dreg:$0x9];
	v9 =	vld [tilespmem:s0+$0x6340]  }
0x1d4: {  	s28 =	simm.s32 $0xD;
	s19 =	rddreg [dreg:$0x8];
	v8 =	vld [tilespmem:s0+$0x6350];
	v13 =	vadd.f32 v13, v7  }
0x1d5: {  	s31 =	simm.s32 $0x8380;
	s5 =	simm.s32 $0x200;
	s26 =	rddreg [dreg:$0xb];
	v12 =	vadd.f32 v14, v12;
	v7 =	vld [tilespmem:s0+$0x6360]  }
.LBB2_16:
0x1d6: {  	s15 =	sshra.s32 s5, $0x2;
	p0 =	sne.s32 s5, $0x7E00;
	v13 =	vmax.f32 v13, $0.0e+00;
	v6 =	vadd.f32 v11, v6;
	v11 =	vld [tilespmem:s0+$0x6370]  }
0x1d7: {  	v14 =	vld [tilespmem:s15+$0x2300];
	[tilespmem:s0+$0x6300] =	vst v13;
	v12 =	vmax.f32 v12, $0.0e+00;
	v5 =	vadd.f32 v10, v5  }
0x1d8: {  	v15 =	vld [tilespmem:s15+$0x2310];
	[tilespmem:s0+$0x6310] =	vst v12;
	v10 =	vmax.f32 v6, $0.0e+00;
	v4 =	vadd.f32 v9, v4  }
0x1d9: {  	v6 =	vld [tilespmem:s15+$0x2320];
	[tilespmem:s0+$0x6320] =	vst v10;
	v9 =	vmax.f32 v5, $0.0e+00;
	v3 =	vadd.f32 v8, v3  }
0x1da: {  	v5 =	vld [tilespmem:s15+$0x2330];
	[tilespmem:s0+$0x6330] =	vst v9;
	v8 =	vmax.f32 v4, $0.0e+00;
	v2 =	vadd.f32 v7, v2  }
0x1db: {  	v4 =	vld [tilespmem:s15+$0x2340];
	[tilespmem:s0+$0x6340] =	vst v8;
	v7 =	vmax.f32 v3, $0.0e+00;
	v1 =	vadd.f32 v11, v1  }
0x1dc: {  	v3 =	vld [tilespmem:s15+$0x2350];
	[tilespmem:s0+$0x6350] =	vst v7;
	v7 =	vmax.f32 v2, $0.0e+00  }
0x1dd: {  	v2 =	vld [tilespmem:s15+$0x2360];
	[tilespmem:s0+$0x6360] =	vst v7;
	v7 =	vmax.f32 v1, $0.0e+00  }
0x1de: {  	v1 =	vld [tilespmem:s15+$0x2370];
	[tilespmem:s0+$0x6370] =	vst v7;
	s0 =	smov.u32 s15  }
0x1df: {  	v7 =	vld [tilespmem:s0+$0x6300]  }
0x1e0: {  	v12 =	vld [tilespmem:s0+$0x6310]  }
.Ltmp7:
0x1e1: {  	v11 =	vld [tilespmem:s0+$0x6320];
	(pc) =	sbr.rel @p0 .LBB2_16-.Ltmp7, $4  }
0x1e2: {  	v10 =	vld [tilespmem:s0+$0x6330]  }
0x1e3: {  	v9 =	vld [tilespmem:s0+$0x6340]  }
0x1e4: {  	v13 =	vadd.f32 v7, v14;
	v8 =	vld [tilespmem:s0+$0x6350]  }
0x1e5: {  	s5 =	sadd.s32 $0x200, s5;
	v12 =	vadd.f32 v12, v15;
	v7 =	vld [tilespmem:s0+$0x6360]  }
0x1e6: {  	v13 =	vmax.f32 v13, $0.0e+00;
	v6 =	vadd.f32 v11, v6;
	v11 =	vld [tilespmem:s0+$0x6370]  }
0x1e7: {  	[tilespmem:s0+$0x6300] =	vst v13;
	v12 =	vmax.f32 v12, $0.0e+00;
	v5 =	vadd.f32 v10, v5  }
0x1e8: {  	[tilespmem:s0+$0x6310] =	vst v12;
	v6 =	vmax.f32 v6, $0.0e+00;
	v4 =	vadd.f32 v9, v4  }
0x1e9: {  	[tilespmem:s0+$0x6320] =	vst v6;
	v5 =	vmax.f32 v5, $0.0e+00;
	v3 =	vadd.f32 v8, v3  }
0x1ea: {  	[tilespmem:s0+$0x6330] =	vst v5;
	v4 =	vmax.f32 v4, $0.0e+00;
	v2 =	vadd.f32 v7, v2  }
0x1eb: {  	[tilespmem:s0+$0x6340] =	vst v4;
	v3 =	vmax.f32 v3, $0.0e+00;
	v1 =	vadd.f32 v11, v1  }
0x1ec: {  	[tilespmem:s0+$0x6350] =	vst v3;
	v2 =	vmax.f32 v2, $0.0e+00  }
0x1ed: {  	[tilespmem:s0+$0x6360] =	vst v2;
	v1 =	vmax.f32 v1, $0.0e+00  }
0x1ee: {  	s6 =	simm.s32 $0x4;
	[tilespmem:s0+$0x6370] =	vst v1  }
0x1ef: {  	_ =	swait.ge [sflag:s6], $0x40  }
0x1f0: {  	[sflag:s6] =	ssyncset.done $0x0  }
0x1f1: {  	s15 =	simm.s32 $0x180;
	s5 =	simm.s32 $0x2300;
	[sflag:s6] =	ssyncadd.s32 $0xFFFFFFC0  }
0x1f2: {  	[tilespmem:s5], [sflag:$0x8] =	stream.indirect.gather [hbm4b:s1+s16], $0x80, s15, s16, $0xb8;
	[tilespmem:$0x1C400] =	vst v63  }
0x1f3: {  	_ =	swait.ge [sflag:s30], $0x40  }
0x1f4: {  	[sflag:s30] =	ssyncset.done $0x0  }
0x1f5: {  	[sflag:s30] =	ssyncadd.s32 $0xFFFFFFC0  }
0x1f6: {  	[spmem:s4] =	stream.indirect.scatter.add.f32 [tilespmem:s20], [sflag:$0xC], $0x80, s8, s16, $0xb8;
	[tilespmem:$0x1C400] =	vst v63  }
0x1f7: {  	_ =	swait.ge [sflag:s13], $0x2000  }
0x1f8: {  	[sflag:s13] =	ssyncset.done $0x0  }
0x1f9: {  	s0 =	simm.s32 $0x0;
	s6 =	rddreg [dreg:$0x18];
	[sflag:s13] =	ssyncadd.s32 $0xFFFFE000  }
0x1fa: {  	[tilespmem:s20], [sflag:$0xA] =	stream.linear.gather [hbm4b:s6+s0], $0x2000, $0x38;
	[tilespmem:$0x1C400] =	vst v63  }
0x1fb: {  	_ =	swait.ge [sflag:s21], $0x2000  }
0x1fc: {  	[sflag:s21] =	ssyncset.done $0x0  }
0x1fd: {  	[sflag:s21] =	ssyncadd.s32 $0xFFFFE000  }
0x1fe: {  	_ =	swait.ge [sflag:s22], $0x2000  }
0x1ff: {  	[sflag:s22] =	ssyncset.done $0x0  }
0x200: {  	s15 =	rddreg [dreg:$0x19];
	[sflag:s22] =	ssyncadd.s32 $0xFFFFE000  }
0x201: {  	[tilespmem:s25], [sflag:$0x5] =	stream.linear.gather [hbm4b:s15+s0], $0x40, $0x38;
	[tilespmem:$0x1C400] =	vst v63  }
0x202: {  	s0 =	simm.s32 $0x0  }
0x203: {  	v7 =	vld [tilespmem:s0+$0x300]  }
0x204: {  	v12 =	vld [tilespmem:s0+$0x310]  }
0x205: {  	v6 =	vld [tilespmem:s0+$0x320]  }
0x206: {  	v5 =	vld [tilespmem:s0+$0x330]  }
0x207: {  	v4 =	vld [tilespmem:s0+$0x340]  }
0x208: {  	v3 =	vld [tilespmem:s0+$0x350]  }
0x209: {  	v2 =	vld [tilespmem:s0+$0x360]  }
0x20a: {  	v1 =	vld [tilespmem:s0+$0x370]  }
0x20b: {  	v13 =	vld [tilespmem:s0+$0x4300]  }
0x20c: {  	v14 =	vld [tilespmem:s0+$0x4310]  }
0x20d: {  	v11 =	vld [tilespmem:s0+$0x4320]  }
0x20e: {  	v10 =	vld [tilespmem:s0+$0x4330]  }
0x20f: {  	v9 =	vld [tilespmem:s0+$0x4340]  }
0x210: {  	v8 =	vld [tilespmem:s0+$0x4350];
	v13 =	vadd.f32 v13, v7  }
0x211: {  	s5 =	simm.s32 $0x200;
	v12 =	vadd.f32 v14, v12;
	v7 =	vld [tilespmem:s0+$0x4360]  }
.LBB2_18:
0x212: {  	s15 =	sshra.s32 s5, $0x2;
	p0 =	sne.s32 s5, $0x7E00;
	v13 =	vmax.f32 v13, $0.0e+00;
	v6 =	vadd.f32 v11, v6;
	v11 =	vld [tilespmem:s0+$0x4370]  }
0x213: {  	v14 =	vld [tilespmem:s15+$0x300];
	[tilespmem:s0+$0x4300] =	vst v13;
	v12 =	vmax.f32 v12, $0.0e+00;
	v5 =	vadd.f32 v10, v5  }
0x214: {  	v15 =	vld [tilespmem:s15+$0x310];
	[tilespmem:s0+$0x4310] =	vst v12;
	v10 =	vmax.f32 v6, $0.0e+00;
	v4 =	vadd.f32 v9, v4  }
0x215: {  	v6 =	vld [tilespmem:s15+$0x320];
	[tilespmem:s0+$0x4320] =	vst v10;
	v9 =	vmax.f32 v5, $0.0e+00;
	v3 =	vadd.f32 v8, v3  }
0x216: {  	v5 =	vld [tilespmem:s15+$0x330];
	[tilespmem:s0+$0x4330] =	vst v9;
	v8 =	vmax.f32 v4, $0.0e+00;
	v2 =	vadd.f32 v7, v2  }
0x217: {  	v4 =	vld [tilespmem:s15+$0x340];
	[tilespmem:s0+$0x4340] =	vst v8;
	v7 =	vmax.f32 v3, $0.0e+00;
	v1 =	vadd.f32 v11, v1  }
0x218: {  	v3 =	vld [tilespmem:s15+$0x350];
	[tilespmem:s0+$0x4350] =	vst v7;
	v7 =	vmax.f32 v2, $0.0e+00  }
0x219: {  	v2 =	vld [tilespmem:s15+$0x360];
	[tilespmem:s0+$0x4360] =	vst v7;
	v7 =	vmax.f32 v1, $0.0e+00  }
0x21a: {  	v1 =	vld [tilespmem:s15+$0x370];
	[tilespmem:s0+$0x4370] =	vst v7;
	s0 =	smov.u32 s15  }
0x21b: {  	v7 =	vld [tilespmem:s0+$0x4300]  }
0x21c: {  	v12 =	vld [tilespmem:s0+$0x4310]  }
.Ltmp8:
0x21d: {  	v11 =	vld [tilespmem:s0+$0x4320];
	(pc) =	sbr.rel @p0 .LBB2_18-.Ltmp8, $4  }
0x21e: {  	v10 =	vld [tilespmem:s0+$0x4330]  }
0x21f: {  	v9 =	vld [tilespmem:s0+$0x4340]  }
0x220: {  	v13 =	vadd.f32 v7, v14;
	v8 =	vld [tilespmem:s0+$0x4350]  }
0x221: {  	s5 =	sadd.s32 $0x200, s5;
	v12 =	vadd.f32 v12, v15;
	v7 =	vld [tilespmem:s0+$0x4360]  }
0x222: {  	v13 =	vmax.f32 v13, $0.0e+00;
	v6 =	vadd.f32 v11, v6;
	v11 =	vld [tilespmem:s0+$0x4370]  }
0x223: {  	[tilespmem:s0+$0x4300] =	vst v13;
	v12 =	vmax.f32 v12, $0.0e+00;
	v5 =	vadd.f32 v10, v5  }
0x224: {  	[tilespmem:s0+$0x4310] =	vst v12;
	v6 =	vmax.f32 v6, $0.0e+00;
	v4 =	vadd.f32 v9, v4  }
0x225: {  	[tilespmem:s0+$0x4320] =	vst v6;
	v5 =	vmax.f32 v5, $0.0e+00;
	v3 =	vadd.f32 v8, v3  }
0x226: {  	[tilespmem:s0+$0x4330] =	vst v5;
	v4 =	vmax.f32 v4, $0.0e+00;
	v2 =	vadd.f32 v7, v2  }
0x227: {  	[tilespmem:s0+$0x4340] =	vst v4;
	v3 =	vmax.f32 v3, $0.0e+00;
	v1 =	vadd.f32 v11, v1  }
0x228: {  	[tilespmem:s0+$0x4350] =	vst v3;
	v2 =	vmax.f32 v2, $0.0e+00  }
0x229: {  	[tilespmem:s0+$0x4360] =	vst v2;
	v1 =	vmax.f32 v1, $0.0e+00  }
0x22a: {  	[tilespmem:s0+$0x4370] =	vst v1  }
0x22b: {  	_ =	swait.ge [sflag:s10], $0x40  }
0x22c: {  	[sflag:s10] =	ssyncset.done $0x0  }
0x22d: {  	[sflag:s10] =	ssyncadd.s32 $0xFFFFFFC0  }
0x22e: {  	[spmem:s4] =	stream.indirect.scatter.add.f32 [tilespmem:s29], [sflag:$0xB], $0x80, s25, s16, $0xb8;
	[tilespmem:$0x1C400] =	vst v63  }
0x22f: {  	_ =	swait.ge [sflag:s11], $0x2000  }
0x230: {  	[sflag:s11] =	ssyncset.done $0x0  }
0x231: {  	[sflag:s11] =	ssyncadd.s32 $0xFFFFE000  }
0x232: {  	_ =	swait.ge [sflag:s12], $0x2000  }
0x233: {  	[sflag:s12] =	ssyncset.done $0x0  }
0x234: {  	[sflag:s12] =	ssyncadd.s32 $0xFFFFE000  }
0x235: {  	_ =	swait.ge [sflag:s14], $0x2000  }
0x236: {  	s15 =	simm.s32 $0x0;
	[sflag:s14] =	ssyncset.done $0x0  }
0x237: {  	s0 =	simm.s32 $0x0;
	s5 =	rddreg [dreg:$0x1a];
	[sflag:s14] =	ssyncadd.s32 $0xFFFFE000  }
0x238: {  	[tilespmem:s8], [sflag:$0x6] =	stream.linear.gather [hbm4b:s5+s15], $0x40, $0x38;
	[tilespmem:$0x1C400] =	vst v63  }
0x239: {  	v7 =	vld [tilespmem:s0+$0x2300]  }
0x23a: {  	v12 =	vld [tilespmem:s0+$0x2310]  }
0x23b: {  	v6 =	vld [tilespmem:s0+$0x2320]  }
0x23c: {  	v5 =	vld [tilespmem:s0+$0x2330]  }
0x23d: {  	v4 =	vld [tilespmem:s0+$0x2340]  }
0x23e: {  	v3 =	vld [tilespmem:s0+$0x2350]  }
0x23f: {  	v2 =	vld [tilespmem:s0+$0x2360]  }
0x240: {  	v1 =	vld [tilespmem:s0+$0x2370]  }
0x241: {  	v13 =	vld [tilespmem:s0+$0x6300]  }
0x242: {  	v14 =	vld [tilespmem:s0+$0x6310]  }
0x243: {  	v11 =	vld [tilespmem:s0+$0x6320]  }
0x244: {  	v10 =	vld [tilespmem:s0+$0x6330]  }
0x245: {  	v9 =	vld [tilespmem:s0+$0x6340]  }
0x246: {  	v8 =	vld [tilespmem:s0+$0x6350];
	v13 =	vadd.f32 v13, v7  }
0x247: {  	s5 =	simm.s32 $0x200;
	v12 =	vadd.f32 v14, v12;
	v7 =	vld [tilespmem:s0+$0x6360]  }
.LBB2_20:
0x248: {  	s15 =	sshra.s32 s5, $0x2;
	p0 =	sne.s32 s5, $0x7E00;
	v13 =	vmax.f32 v13, $0.0e+00;
	v6 =	vadd.f32 v11, v6;
	v11 =	vld [tilespmem:s0+$0x6370]  }
0x249: {  	v14 =	vld [tilespmem:s15+$0x2300];
	[tilespmem:s0+$0x6300] =	vst v13;
	v12 =	vmax.f32 v12, $0.0e+00;
	v5 =	vadd.f32 v10, v5  }
0x24a: {  	v15 =	vld [tilespmem:s15+$0x2310];
	[tilespmem:s0+$0x6310] =	vst v12;
	v10 =	vmax.f32 v6, $0.0e+00;
	v4 =	vadd.f32 v9, v4  }
0x24b: {  	v6 =	vld [tilespmem:s15+$0x2320];
	[tilespmem:s0+$0x6320] =	vst v10;
	v9 =	vmax.f32 v5, $0.0e+00;
	v3 =	vadd.f32 v8, v3  }
0x24c: {  	v5 =	vld [tilespmem:s15+$0x2330];
	[tilespmem:s0+$0x6330] =	vst v9;
	v8 =	vmax.f32 v4, $0.0e+00;
	v2 =	vadd.f32 v7, v2  }
0x24d: {  	v4 =	vld [tilespmem:s15+$0x2340];
	[tilespmem:s0+$0x6340] =	vst v8;
	v7 =	vmax.f32 v3, $0.0e+00;
	v1 =	vadd.f32 v11, v1  }
0x24e: {  	v3 =	vld [tilespmem:s15+$0x2350];
	[tilespmem:s0+$0x6350] =	vst v7;
	v7 =	vmax.f32 v2, $0.0e+00  }
0x24f: {  	v2 =	vld [tilespmem:s15+$0x2360];
	[tilespmem:s0+$0x6360] =	vst v7;
	v7 =	vmax.f32 v1, $0.0e+00  }
0x250: {  	v1 =	vld [tilespmem:s15+$0x2370];
	[tilespmem:s0+$0x6370] =	vst v7;
	s0 =	smov.u32 s15  }
0x251: {  	v7 =	vld [tilespmem:s0+$0x6300]  }
0x252: {  	v12 =	vld [tilespmem:s0+$0x6310]  }
.Ltmp9:
0x253: {  	v11 =	vld [tilespmem:s0+$0x6320];
	(pc) =	sbr.rel @p0 .LBB2_20-.Ltmp9, $4  }
0x254: {  	v10 =	vld [tilespmem:s0+$0x6330]  }
0x255: {  	v9 =	vld [tilespmem:s0+$0x6340]  }
0x256: {  	v13 =	vadd.f32 v7, v14;
	v8 =	vld [tilespmem:s0+$0x6350]  }
0x257: {  	s5 =	sadd.s32 $0x200, s5;
	v12 =	vadd.f32 v12, v15;
	v7 =	vld [tilespmem:s0+$0x6360]  }
0x258: {  	v13 =	vmax.f32 v13, $0.0e+00;
	v6 =	vadd.f32 v11, v6;
	v11 =	vld [tilespmem:s0+$0x6370]  }
0x259: {  	[tilespmem:s0+$0x6300] =	vst v13;
	v12 =	vmax.f32 v12, $0.0e+00;
	v5 =	vadd.f32 v10, v5  }
0x25a: {  	[tilespmem:s0+$0x6310] =	vst v12;
	v6 =	vmax.f32 v6, $0.0e+00;
	v4 =	vadd.f32 v9, v4  }
0x25b: {  	[tilespmem:s0+$0x6320] =	vst v6;
	v5 =	vmax.f32 v5, $0.0e+00;
	v3 =	vadd.f32 v8, v3  }
0x25c: {  	[tilespmem:s0+$0x6330] =	vst v5;
	v4 =	vmax.f32 v4, $0.0e+00;
	v2 =	vadd.f32 v7, v2  }
0x25d: {  	[tilespmem:s0+$0x6340] =	vst v4;
	v3 =	vmax.f32 v3, $0.0e+00;
	v1 =	vadd.f32 v11, v1  }
0x25e: {  	[tilespmem:s0+$0x6350] =	vst v3;
	v2 =	vmax.f32 v2, $0.0e+00  }
0x25f: {  	[tilespmem:s0+$0x6360] =	vst v2;
	v1 =	vmax.f32 v1, $0.0e+00  }
0x260: {  	[tilespmem:s0+$0x6370] =	vst v1  }
0x261: {  	_ =	swait.ge [sflag:s30], $0x40  }
0x262: {  	[sflag:s30] =	ssyncset.done $0x0  }
0x263: {  	[sflag:s30] =	ssyncadd.s32 $0xFFFFFFC0  }
0x264: {  	[spmem:s4] =	stream.indirect.scatter.add.f32 [tilespmem:s20], [sflag:$0xC], $0x80, s8, s16, $0xb8;
	[tilespmem:$0x1C400] =	vst v63  }
0x265: {  	_ =	swait.ge [sflag:s13], $0x2000  }
0x266: {  	s6 =	simm.s32 $0x8300;
	[sflag:s13] =	ssyncset.done $0x0  }
0x267: {  	s0 =	simm.s32 $0x0;
	s5 =	rddreg [dreg:$0x1b];
	[sflag:s13] =	ssyncadd.s32 $0xFFFFE000  }
0x268: {  	[tilespmem:s6], [sflag:$0xD] =	stream.linear.gather [hbm4b:s5+s0], $0x10, $0x38;
	[tilespmem:$0x1C400] =	vst v63  }
0x269: {  	_ =	swait.ge [sflag:s28], $0x10  }
0x26a: {  	[sflag:s28] =	ssyncset.done $0x0  }
0x26b: {  	s15 =	rddreg [dreg:$0x1c];
	[sflag:s28] =	ssyncadd.s32 $0xFFFFFFF0  }
0x26c: {  	[tilespmem:s31], [sflag:$0xD] =	stream.linear.gather [hbm4b:s15+s0], $0x10, $0x38;
	[tilespmem:$0x1C400] =	vst v63  }
0x26d: {  	_ =	swait.ge [sflag:s28], $0x10  }
0x26e: {  	[sflag:s28] =	ssyncset.done $0x0  }
0x26f: {  	s5 =	simm.s32 $0x300;
	s15 =	simm.s32 $0x10;
	[sflag:s28] =	ssyncadd.s32 $0xFFFFFFF0  }
0x270: {  	[tilespmem:s5], [sflag:$0x7] =	stream.indirect.gather [hbm4b:s1+s15], $0x80, s6, s15, $0xb8;
	[tilespmem:$0x1C400] =	vst v63  }
0x271: {  	_ =	swait.ge [sflag:s21], $0x800  }
0x272: {  	[sflag:s21] =	ssyncset.done $0x0  }
0x273: {  	s15 =	rddreg [dreg:$0x1d];
	[sflag:s21] =	ssyncadd.s32 $0xFFFFF800  }
0x274: {  	[tilespmem:s29], [sflag:$0xD] =	stream.linear.gather [hbm4b:s15+s0], $0x800, $0x38;
	[tilespmem:$0x1C400] =	vst v63  }
0x275: {  	_ =	swait.ge [sflag:s28], $0x800  }
0x276: {  	[sflag:s28] =	ssyncset.done $0x0  }
0x277: {  	s0 =	simm.s32 $0x0;
	[sflag:s28] =	ssyncadd.s32 $0xFFFFF800  }
0x278: {  	v7 =	vld [tilespmem:s0+$0x300]  }
0x279: {  	v12 =	vld [tilespmem:s0+$0x310]  }
0x27a: {  	v6 =	vld [tilespmem:s0+$0x320]  }
0x27b: {  	v5 =	vld [tilespmem:s0+$0x330]  }
0x27c: {  	v4 =	vld [tilespmem:s0+$0x340]  }
0x27d: {  	v3 =	vld [tilespmem:s0+$0x350]  }
0x27e: {  	v2 =	vld [tilespmem:s0+$0x360]  }
0x27f: {  	v1 =	vld [tilespmem:s0+$0x370]  }
0x280: {  	v13 =	vld [tilespmem:s0+$0x4300]  }
0x281: {  	v14 =	vld [tilespmem:s0+$0x4310]  }
0x282: {  	v11 =	vld [tilespmem:s0+$0x4320]  }
0x283: {  	v10 =	vld [tilespmem:s0+$0x4330]  }
0x284: {  	v9 =	vld [tilespmem:s0+$0x4340]  }
0x285: {  	v8 =	vld [tilespmem:s0+$0x4350];
	v13 =	vadd.f32 v13, v7  }
0x286: {  	s6 =	simm.s32 $0x10;
	s5 =	simm.s32 $0x200;
	v12 =	vadd.f32 v14, v12;
	v7 =	vld [tilespmem:s0+$0x4360]  }
.LBB2_22:
0x287: {  	s15 =	sshra.s32 s5, $0x2;
	p0 =	sne.s32 s5, $0x1E00;
	v13 =	vmax.f32 v13, $0.0e+00;
	v6 =	vadd.f32 v11, v6;
	v11 =	vld [tilespmem:s0+$0x4370]  }
0x288: {  	v14 =	vld [tilespmem:s15+$0x300];
	[tilespmem:s0+$0x4300] =	vst v13;
	v12 =	vmax.f32 v12, $0.0e+00;
	v5 =	vadd.f32 v10, v5  }
0x289: {  	v15 =	vld [tilespmem:s15+$0x310];
	[tilespmem:s0+$0x4310] =	vst v12;
	v10 =	vmax.f32 v6, $0.0e+00;
	v4 =	vadd.f32 v9, v4  }
0x28a: {  	v6 =	vld [tilespmem:s15+$0x320];
	[tilespmem:s0+$0x4320] =	vst v10;
	v9 =	vmax.f32 v5, $0.0e+00;
	v3 =	vadd.f32 v8, v3  }
0x28b: {  	v5 =	vld [tilespmem:s15+$0x330];
	[tilespmem:s0+$0x4330] =	vst v9;
	v8 =	vmax.f32 v4, $0.0e+00;
	v2 =	vadd.f32 v7, v2  }
0x28c: {  	v4 =	vld [tilespmem:s15+$0x340];
	[tilespmem:s0+$0x4340] =	vst v8;
	v7 =	vmax.f32 v3, $0.0e+00;
	v1 =	vadd.f32 v11, v1  }
0x28d: {  	v3 =	vld [tilespmem:s15+$0x350];
	[tilespmem:s0+$0x4350] =	vst v7;
	v7 =	vmax.f32 v2, $0.0e+00  }
0x28e: {  	v2 =	vld [tilespmem:s15+$0x360];
	[tilespmem:s0+$0x4360] =	vst v7;
	v7 =	vmax.f32 v1, $0.0e+00  }
0x28f: {  	v1 =	vld [tilespmem:s15+$0x370];
	[tilespmem:s0+$0x4370] =	vst v7;
	s0 =	smov.u32 s15  }
0x290: {  	v7 =	vld [tilespmem:s0+$0x4300]  }
0x291: {  	v12 =	vld [tilespmem:s0+$0x4310]  }
.Ltmp10:
0x292: {  	v11 =	vld [tilespmem:s0+$0x4320];
	(pc) =	sbr.rel @p0 .LBB2_22-.Ltmp10, $4  }
0x293: {  	v10 =	vld [tilespmem:s0+$0x4330]  }
0x294: {  	v9 =	vld [tilespmem:s0+$0x4340]  }
0x295: {  	v13 =	vadd.f32 v7, v14;
	v8 =	vld [tilespmem:s0+$0x4350]  }
0x296: {  	s5 =	sadd.s32 $0x200, s5;
	v12 =	vadd.f32 v12, v15;
	v7 =	vld [tilespmem:s0+$0x4360]  }
0x297: {  	v13 =	vmax.f32 v13, $0.0e+00;
	v6 =	vadd.f32 v11, v6;
	v63 =	vld [tilespmem:s0+$0x4370]  }
0x298: {  	[tilespmem:s0+$0x4300] =	vst v13;
	v12 =	vmax.f32 v12, $0.0e+00;
	v5 =	vadd.f32 v10, v5  }
0x299: {  	[tilespmem:s0+$0x4310] =	vst v12;
	v6 =	vmax.f32 v6, $0.0e+00;
	v4 =	vadd.f32 v9, v4  }
0x29a: {  	[tilespmem:s0+$0x4320] =	vst v6;
	v5 =	vmax.f32 v5, $0.0e+00;
	v3 =	vadd.f32 v8, v3  }
0x29b: {  	[tilespmem:s0+$0x4330] =	vst v5;
	v4 =	vmax.f32 v4, $0.0e+00;
	v2 =	vadd.f32 v7, v2  }
0x29c: {  	[tilespmem:s0+$0x4340] =	vst v4;
	v3 =	vmax.f32 v3, $0.0e+00;
	v1 =	vadd.f32 v63, v1  }
0x29d: {  	[tilespmem:s0+$0x4350] =	vst v3;
	v2 =	vmax.f32 v2, $0.0e+00  }
0x29e: {  	[tilespmem:s0+$0x4360] =	vst v2;
	v1 =	vmax.f32 v1, $0.0e+00  }
0x29f: {  	[tilespmem:s0+$0x4370] =	vst v1  }
0x2a0: {  	[spmem:s4] =	stream.indirect.scatter.add.f32 [tilespmem:s29], [sflag:$0xD], $0x80, s31, s6, $0xb8;
	[tilespmem:$0x1C400] =	vst v63  }
0x2a1: {  	_ =	swait.ge [sflag:s28], $0x800  }
0x2a2: {  	[sflag:s28] =	ssyncset.done $0x0  }
0x2a3: {  	s15 =	stileid.u32;
	[sflag:s28] =	ssyncadd.s32 $0xFFFFF800  }
0x2a4: {  	s0 =	sshll.u32 s15, $0x6;
	[bflag:$0x0] =	sbarrier.arrive $0xFFFF  }
0x2a5: {  	s5 =	sshrl.u32 s17, $0x3;
	s0 =	sor.u32 $0x1C0D, s0;
	s15 =	rddreg [dreg:$0xd]  }
0x2a6: {  	[hbm:s15], [sflag:s0] =	dma.local [spmem:s5], $0x800  }
0x2a7: {  	_ =	swait.ge [sflag:s28], $0x800  }
0x2a8: {  	[sflag:s28] =	ssyncset.done $0x0  }
0x2a9: {  	s31 =	sshrl.u32 s18, $0x3;
	s6 =	rddreg [dreg:$0xe];
	[sflag:s28] =	ssyncadd.s32 $0xFFFFF800  }
0x2aa: {  	[hbm:s6], [sflag:s0] =	dma.local [spmem:s31], $0x800  }
0x2ab: {  	_ =	swait.ge [sflag:s28], $0x800  }
0x2ac: {  	[sflag:s28] =	ssyncset.done $0x0  }
0x2ad: {  	s31 =	sshrl.u32 s19, $0x3;
	s6 =	rddreg [dreg:$0xf];
	[sflag:s28] =	ssyncadd.s32 $0xFFFFF800  }
0x2ae: {  	[hbm:s6], [sflag:s0] =	dma.local [spmem:s31], $0x800  }
0x2af: {  	_ =	swait.ge [sflag:s28], $0x800  }
0x2b0: {  	[sflag:s28] =	ssyncset.done $0x0  }
0x2b1: {  	s31 =	sshrl.u32 s24, $0x3;
	s6 =	rddreg [dreg:$0x10];
	[sflag:s28] =	ssyncadd.s32 $0xFFFFF800  }
0x2b2: {  	[hbm:s6], [sflag:s0] =	dma.local [spmem:s31], $0x800  }
0x2b3: {  	_ =	swait.ge [sflag:s28], $0x800  }
0x2b4: {  	[sflag:s28] =	ssyncset.done $0x0  }
0x2b5: {  	s31 =	sshrl.u32 s26, $0x3;
	s6 =	rddreg [dreg:$0x11];
	[sflag:s28] =	ssyncadd.s32 $0xFFFFF800  }
0x2b6: {  	[hbm:s6], [sflag:s0] =	dma.local [spmem:s31], $0x800  }
0x2b7: {  	_ =	swait.ge [sflag:s28], $0x800  }
0x2b8: {  	s15 =	sld [smem:$0x7F5];
	_ =	sdelay $0x2  }
0x2b9: {  	s31 =	rddreg [dreg:$0x1e];
	s5 =	sadd.s32 $0x1, s15  }
0x2ba: {  	p0 =	sne.s32 s5, s31  }
.Ltmp11:
0x2bb: {  	_ = 	snop;
	(pc) =	sbr.rel @p0 .LBB2_1-.Ltmp11, $3  }
0x2bc: {  	_ =	sdelay $0x1  }
0x2bd: {  	[sflag:s28] =	ssyncset.done $0x0  }
0x2be: {  	[sflag:s28] =	ssyncadd.s32 $0xFFFFF800  }
0x2bf: {  	_ =	sfence.sel $0x180000  }
0x2c0: {  	[bflag:$0x0] =	sbarrier.arrive $0xFFFF  }
0x2c1: {  	_ =	strace $0x90000047  }
0x2c2: {  	s0 =	stileid.u32;
	[bflag:$0x2] =	sbarrier.arrive $0xFFFF  }
0x2c3: {  	p0 =	sne.s32 s0, $0x0;
	s0 =	rddreg [dreg:$0x5]  }
0x2c4: {  	s0 =	sadd.s32 @!p0 $0x100000, s0  }
0x2c5: {  	[sflag:s0] =	ssyncadd.tile.s32 @!p0 $0x1;
	_ =	shalt  }
.Lfunc_end2:
_tile_overlayer_lowered:
.L_overlay_start_2:
0x2c6: {  	(tag) =	ssettag $0x2  }
0x2c7: {  	s0 =	rddreg [dreg:$0x0];
	s2 =	stileid.u32  }
0x2c8: {  	s1 =	rddreg [dreg:$0x1];
	p0 =	sne.s32 s2, $0x0  }
0x2c9: {  	s3 =	rddreg [dreg:$0x2];
	[bflag:$0x3] =	sbarrier.arrive $0xFFFF;
	s2 =	simm.s32 @!p0 $0x1C0D  }
0x2ca: {  	[timem:s3], [sflag:s2] =	dma.local @!p0 [hbm:s0], s1  }
0x2cb: {  	s0 =	simm.s32 @!p0 $0xD  }
0x2cc: {  	_ =	swait.ge @!p0 [sflag:s0], s1  }
0x2cd: {  	s1 =	ssub.s32 @!p0 $0x0, s1;
	[sflag:s0] =	ssyncset.done @!p0 $0x0  }
0x2ce: {  	[sflag:s0] =	ssyncadd.s32 @!p0 s1  }
0x2cf: {  	[bflag:$0x3] =	sbarrier.arrive $0xFFFF  }
0x2d0: {  	_ =	shalt  }

</sc_bundles>
